<compile_context>
chip_gen: v7x
topology: tpu7x:2x2x1
jax: 0.10.2.dev20260603
libtpu: 0.0.44.dev20260713+nightly
codegen_flags: <defaults>
</compile_context>

<pallas_src>
import functools

import jax
import jax.numpy as jnp
from jax import lax
from jax.experimental import pallas as pl
from jax.experimental.pallas import tpu as pltpu
import jax.experimental.pallas.tpu_sc as plsc

_NC_SC = 2
_NS = 16
_CHUNK = 80


def _fill_const(ref, nrows, ncols, value):
    groups = ncols // 16

    def fill(i, _):
        for j in range(groups):
            ref[i, pl.ds(j * 16, 16)] = jnp.full((16,), value, jnp.float32)
        return 0
    lax.fori_loop(0, nrows, fill, 0)


def _spmem_rows(N):
    rpt = (N // _NS) // 8 * 8
    tail0 = rpt * _NS
    return rpt, tail0, N - tail0


def _zero_spmem(acc, stg, s, rpt, tail0, tailn):
    r0 = s * rpt
    nfull, rem = rpt // _CHUNK, rpt % _CHUNK

    def z(k, _):
        pltpu.sync_copy(stg, acc.at[pl.ds(r0 + k * _CHUNK, _CHUNK)])
        return 0
    lax.fori_loop(0, nfull, z, 0)
    if rem:
        pltpu.sync_copy(stg.at[pl.ds(0, rem)], acc.at[pl.ds(r0 + nfull * _CHUNK, rem)])

    @pl.when(s == 0)
    def _():
        pltpu.sync_copy(stg.at[pl.ds(0, tailn)], acc.at[pl.ds(tail0, tailn)])


def _drain_spmem(acc, stg, out_slice, s, rpt, tail0, tailn):
    r0 = s * rpt
    nfull, rem = rpt // _CHUNK, rpt % _CHUNK

    def d(k, _):
        off = r0 + k * _CHUNK
        pltpu.sync_copy(acc.at[pl.ds(off, _CHUNK)], stg)
        pltpu.sync_copy(stg, out_slice.at[pl.ds(off, _CHUNK)])
        return 0
    lax.fori_loop(0, nfull, d, 0)
    if rem:
        off = r0 + nfull * _CHUNK
        pltpu.sync_copy(acc.at[pl.ds(off, rem)], stg.at[pl.ds(0, rem)])
        pltpu.sync_copy(stg.at[pl.ds(0, rem)], out_slice.at[pl.ds(off, rem)])

    @pl.when(s == 0)
    def _():
        pltpu.sync_copy(acc.at[pl.ds(tail0, tailn)], stg.at[pl.ds(0, tailn)])
        pltpu.sync_copy(stg.at[pl.ds(0, tailn)], out_slice.at[pl.ds(tail0, tailn)])


def _make_agg1(N, D, E):
    EPC = E // _NC_SC
    EPT = EPC // _NS
    NCH = EPT // _CHUNK
    RPT, TAIL0, TAILN = _spmem_rows(N)
    mesh = plsc.VectorSubcoreMesh(
        core_axis_name="c", subcore_axis_name="s",
        num_cores=_NC_SC, num_subcores=_NS)

    @functools.partial(
        pl.kernel,
        out_type=(jax.ShapeDtypeStruct((_NC_SC, N, D), jnp.float32),
                  jax.ShapeDtypeStruct((_NC_SC, N, D), jnp.float32)),
        mesh=mesh,
        scratch_types=[
            pltpu.VMEM((_CHUNK,), jnp.int32),
            pltpu.VMEM((_CHUNK,), jnp.int32),
            pltpu.VMEM((_CHUNK,), jnp.int32),
            pltpu.VMEM((_CHUNK,), jnp.int32),
            pltpu.VMEM((_CHUNK, D), jnp.float32),
            pltpu.VMEM((_CHUNK, D), jnp.float32),
            pltpu.VMEM((_CHUNK, D), jnp.float32),
            pltpu.VMEM_SHARED((N, D), jnp.float32),
            pltpu.SemaphoreType.DMA,
            pltpu.SemaphoreType.DMA,
        ],
    )
    def k(x_hbm, src_hbm, dst_hbm, sums_out, cnts_out,
          isrc, idst, isrc2, idst2, rows, rows2, stg, acc, sem, sem2):
        c = lax.axis_index("c")
        s = lax.axis_index("s")

        _fill_const(stg, _CHUNK, D, 0.0)
        _zero_spmem(acc, stg, s, RPT, TAIL0, TAILN)
        _fill_const(stg, _CHUNK, D, 1.0)
        plsc.subcore_barrier()

        base = c * EPC + s * EPT

        def cbody(i, _):
            off = base + i * _CHUNK
            pltpu.sync_copy(dst_hbm.at[pl.ds(off, _CHUNK)], idst)
            pltpu.sync_copy(stg, acc.at[idst], add=True)
            return 0
        lax.fori_loop(0, NCH, cbody, 0)

        plsc.subcore_barrier()
        _drain_spmem(acc, rows, cnts_out.at[c], s, RPT, TAIL0, TAILN)
        _fill_const(stg, _CHUNK, D, 0.0)
        _zero_spmem(acc, stg, s, RPT, TAIL0, TAILN)
        plsc.subcore_barrier()

        def body(k2, _):
            off0 = base + (2 * k2) * _CHUNK
            off1 = off0 + _CHUNK
            pltpu.sync_copy(src_hbm.at[pl.ds(off0, _CHUNK)], isrc)
            pltpu.sync_copy(dst_hbm.at[pl.ds(off0, _CHUNK)], idst)
            cp0 = pltpu.async_copy(x_hbm.at[isrc], rows, sem)
            pltpu.sync_copy(src_hbm.at[pl.ds(off1, _CHUNK)], isrc2)
            pltpu.sync_copy(dst_hbm.at[pl.ds(off1, _CHUNK)], idst2)
            cp1 = pltpu.async_copy(x_hbm.at[isrc2], rows2, sem2)
            cp0.wait()
            pltpu.sync_copy(rows, acc.at[idst], add=True)
            cp1.wait()
            pltpu.sync_copy(rows2, acc.at[idst2], add=True)
            return 0
        lax.fori_loop(0, NCH // 2, body, 0)
        if NCH % 2:
            off = base + (NCH - 1) * _CHUNK
            pltpu.sync_copy(src_hbm.at[pl.ds(off, _CHUNK)], isrc)
            pltpu.sync_copy(dst_hbm.at[pl.ds(off, _CHUNK)], idst)
            pltpu.async_copy(x_hbm.at[isrc], rows, sem).wait()
            pltpu.sync_copy(rows, acc.at[idst], add=True)

        plsc.subcore_barrier()
        _drain_spmem(acc, rows, sums_out.at[c], s, RPT, TAIL0, TAILN)

    return k


def _make_agg2(N, Dh, E):
    EPT = E // _NS
    NCH = EPT // _CHUNK
    RPT, TAIL0, TAILN = _spmem_rows(N)
    mesh = plsc.VectorSubcoreMesh(
        core_axis_name="c", subcore_axis_name="s",
        num_cores=_NC_SC, num_subcores=_NS)

    @functools.partial(
        pl.kernel,
        out_type=jax.ShapeDtypeStruct((_NC_SC, N, Dh), jnp.float32),
        mesh=mesh,
        scratch_types=[
            pltpu.VMEM((_CHUNK,), jnp.int32),
            pltpu.VMEM((_CHUNK,), jnp.int32),
            pltpu.VMEM((_CHUNK,), jnp.int32),
            pltpu.VMEM((_CHUNK,), jnp.int32),
            pltpu.VMEM((_CHUNK, Dh), jnp.float32),
            pltpu.VMEM((_CHUNK, Dh), jnp.float32),
            pltpu.VMEM((_CHUNK, Dh), jnp.float32),
            pltpu.VMEM_SHARED((N, Dh), jnp.float32),
            pltpu.SemaphoreType.DMA,
            pltpu.SemaphoreType.DMA,
        ],
    )
    def k(tab_hbm, src_hbm, dst_hbm, sums_out,
          isrc, idst, isrc2, idst2, rows, rows2, stg, acc, sem, sem2):
        c = lax.axis_index("c")
        s = lax.axis_index("s")

        _fill_const(stg, _CHUNK, Dh, 0.0)
        _zero_spmem(acc, stg, s, RPT, TAIL0, TAILN)
        plsc.subcore_barrier()

        base = s * EPT
        shift = c * N

        def body(k2, _):
            off0 = base + (2 * k2) * _CHUNK
            off1 = off0 + _CHUNK
            pltpu.sync_copy(src_hbm.at[pl.ds(off0, _CHUNK)], isrc)
            pltpu.sync_copy(dst_hbm.at[pl.ds(off0, _CHUNK)], idst)
            for j in range(_CHUNK // 16):
                sl = pl.ds(j * 16, 16)
                isrc[sl] = isrc[sl] + shift
            cp0 = pltpu.async_copy(tab_hbm.at[isrc], rows, sem)
            pltpu.sync_copy(src_hbm.at[pl.ds(off1, _CHUNK)], isrc2)
            pltpu.sync_copy(dst_hbm.at[pl.ds(off1, _CHUNK)], idst2)
            for j in range(_CHUNK // 16):
                sl = pl.ds(j * 16, 16)
                isrc2[sl] = isrc2[sl] + shift
            cp1 = pltpu.async_copy(tab_hbm.at[isrc2], rows2, sem2)
            cp0.wait()
            pltpu.sync_copy(rows, acc.at[idst], add=True)
            cp1.wait()
            pltpu.sync_copy(rows2, acc.at[idst2], add=True)
            return 0
        lax.fori_loop(0, NCH // 2, body, 0)
        if NCH % 2:
            off = base + (NCH - 1) * _CHUNK
            pltpu.sync_copy(src_hbm.at[pl.ds(off, _CHUNK)], isrc)
            pltpu.sync_copy(dst_hbm.at[pl.ds(off, _CHUNK)], idst)
            for j in range(_CHUNK // 16):
                sl = pl.ds(j * 16, 16)
                isrc[sl] = isrc[sl] + shift
            pltpu.async_copy(tab_hbm.at[isrc], rows, sem).wait()
            pltpu.sync_copy(rows, acc.at[idst], add=True)

        plsc.subcore_barrier()
        _drain_spmem(acc, stg, sums_out.at[c], s, RPT, TAIL0, TAILN)

    return k


def _stageB_body(sums_ref, cnts_ref, x_ref, w1l_ref, b1_ref, w1r_ref,
                 w2l_ref, w2r_ref, p2_ref, r2_ref, *, half):
    ssum = sums_ref[0] + sums_ref[1]
    cnt = cnts_ref[0, :, 0:1] + cnts_ref[1, :, 0:1]
    inv = 1.0 / jnp.maximum(cnt, 1.0)
    mean = ssum * inv
    h1 = jnp.maximum(
        jnp.dot(mean, w1l_ref[...], preferred_element_type=jnp.float32)
        + jnp.dot(x_ref[...], w1r_ref[...], preferred_element_type=jnp.float32)
        + b1_ref[...], 0.0)
    p2 = jnp.dot(h1, w2l_ref[...], preferred_element_type=jnp.float32)
    p2_ref[0] = p2[:, :half]
    p2_ref[1] = p2[:, half:]
    r2_ref[...] = jnp.dot(h1, w2r_ref[...], preferred_element_type=jnp.float32)


def _stageC_body(sums2_ref, cnts_ref, r2_ref, b2_ref, wh0_ref, bh0_ref,
                 wh1_ref, bh1_ref, wh2_ref, bh2_ref, wf_ref, bf_ref,
                 out_ref, *, n_cls):
    cnt = cnts_ref[0, :, 0:1] + cnts_ref[1, :, 0:1]
    inv = 1.0 / jnp.maximum(cnt, 1.0)
    mean2 = jnp.concatenate([sums2_ref[0], sums2_ref[1]], axis=1) * inv
    h = jnp.maximum(mean2 + b2_ref[...] + r2_ref[...], 0.0)
    h = jnp.maximum(jnp.dot(h, wh0_ref[...], preferred_element_type=jnp.float32) + bh0_ref[...], 0.0)
    h = jnp.maximum(jnp.dot(h, wh1_ref[...], preferred_element_type=jnp.float32) + bh1_ref[...], 0.0)
    h = jnp.maximum(jnp.dot(h, wh2_ref[...], preferred_element_type=jnp.float32) + bh2_ref[...], 0.0)
    logits = jnp.dot(h, wf_ref[...], preferred_element_type=jnp.float32) + bf_ref[...]
    col = lax.broadcasted_iota(jnp.int32, logits.shape, 1)
    masked = jnp.where(col < n_cls, logits, -1e30)
    m = jnp.max(masked, axis=1, keepdims=True)
    e = jnp.exp(masked - m)
    probs = e / jnp.sum(e, axis=1, keepdims=True)
    out_ref[...] = probs[:, :n_cls]


def kernel(x, edge_index, W1l, b1, W1r, W2l, b2, W2r,
           Wh0, bh0, Wh1, bh1, Wh2, bh2, Wf, bf):
    N, D = x.shape
    E = edge_index.shape[1]
    H1 = W1l.shape[1]
    H2 = W2l.shape[1]
    NCLS = Wf.shape[1]
    half = H2 // 2
    BN = 400
    grid = (N // BN,)

    src = edge_index[0].astype(jnp.int32)
    dst = edge_index[1].astype(jnp.int32)

    sums1, cnts1 = _make_agg1(N, D, E)(x, src, dst)

    wcopy = lambda shape: pl.BlockSpec(shape, lambda i: tuple(0 for _ in shape))
    b1r = b1.reshape(1, H1)
    stageB = pl.pallas_call(
        functools.partial(_stageB_body, half=half),
        grid=grid,
        in_specs=[
            pl.BlockSpec((_NC_SC, BN, D), lambda i: (0, i, 0)),
            pl.BlockSpec((_NC_SC, BN, D), lambda i: (0, i, 0)),
            pl.BlockSpec((BN, D), lambda i: (i, 0)),
            wcopy((D, H1)), wcopy((1, H1)), wcopy((D, H1)),
            wcopy((H1, H2)), wcopy((H1, H2)),
        ],
        out_specs=[
            pl.BlockSpec((_NC_SC, BN, half), lambda i: (0, i, 0)),
            pl.BlockSpec((BN, H2), lambda i: (i, 0)),
        ],
        out_shape=[
            jax.ShapeDtypeStruct((_NC_SC, N, half), jnp.float32),
            jax.ShapeDtypeStruct((N, H2), jnp.float32),
        ],
    )
    p2, r2 = stageB(sums1, cnts1, x, W1l, b1r, W1r, W2l, W2r)

    sums2 = _make_agg2(N, half, E)(p2.reshape(_NC_SC * N, half), src, dst)

    wf_p = jnp.zeros((H2, 128), jnp.float32).at[:, :NCLS].set(Wf)
    bf_p = jnp.zeros((1, 128), jnp.float32).at[0, :NCLS].set(bf)
    stageC = pl.pallas_call(
        functools.partial(_stageC_body, n_cls=NCLS),
        grid=grid,
        in_specs=[
            pl.BlockSpec((_NC_SC, BN, half), lambda i: (0, i, 0)),
            pl.BlockSpec((_NC_SC, BN, 128), lambda i: (0, i, 0)),
            pl.BlockSpec((BN, H2), lambda i: (i, 0)),
            wcopy((1, H2)),
            wcopy((H2, H2)), wcopy((1, H2)),
            wcopy((H2, H2)), wcopy((1, H2)),
            wcopy((H2, H2)), wcopy((1, H2)),
            wcopy((H2, 128)), wcopy((1, 128)),
        ],
        out_specs=pl.BlockSpec((BN, NCLS), lambda i: (i, 0)),
        out_shape=jax.ShapeDtypeStruct((N, NCLS), jnp.float32),
    )
    return stageC(sums2, cnts1, r2, b2.reshape(1, H2),
                  Wh0, bh0.reshape(1, H2), Wh1, bh1.reshape(1, H2),
                  Wh2, bh2.reshape(1, H2), wf_p, bf_p)

# --- scband reference (transcript-rebuilt; emitter-appended) ---
"""Pipeline reference for scband-sageconv-with-multiple-linear-layers-88433376624936 (READ-ONLY COPY).

The authoritative reference and input builder live on the scoring server;
editing this copy changes nothing except your own understanding.
"""

import jax, jax.numpy as jnp
import numpy as np

N, E, D = 10000, 320000, 128
H1, H2, NC = 512, 256, 5

def _sage_conv(x, edge_index, Wl, b, Wr):
    # PyG SAGEConv with mean aggregation:
    #   out = lin_l(mean_{j in N(i)} x_j) + lin_r(x_i)
    src = edge_index[0]
    dst = edge_index[1]
    msgs = jnp.take(x, src, axis=0)
    agg = jax.ops.segment_sum(msgs, dst, num_segments=x.shape[0])
    cnt = jax.ops.segment_sum(jnp.ones((edge_index.shape[1], 1), dtype=x.dtype), dst, num_segments=x.shape[0])
    mean = agg / jnp.clip(cnt, 1.0, None)
    return mean @ Wl + b + x @ Wr

def setup_inputs(seed: int = 0):
    key = jax.random.key(seed)
    ks = jax.random.split(key, 20)
    x = jax.random.normal(ks[0], (N, D), dtype=jnp.float32)
    edge_index = jax.random.randint(ks[1], (2, E), 0, N)
    def lin(k, fi, fo):
        return jax.random.normal(k, (fi, fo), dtype=jnp.float32) * (1.0 / np.sqrt(fi))
    params = {
        'W1l': lin(ks[2], D, H1), 'b1': jnp.zeros((H1,), jnp.float32), 'W1r': lin(ks[3], D, H1),
        'W2l': lin(ks[4], H1, H2), 'b2': jnp.zeros((H2,), jnp.float32), 'W2r': lin(ks[5], H1, H2),
        'Wh0': lin(ks[6], H2, H2), 'bh0': jnp.zeros((H2,), jnp.float32),
        'Wh1': lin(ks[7], H2, H2), 'bh1': jnp.zeros((H2,), jnp.float32),
        'Wh2': lin(ks[8], H2, H2), 'bh2': jnp.zeros((H2,), jnp.float32),
        'Wf': lin(ks[9], H2, NC), 'bf': jnp.zeros((NC,), jnp.float32),
    }
    inp = {'x': x, 'edge_index': edge_index}
    inp.update(params)
    return inp

def reference(x, edge_index, W1l, b1, W1r, W2l, b2, W2r, Wh0, bh0, Wh1, bh1, Wh2, bh2, Wf, bf):
    h = jax.nn.relu(_sage_conv(x, edge_index, W1l, b1, W1r))
    h = jax.nn.relu(_sage_conv(h, edge_index, W2l, b2, W2r))
    h = jax.nn.relu(h @ Wh0 + bh0)
    h = jax.nn.relu(h @ Wh1 + bh1)
    h = jax.nn.relu(h @ Wh2 + bh2)
    logits = h @ Wf + bf
    return jax.nn.softmax(logits, axis=-1)

if __name__ == "__main__":
    import jax
    _d = setup_inputs()
    print(jax.jit(kernel)(*tuple(_d.values())))

</pallas_src>

<mosaic_0001>
#map = affine_map<(d0, d1) -> (0, 0)>
#map1 = affine_map<(d0, d1) -> (0)>
#map2 = affine_map<(d0, d1) -> (0, 0, 0)>
module attributes {stable_mosaic.version = 14 : i64} {
  func.func @k(%arg0: i32, %arg1: i32, %arg2: memref<20000x128xf32, #tpu.memory_space<hbm>>, %arg3: memref<320000xi32, #tpu.memory_space<hbm>>, %arg4: memref<320000xi32, #tpu.memory_space<hbm>>, %arg5: memref<2x10000x128xf32, #tpu.memory_space<hbm>>, %arg6: memref<80xi32, #tpu.memory_space<vmem>>, %arg7: memref<80xi32, #tpu.memory_space<vmem>>, %arg8: memref<80xi32, #tpu.memory_space<vmem>>, %arg9: memref<80xi32, #tpu.memory_space<vmem>>, %arg10: memref<80x128xf32, #tpu.memory_space<vmem>>, %arg11: memref<80x128xf32, #tpu.memory_space<vmem>>, %arg12: memref<80x128xf32, #tpu.memory_space<vmem>>, %arg13: memref<10000x128xf32, #tpu.memory_space<vmem_shared>>, %arg14: memref<!tpu.dma_semaphore, #tpu.memory_space<semaphore_mem>>, %arg15: memref<!tpu.dma_semaphore, #tpu.memory_space<semaphore_mem>>) attributes {dimension_semantics = [#tpu.dimension_semantics<core_parallel>, #tpu.dimension_semantics<subcore_parallel>], iteration_bounds = array<i64: 2, 16>, scalar_prefetch = 0 : i64, scratch_operands = 10 : i64, tpu.core_type = #tpu.core_type<sc_vector_subcore>, window_params = [{transform_indices = #map}, {transform_indices = #map1}, {transform_indices = #map1}, {transform_indices = #map2}]} {
    %scan3A = arith.constant 0 : i32
    %scan3A_0 = arith.constant 0 : i32
    %scan3A_1 = arith.constant 80 : i32
    %scan3A_2 = arith.addi %scan3A_0, %scan3A_1 : i32
    %scan3A_3 = arith.constant 1 : i32
    %scan3A_4 = scf.for %scan3A_45 = %scan3A_0 to %scan3A_2 step %scan3A_3 iter_args(%scan3A_46 = %scan3A) -> (i32)  : i32 {
      %broadcast_in_dim3A = arith.constant 0.000000e+00 : f32
      %broadcast_in_dim3A_47 = vector.broadcast %broadcast_in_dim3A : f32 to vector<16xf32>
      %swap3A = arith.index_cast %scan3A_45 : i32 to index
      %swap3A_48 = arith.constant 0 : index
      %swap3A_49 = tpu.vector_load %arg12[%swap3A, %swap3A_48] {strides = array<i32>} : memref<80x128xf32, #tpu.memory_space<vmem>>, vector<1x16xf32>,
      %swap3A_50 = vector.shape_cast %swap3A_49 : vector<1x16xf32> to vector<16xf32>
      %swap3A_51 = vector.shape_cast %broadcast_in_dim3A_47 : vector<16xf32> to vector<1x16xf32>
      tpu.vector_store %arg12[%swap3A, %swap3A_48], %swap3A_51 {strides = array<i32>} : memref<80x128xf32, #tpu.memory_space<vmem>>, vector<1x16xf32>,
      %broadcast_in_dim3A_52 = arith.constant 0.000000e+00 : f32
      %broadcast_in_dim3A_53 = vector.broadcast %broadcast_in_dim3A_52 : f32 to vector<16xf32>
      %swap3A_54 = arith.index_cast %scan3A_45 : i32 to index
      %swap3A_55 = arith.constant 16 : index
      %swap3A_56 = tpu.vector_load %arg12[%swap3A_54, %swap3A_55] {strides = array<i32>} : memref<80x128xf32, #tpu.memory_space<vmem>>, vector<1x16xf32>,
      %swap3A_57 = vector.shape_cast %swap3A_56 : vector<1x16xf32> to vector<16xf32>
      %swap3A_58 = vector.shape_cast %broadcast_in_dim3A_53 : vector<16xf32> to vector<1x16xf32>
      tpu.vector_store %arg12[%swap3A_54, %swap3A_55], %swap3A_58 {strides = array<i32>} : memref<80x128xf32, #tpu.memory_space<vmem>>, vector<1x16xf32>,
      %broadcast_in_dim3A_59 = arith.constant 0.000000e+00 : f32
      %broadcast_in_dim3A_60 = vector.broadcast %broadcast_in_dim3A_59 : f32 to vector<16xf32>
      %swap3A_61 = arith.index_cast %scan3A_45 : i32 to index
      %swap3A_62 = arith.constant 32 : index
      %swap3A_63 = tpu.vector_load %arg12[%swap3A_61, %swap3A_62] {strides = array<i32>} : memref<80x128xf32, #tpu.memory_space<vmem>>, vector<1x16xf32>,
      %swap3A_64 = vector.shape_cast %swap3A_63 : vector<1x16xf32> to vector<16xf32>
      %swap3A_65 = vector.shape_cast %broadcast_in_dim3A_60 : vector<16xf32> to vector<1x16xf32>
      tpu.vector_store %arg12[%swap3A_61, %swap3A_62], %swap3A_65 {strides = array<i32>} : memref<80x128xf32, #tpu.memory_space<vmem>>, vector<1x16xf32>,
      %broadcast_in_dim3A_66 = arith.constant 0.000000e+00 : f32
      %broadcast_in_dim3A_67 = vector.broadcast %broadcast_in_dim3A_66 : f32 to vector<16xf32>
      %swap3A_68 = arith.index_cast %scan3A_45 : i32 to index
      %swap3A_69 = arith.constant 48 : index
      %swap3A_70 = tpu.vector_load %arg12[%swap3A_68, %swap3A_69] {strides = array<i32>} : memref<80x128xf32, #tpu.memory_space<vmem>>, vector<1x16xf32>,
      %swap3A_71 = vector.shape_cast %swap3A_70 : vector<1x16xf32> to vector<16xf32>
      %swap3A_72 = vector.shape_cast %broadcast_in_dim3A_67 : vector<16xf32> to vector<1x16xf32>
      tpu.vector_store %arg12[%swap3A_68, %swap3A_69], %swap3A_72 {strides = array<i32>} : memref<80x128xf32, #tpu.memory_space<vmem>>, vector<1x16xf32>,
      %broadcast_in_dim3A_73 = arith.constant 0.000000e+00 : f32
      %broadcast_in_dim3A_74 = vector.broadcast %broadcast_in_dim3A_73 : f32 to vector<16xf32>
      %swap3A_75 = arith.index_cast %scan3A_45 : i32 to index
      %swap3A_76 = arith.constant 64 : index
      %swap3A_77 = tpu.vector_load %arg12[%swap3A_75, %swap3A_76] {strides = array<i32>} : memref<80x128xf32, #tpu.memory_space<vmem>>, vector<1x16xf32>,
      %swap3A_78 = vector.shape_cast %swap3A_77 : vector<1x16xf32> to vector<16xf32>
      %swap3A_79 = vector.shape_cast %broadcast_in_dim3A_74 : vector<16xf32> to vector<1x16xf32>
      tpu.vector_store %arg12[%swap3A_75, %swap3A_76], %swap3A_79 {strides = array<i32>} : memref<80x128xf32, #tpu.memory_space<vmem>>, vector<1x16xf32>,
      %broadcast_in_dim3A_80 = arith.constant 0.000000e+00 : f32
      %broadcast_in_dim3A_81 = vector.broadcast %broadcast_in_dim3A_80 : f32 to vector<16xf32>
      %swap3A_82 = arith.index_cast %scan3A_45 : i32 to index
      %swap3A_83 = arith.constant 80 : index
      %swap3A_84 = tpu.vector_load %arg12[%swap3A_82, %swap3A_83] {strides = array<i32>} : memref<80x128xf32, #tpu.memory_space<vmem>>, vector<1x16xf32>,
      %swap3A_85 = vector.shape_cast %swap3A_84 : vector<1x16xf32> to vector<16xf32>
      %swap3A_86 = vector.shape_cast %broadcast_in_dim3A_81 : vector<16xf32> to vector<1x16xf32>
      tpu.vector_store %arg12[%swap3A_82, %swap3A_83], %swap3A_86 {strides = array<i32>} : memref<80x128xf32, #tpu.memory_space<vmem>>, vector<1x16xf32>,
      %broadcast_in_dim3A_87 = arith.constant 0.000000e+00 : f32
      %broadcast_in_dim3A_88 = vector.broadcast %broadcast_in_dim3A_87 : f32 to vector<16xf32>
      %swap3A_89 = arith.index_cast %scan3A_45 : i32 to index
      %swap3A_90 = arith.constant 96 : index
      %swap3A_91 = tpu.vector_load %arg12[%swap3A_89, %swap3A_90] {strides = array<i32>} : memref<80x128xf32, #tpu.memory_space<vmem>>, vector<1x16xf32>,
      %swap3A_92 = vector.shape_cast %swap3A_91 : vector<1x16xf32> to vector<16xf32>
      %swap3A_93 = vector.shape_cast %broadcast_in_dim3A_88 : vector<16xf32> to vector<1x16xf32>
      tpu.vector_store %arg12[%swap3A_89, %swap3A_90], %swap3A_93 {strides = array<i32>} : memref<80x128xf32, #tpu.memory_space<vmem>>, vector<1x16xf32>,
      %broadcast_in_dim3A_94 = arith.constant 0.000000e+00 : f32
      %broadcast_in_dim3A_95 = vector.broadcast %broadcast_in_dim3A_94 : f32 to vector<16xf32>
      %swap3A_96 = arith.index_cast %scan3A_45 : i32 to index
      %swap3A_97 = arith.constant 112 : index
      %swap3A_98 = tpu.vector_load %arg12[%swap3A_96, %swap3A_97] {strides = array<i32>} : memref<80x128xf32, #tpu.memory_space<vmem>>, vector<1x16xf32>,
      %swap3A_99 = vector.shape_cast %swap3A_98 : vector<1x16xf32> to vector<16xf32>
      %swap3A_100 = vector.shape_cast %broadcast_in_dim3A_95 : vector<16xf32> to vector<1x16xf32>
      tpu.vector_store %arg12[%swap3A_96, %swap3A_97], %swap3A_100 {strides = array<i32>} : memref<80x128xf32, #tpu.memory_space<vmem>>, vector<1x16xf32>,
      %scan3A_101 = arith.constant 0 : i32
      scf.yield %scan3A_101 : i32
    }
    %scan3A_5 = arith.constant 80 : i32
    %mul3A = arith.constant 624 : i32
    %mul3A_6 = arith.muli %arg1, %mul3A : i32
    %scan3A_7 = arith.constant 0 : i32
    %scan3A_8 = arith.constant 0 : i32
    %scan3A_9 = arith.constant 7 : i32
    %scan3A_10 = arith.addi %scan3A_8, %scan3A_9 : i32
    %scan3A_11 = arith.constant 1 : i32
    %scan3A_12 = scf.for %scan3A_45 = %scan3A_8 to %scan3A_10 step %scan3A_11 iter_args(%scan3A_46 = %scan3A_7) -> (i32)  : i32 {
      %mul3A_47 = arith.constant 80 : i32
      %mul3A_48 = arith.muli %scan3A_45, %mul3A_47 : i32
      %add3A_49 = arith.addi %mul3A_6, %mul3A_48 : i32
      "tpu.region"() ({
        %run_scoped3A = tpu.sem_alloc : memref<!tpu.dma_semaphore, #tpu.memory_space<semaphore_mem>>
        %dma_start3A = arith.constant 0 : i32
        %dma_start3A_51 = tpu.memref_slice %arg13[%add3A_49, %dma_start3A] : memref<10000x128xf32, #tpu.memory_space<vmem_shared>> -> memref<80x128xf32, #tpu.memory_space<vmem_shared>>
        %dma_start3A_52 = arith.constant 0 : i32
        %dma_start3A_53 = tpu.memref_slice %arg13[%add3A_49, %dma_start3A_52] : memref<10000x128xf32, #tpu.memory_space<vmem_shared>> -> memref<80x128xf32, #tpu.memory_space<vmem_shared>>
        tpu.enqueue_dma source(%arg12 : memref<80x128xf32, #tpu.memory_space<vmem>>) target(%dma_start3A_53 : memref<80x128xf32, #tpu.memory_space<vmem_shared>>) target_semaphore(%run_scoped3A : memref<!tpu.dma_semaphore, #tpu.memory_space<semaphore_mem>>)
        %dma_wait3A = arith.constant 0 : i32
        %dma_wait3A_54 = tpu.memref_slice %arg13[%add3A_49, %dma_wait3A] : memref<10000x128xf32, #tpu.memory_space<vmem_shared>> -> memref<80x128xf32, #tpu.memory_space<vmem_shared>>
        %dma_wait3A_55 = arith.constant 0 : i32
        %dma_wait3A_56 = tpu.memref_slice %arg13[%add3A_49, %dma_wait3A_55] : memref<10000x128xf32, #tpu.memory_space<vmem_shared>> -> memref<80x128xf32, #tpu.memory_space<vmem_shared>>
        tpu.wait_dma2 semaphore(%run_scoped3A : memref<!tpu.dma_semaphore, #tpu.memory_space<semaphore_mem>>) src(%arg12 : memref<80x128xf32, #tpu.memory_space<vmem>>) dst(%dma_wait3A_56 : memref<80x128xf32, #tpu.memory_space<vmem_shared>>)
        tpu.yield
      }) : () -> ()
      %scan3A_50 = arith.constant 0 : i32
      scf.yield %scan3A_50 : i32
    }
    %scan3A_13 = arith.constant 7 : i32
    %add3A = arith.constant 560 : i32
    %add3A_14 = arith.addi %mul3A_6, %add3A : i32
    "tpu.region"() ({
      %run_scoped3A = tpu.sem_alloc : memref<!tpu.dma_semaphore, #tpu.memory_space<semaphore_mem>>
      %dma_start3A = arith.constant 0 : i32
      %dma_start3A_45 = arith.constant 0 : i32
      %dma_start3A_46 = tpu.memref_slice %arg12[%dma_start3A, %dma_start3A_45] : memref<80x128xf32, #tpu.memory_space<vmem>> -> memref<64x128xf32, #tpu.memory_space<vmem>>
      %dma_start3A_47 = arith.constant 0 : i32
      %dma_start3A_48 = tpu.memref_slice %arg13[%add3A_14, %dma_start3A_47] : memref<10000x128xf32, #tpu.memory_space<vmem_shared>> -> memref<64x128xf32, #tpu.memory_space<vmem_shared>>
      %dma_start3A_49 = arith.constant 0 : i32
      %dma_start3A_50 = tpu.memref_slice %arg13[%add3A_14, %dma_start3A_49] : memref<10000x128xf32, #tpu.memory_space<vmem_shared>> -> memref<64x128xf32, #tpu.memory_space<vmem_shared>>
      %dma_start3A_51 = arith.constant 0 : i32
      %dma_start3A_52 = arith.constant 0 : i32
      %dma_start3A_53 = tpu.memref_slice %arg12[%dma_start3A_51, %dma_start3A_52] : memref<80x128xf32, #tpu.memory_space<vmem>> -> memref<64x128xf32, #tpu.memory_space<vmem>>
      tpu.enqueue_dma source(%dma_start3A_53 : memref<64x128xf32, #tpu.memory_space<vmem>>) target(%dma_start3A_50 : memref<64x128xf32, #tpu.memory_space<vmem_shared>>) target_semaphore(%run_scoped3A : memref<!tpu.dma_semaphore, #tpu.memory_space<semaphore_mem>>)
      %dma_wait3A = arith.constant 0 : i32
      %dma_wait3A_54 = arith.constant 0 : i32
      %dma_wait3A_55 = tpu.memref_slice %arg12[%dma_wait3A, %dma_wait3A_54] : memref<80x128xf32, #tpu.memory_space<vmem>> -> memref<64x128xf32, #tpu.memory_space<vmem>>
      %dma_wait3A_56 = arith.constant 0 : i32
      %dma_wait3A_57 = tpu.memref_slice %arg13[%add3A_14, %dma_wait3A_56] : memref<10000x128xf32, #tpu.memory_space<vmem_shared>> -> memref<64x128xf32, #tpu.memory_space<vmem_shared>>
      %dma_wait3A_58 = arith.constant 0 : i32
      %dma_wait3A_59 = tpu.memref_slice %arg13[%add3A_14, %dma_wait3A_58] : memref<10000x128xf32, #tpu.memory_space<vmem_shared>> -> memref<64x128xf32, #tpu.memory_space<vmem_shared>>
      %dma_wait3A_60 = arith.constant 0 : i32
      %dma_wait3A_61 = arith.constant 0 : i32
      %dma_wait3A_62 = tpu.memref_slice %arg12[%dma_wait3A_60, %dma_wait3A_61] : memref<80x128xf32, #tpu.memory_space<vmem>> -> memref<64x128xf32, #tpu.memory_space<vmem>>
      tpu.wait_dma2 semaphore(%run_scoped3A : memref<!tpu.dma_semaphore, #tpu.memory_space<semaphore_mem>>) src(%dma_wait3A_62 : memref<64x128xf32, #tpu.memory_space<vmem>>) dst(%dma_wait3A_59 : memref<64x128xf32, #tpu.memory_space<vmem_shared>>)
      tpu.yield
    }) : () -> ()
    %eq3A = arith.constant 0 : i32
    %eq3A_15 = arith.cmpi eq, %arg1, %eq3A : i32
    %convert_element_type3A = arith.extui %eq3A_15 : i1 to i32
    %cond3A = arith.constant 0 : i32
    %cond3A_16 = arith.cmpi ne, %convert_element_type3A, %cond3A : i32
    scf.if %cond3A_16 {
      "tpu.region"() ({
        %run_scoped3A = tpu.sem_alloc : memref<!tpu.dma_semaphore, #tpu.memory_space<semaphore_mem>>
        %dma_start3A = arith.constant 0 : i32
        %dma_start3A_45 = arith.constant 0 : i32
        %dma_start3A_46 = tpu.memref_slice %arg12[%dma_start3A, %dma_start3A_45] : memref<80x128xf32, #tpu.memory_space<vmem>> -> memref<16x128xf32, #tpu.memory_space<vmem>>
        %dma_start3A_47 = arith.constant 9984 : i32
        %dma_start3A_48 = arith.constant 0 : i32
        %dma_start3A_49 = tpu.memref_slice %arg13[%dma_start3A_47, %dma_start3A_48] : memref<10000x128xf32, #tpu.memory_space<vmem_shared>> -> memref<16x128xf32, #tpu.memory_space<vmem_shared>>
        %dma_start3A_50 = arith.constant 9984 : i32
        %dma_start3A_51 = arith.constant 0 : i32
        %dma_start3A_52 = tpu.memref_slice %arg13[%dma_start3A_50, %dma_start3A_51] : memref<10000x128xf32, #tpu.memory_space<vmem_shared>> -> memref<16x128xf32, #tpu.memory_space<vmem_shared>>
        %dma_start3A_53 = arith.constant 0 : i32
        %dma_start3A_54 = arith.constant 0 : i32
        %dma_start3A_55 = tpu.memref_slice %arg12[%dma_start3A_53, %dma_start3A_54] : memref<80x128xf32, #tpu.memory_space<vmem>> -> memref<16x128xf32, #tpu.memory_space<vmem>>
        tpu.enqueue_dma source(%dma_start3A_55 : memref<16x128xf32, #tpu.memory_space<vmem>>) target(%dma_start3A_52 : memref<16x128xf32, #tpu.memory_space<vmem_shared>>) target_semaphore(%run_scoped3A : memref<!tpu.dma_semaphore, #tpu.memory_space<semaphore_mem>>)
        %dma_wait3A = arith.constant 0 : i32
        %dma_wait3A_56 = arith.constant 0 : i32
        %dma_wait3A_57 = tpu.memref_slice %arg12[%dma_wait3A, %dma_wait3A_56] : memref<80x128xf32, #tpu.memory_space<vmem>> -> memref<16x128xf32, #tpu.memory_space<vmem>>
        %dma_wait3A_58 = arith.constant 9984 : i32
        %dma_wait3A_59 = arith.constant 0 : i32
        %dma_wait3A_60 = tpu.memref_slice %arg13[%dma_wait3A_58, %dma_wait3A_59] : memref<10000x128xf32, #tpu.memory_space<vmem_shared>> -> memref<16x128xf32, #tpu.memory_space<vmem_shared>>
        %dma_wait3A_61 = arith.constant 9984 : i32
        %dma_wait3A_62 = arith.constant 0 : i32
        %dma_wait3A_63 = tpu.memref_slice %arg13[%dma_wait3A_61, %dma_wait3A_62] : memref<10000x128xf32, #tpu.memory_space<vmem_shared>> -> memref<16x128xf32, #tpu.memory_space<vmem_shared>>
        %dma_wait3A_64 = arith.constant 0 : i32
        %dma_wait3A_65 = arith.constant 0 : i32
        %dma_wait3A_66 = tpu.memref_slice %arg12[%dma_wait3A_64, %dma_wait3A_65] : memref<80x128xf32, #tpu.memory_space<vmem>> -> memref<16x128xf32, #tpu.memory_space<vmem>>
        tpu.wait_dma2 semaphore(%run_scoped3A : memref<!tpu.dma_semaphore, #tpu.memory_space<semaphore_mem>>) src(%dma_wait3A_66 : memref<16x128xf32, #tpu.memory_space<vmem>>) dst(%dma_wait3A_63 : memref<16x128xf32, #tpu.memory_space<vmem_shared>>)
        tpu.yield
      }) : () -> ()
    } else {
    }
    %barrier3A = arith.constant 0 : index
    tpu.barrier barrier_id(%barrier3A)
    %mul3A_17 = arith.constant 20000 : i32
    %mul3A_18 = arith.muli %arg1, %mul3A_17 : i32
    %mul3A_19 = arith.constant 10000 : i32
    %mul3A_20 = arith.muli %arg0, %mul3A_19 : i32
    %scan3A_21 = arith.constant 0 : i32
    %scan3A_22 = arith.constant 0 : i32
    %scan3A_23 = arith.constant 125 : i32
    %scan3A_24 = arith.addi %scan3A_22, %scan3A_23 : i32
    %scan3A_25 = arith.constant 1 : i32
    %scan3A_26 = scf.for %scan3A_45 = %scan3A_22 to %scan3A_24 step %scan3A_25 iter_args(%scan3A_46 = %scan3A_21) -> (i32)  : i32 {
      %mul3A_47 = arith.constant 2 : i32
      %mul3A_48 = arith.muli %mul3A_47, %scan3A_45 : i32
      %mul3A_49 = arith.constant 80 : i32
      %mul3A_50 = arith.muli %mul3A_48, %mul3A_49 : i32
      %add3A_51 = arith.addi %mul3A_18, %mul3A_50 : i32
      %add3A_52 = arith.constant 80 : i32
      %add3A_53 = arith.addi %add3A_51, %add3A_52 : i32
      "tpu.region"() ({
        %run_scoped3A = tpu.sem_alloc : memref<!tpu.dma_semaphore, #tpu.memory_space<semaphore_mem>>
        %dma_start3A_153 = tpu.memref_slice %arg3[%add3A_51] : memref<320000xi32, #tpu.memory_space<hbm>> -> memref<80xi32, #tpu.memory_space<hbm>>
        %dma_start3A_154 = tpu.memref_slice %arg3[%add3A_51] : memref<320000xi32, #tpu.memory_space<hbm>> -> memref<80xi32, #tpu.memory_space<hbm>>
        tpu.enqueue_dma source(%dma_start3A_154 : memref<80xi32, #tpu.memory_space<hbm>>) target(%arg6 : memref<80xi32, #tpu.memory_space<vmem>>) target_semaphore(%run_scoped3A : memref<!tpu.dma_semaphore, #tpu.memory_space<semaphore_mem>>)
        %dma_wait3A_155 = tpu.memref_slice %arg3[%add3A_51] : memref<320000xi32, #tpu.memory_space<hbm>> -> memref<80xi32, #tpu.memory_space<hbm>>
        %dma_wait3A_156 = tpu.memref_slice %arg3[%add3A_51] : memref<320000xi32, #tpu.memory_space<hbm>> -> memref<80xi32, #tpu.memory_space<hbm>>
        tpu.wait_dma2 semaphore(%run_scoped3A : memref<!tpu.dma_semaphore, #tpu.memory_space<semaphore_mem>>) src(%dma_wait3A_156 : memref<80xi32, #tpu.memory_space<hbm>>) dst(%arg6 : memref<80xi32, #tpu.memory_space<vmem>>)
        tpu.yield
      }) : () -> ()
      "tpu.region"() ({
        %run_scoped3A = tpu.sem_alloc : memref<!tpu.dma_semaphore, #tpu.memory_space<semaphore_mem>>
        %dma_start3A_153 = tpu.memref_slice %arg4[%add3A_51] : memref<320000xi32, #tpu.memory_space<hbm>> -> memref<80xi32, #tpu.memory_space<hbm>>
        %dma_start3A_154 = tpu.memref_slice %arg4[%add3A_51] : memref<320000xi32, #tpu.memory_space<hbm>> -> memref<80xi32, #tpu.memory_space<hbm>>
        tpu.enqueue_dma source(%dma_start3A_154 : memref<80xi32, #tpu.memory_space<hbm>>) target(%arg7 : memref<80xi32, #tpu.memory_space<vmem>>) target_semaphore(%run_scoped3A : memref<!tpu.dma_semaphore, #tpu.memory_space<semaphore_mem>>)
        %dma_wait3A_155 = tpu.memref_slice %arg4[%add3A_51] : memref<320000xi32, #tpu.memory_space<hbm>> -> memref<80xi32, #tpu.memory_space<hbm>>
        %dma_wait3A_156 = tpu.memref_slice %arg4[%add3A_51] : memref<320000xi32, #tpu.memory_space<hbm>> -> memref<80xi32, #tpu.memory_space<hbm>>
        tpu.wait_dma2 semaphore(%run_scoped3A : memref<!tpu.dma_semaphore, #tpu.memory_space<semaphore_mem>>) src(%dma_wait3A_156 : memref<80xi32, #tpu.memory_space<hbm>>) dst(%arg7 : memref<80xi32, #tpu.memory_space<vmem>>)
        tpu.yield
      }) : () -> ()
      %get3A = arith.constant 0 : index
      %get3A_54 = tpu.vector_load %arg6[%get3A] {strides = array<i32>} : memref<80xi32, #tpu.memory_space<vmem>>, vector<16xi32>,
      %get3A_55 = vector.shape_cast %get3A_54 : vector<16xi32> to vector<16xi32>
      %add3A_56 = vector.broadcast %mul3A_20 : i32 to vector<16xi32>
      %add3A_57 = arith.addi %get3A_55, %add3A_56 : vector<16xi32>
      %swap3A = arith.constant 0 : index
      %swap3A_58 = tpu.vector_load %arg6[%swap3A] {strides = array<i32>} : memref<80xi32, #tpu.memory_space<vmem>>, vector<16xi32>,
      %swap3A_59 = vector.shape_cast %swap3A_58 : vector<16xi32> to vector<16xi32>
      %swap3A_60 = vector.shape_cast %add3A_57 : vector<16xi32> to vector<16xi32>
      tpu.vector_store %arg6[%swap3A], %swap3A_60 {strides = array<i32>} : memref<80xi32, #tpu.memory_space<vmem>>, vector<16xi32>,
      %get3A_61 = arith.constant 16 : index
      %get3A_62 = tpu.vector_load %arg6[%get3A_61] {strides = array<i32>} : memref<80xi32, #tpu.memory_space<vmem>>, vector<16xi32>,
      %get3A_63 = vector.shape_cast %get3A_62 : vector<16xi32> to vector<16xi32>
      %add3A_64 = vector.broadcast %mul3A_20 : i32 to vector<16xi32>
      %add3A_65 = arith.addi %get3A_63, %add3A_64 : vector<16xi32>
      %swap3A_66 = arith.constant 16 : index
      %swap3A_67 = tpu.vector_load %arg6[%swap3A_66] {strides = array<i32>} : memref<80xi32, #tpu.memory_space<vmem>>, vector<16xi32>,
      %swap3A_68 = vector.shape_cast %swap3A_67 : vector<16xi32> to vector<16xi32>
      %swap3A_69 = vector.shape_cast %add3A_65 : vector<16xi32> to vector<16xi32>
      tpu.vector_store %arg6[%swap3A_66], %swap3A_69 {strides = array<i32>} : memref<80xi32, #tpu.memory_space<vmem>>, vector<16xi32>,
      %get3A_70 = arith.constant 32 : index
      %get3A_71 = tpu.vector_load %arg6[%get3A_70] {strides = array<i32>} : memref<80xi32, #tpu.memory_space<vmem>>, vector<16xi32>,
      %get3A_72 = vector.shape_cast %get3A_71 : vector<16xi32> to vector<16xi32>
      %add3A_73 = vector.broadcast %mul3A_20 : i32 to vector<16xi32>
      %add3A_74 = arith.addi %get3A_72, %add3A_73 : vector<16xi32>
      %swap3A_75 = arith.constant 32 : index
      %swap3A_76 = tpu.vector_load %arg6[%swap3A_75] {strides = array<i32>} : memref<80xi32, #tpu.memory_space<vmem>>, vector<16xi32>,
      %swap3A_77 = vector.shape_cast %swap3A_76 : vector<16xi32> to vector<16xi32>
      %swap3A_78 = vector.shape_cast %add3A_74 : vector<16xi32> to vector<16xi32>
      tpu.vector_store %arg6[%swap3A_75], %swap3A_78 {strides = array<i32>} : memref<80xi32, #tpu.memory_space<vmem>>, vector<16xi32>,
      %get3A_79 = arith.constant 48 : index
      %get3A_80 = tpu.vector_load %arg6[%get3A_79] {strides = array<i32>} : memref<80xi32, #tpu.memory_space<vmem>>, vector<16xi32>,
      %get3A_81 = vector.shape_cast %get3A_80 : vector<16xi32> to vector<16xi32>
      %add3A_82 = vector.broadcast %mul3A_20 : i32 to vector<16xi32>
      %add3A_83 = arith.addi %get3A_81, %add3A_82 : vector<16xi32>
      %swap3A_84 = arith.constant 48 : index
      %swap3A_85 = tpu.vector_load %arg6[%swap3A_84] {strides = array<i32>} : memref<80xi32, #tpu.memory_space<vmem>>, vector<16xi32>,
      %swap3A_86 = vector.shape_cast %swap3A_85 : vector<16xi32> to vector<16xi32>
      %swap3A_87 = vector.shape_cast %add3A_83 : vector<16xi32> to vector<16xi32>
      tpu.vector_store %arg6[%swap3A_84], %swap3A_87 {strides = array<i32>} : memref<80xi32, #tpu.memory_space<vmem>>, vector<16xi32>,
      %get3A_88 = arith.constant 64 : index
      %get3A_89 = tpu.vector_load %arg6[%get3A_88] {strides = array<i32>} : memref<80xi32, #tpu.memory_space<vmem>>, vector<16xi32>,
      %get3A_90 = vector.shape_cast %get3A_89 : vector<16xi32> to vector<16xi32>
      %add3A_91 = vector.broadcast %mul3A_20 : i32 to vector<16xi32>
      %add3A_92 = arith.addi %get3A_90, %add3A_91 : vector<16xi32>
      %swap3A_93 = arith.constant 64 : index
      %swap3A_94 = tpu.vector_load %arg6[%swap3A_93] {strides = array<i32>} : memref<80xi32, #tpu.memory_space<vmem>>, vector<16xi32>,
      %swap3A_95 = vector.shape_cast %swap3A_94 : vector<16xi32> to vector<16xi32>
      %swap3A_96 = vector.shape_cast %add3A_92 : vector<16xi32> to vector<16xi32>
      tpu.vector_store %arg6[%swap3A_93], %swap3A_96 {strides = array<i32>} : memref<80xi32, #tpu.memory_space<vmem>>, vector<16xi32>,
      %dma_start3A = arith.constant 0 : i32
      %dma_start3A_97 = arith.constant 0 : i32
      %dma_start3A_98 = tpu.memref_slice %arg2[%dma_start3A, %dma_start3A_97] : memref<20000x128xf32, #tpu.memory_space<hbm>> -> memref<20000x128xf32, #tpu.memory_space<hbm>>
      tpu.enqueue_indirect_dma source(%dma_start3A_98 : memref<20000x128xf32, #tpu.memory_space<hbm>>) target(%arg10 : memref<80x128xf32, #tpu.memory_space<vmem>>) offsets(%arg6 : memref<80xi32, #tpu.memory_space<vmem>>) semaphore(%arg14 : memref<!tpu.dma_semaphore, #tpu.memory_space<semaphore_mem>>)
      "tpu.region"() ({
        %run_scoped3A = tpu.sem_alloc : memref<!tpu.dma_semaphore, #tpu.memory_space<semaphore_mem>>
        %dma_start3A_153 = tpu.memref_slice %arg3[%add3A_53] : memref<320000xi32, #tpu.memory_space<hbm>> -> memref<80xi32, #tpu.memory_space<hbm>>
        %dma_start3A_154 = tpu.memref_slice %arg3[%add3A_53] : memref<320000xi32, #tpu.memory_space<hbm>> -> memref<80xi32, #tpu.memory_space<hbm>>
        tpu.enqueue_dma source(%dma_start3A_154 : memref<80xi32, #tpu.memory_space<hbm>>) target(%arg8 : memref<80xi32, #tpu.memory_space<vmem>>) target_semaphore(%run_scoped3A : memref<!tpu.dma_semaphore, #tpu.memory_space<semaphore_mem>>)
        %dma_wait3A_155 = tpu.memref_slice %arg3[%add3A_53] : memref<320000xi32, #tpu.memory_space<hbm>> -> memref<80xi32, #tpu.memory_space<hbm>>
        %dma_wait3A_156 = tpu.memref_slice %arg3[%add3A_53] : memref<320000xi32, #tpu.memory_space<hbm>> -> memref<80xi32, #tpu.memory_space<hbm>>
        tpu.wait_dma2 semaphore(%run_scoped3A : memref<!tpu.dma_semaphore, #tpu.memory_space<semaphore_mem>>) src(%dma_wait3A_156 : memref<80xi32, #tpu.memory_space<hbm>>) dst(%arg8 : memref<80xi32, #tpu.memory_space<vmem>>)
        tpu.yield
      }) : () -> ()
      "tpu.region"() ({
        %run_scoped3A = tpu.sem_alloc : memref<!tpu.dma_semaphore, #tpu.memory_space<semaphore_mem>>
        %dma_start3A_153 = tpu.memref_slice %arg4[%add3A_53] : memref<320000xi32, #tpu.memory_space<hbm>> -> memref<80xi32, #tpu.memory_space<hbm>>
        %dma_start3A_154 = tpu.memref_slice %arg4[%add3A_53] : memref<320000xi32, #tpu.memory_space<hbm>> -> memref<80xi32, #tpu.memory_space<hbm>>
        tpu.enqueue_dma source(%dma_start3A_154 : memref<80xi32, #tpu.memory_space<hbm>>) target(%arg9 : memref<80xi32, #tpu.memory_space<vmem>>) target_semaphore(%run_scoped3A : memref<!tpu.dma_semaphore, #tpu.memory_space<semaphore_mem>>)
        %dma_wait3A_155 = tpu.memref_slice %arg4[%add3A_53] : memref<320000xi32, #tpu.memory_space<hbm>> -> memref<80xi32, #tpu.memory_space<hbm>>
        %dma_wait3A_156 = tpu.memref_slice %arg4[%add3A_53] : memref<320000xi32, #tpu.memory_space<hbm>> -> memref<80xi32, #tpu.memory_space<hbm>>
        tpu.wait_dma2 semaphore(%run_scoped3A : memref<!tpu.dma_semaphore, #tpu.memory_space<semaphore_mem>>) src(%dma_wait3A_156 : memref<80xi32, #tpu.memory_space<hbm>>) dst(%arg9 : memref<80xi32, #tpu.memory_space<vmem>>)
        tpu.yield
      }) : () -> ()
      %get3A_99 = arith.constant 0 : index
      %get3A_100 = tpu.vector_load %arg8[%get3A_99] {strides = array<i32>} : memref<80xi32, #tpu.memory_space<vmem>>, vector<16xi32>,
      %get3A_101 = vector.shape_cast %get3A_100 : vector<16xi32> to vector<16xi32>
      %add3A_102 = vector.broadcast %mul3A_20 : i32 to vector<16xi32>
      %add3A_103 = arith.addi %get3A_101, %add3A_102 : vector<16xi32>
      %swap3A_104 = arith.constant 0 : index
      %swap3A_105 = tpu.vector_load %arg8[%swap3A_104] {strides = array<i32>} : memref<80xi32, #tpu.memory_space<vmem>>, vector<16xi32>,
      %swap3A_106 = vector.shape_cast %swap3A_105 : vector<16xi32> to vector<16xi32>
      %swap3A_107 = vector.shape_cast %add3A_103 : vector<16xi32> to vector<16xi32>
      tpu.vector_store %arg8[%swap3A_104], %swap3A_107 {strides = array<i32>} : memref<80xi32, #tpu.memory_space<vmem>>, vector<16xi32>,
      %get3A_108 = arith.constant 16 : index
      %get3A_109 = tpu.vector_load %arg8[%get3A_108] {strides = array<i32>} : memref<80xi32, #tpu.memory_space<vmem>>, vector<16xi32>,
      %get3A_110 = vector.shape_cast %get3A_109 : vector<16xi32> to vector<16xi32>
      %add3A_111 = vector.broadcast %mul3A_20 : i32 to vector<16xi32>
      %add3A_112 = arith.addi %get3A_110, %add3A_111 : vector<16xi32>
      %swap3A_113 = arith.constant 16 : index
      %swap3A_114 = tpu.vector_load %arg8[%swap3A_113] {strides = array<i32>} : memref<80xi32, #tpu.memory_space<vmem>>, vector<16xi32>,
      %swap3A_115 = vector.shape_cast %swap3A_114 : vector<16xi32> to vector<16xi32>
      %swap3A_116 = vector.shape_cast %add3A_112 : vector<16xi32> to vector<16xi32>
      tpu.vector_store %arg8[%swap3A_113], %swap3A_116 {strides = array<i32>} : memref<80xi32, #tpu.memory_space<vmem>>, vector<16xi32>,
      %get3A_117 = arith.constant 32 : index
      %get3A_118 = tpu.vector_load %arg8[%get3A_117] {strides = array<i32>} : memref<80xi32, #tpu.memory_space<vmem>>, vector<16xi32>,
      %get3A_119 = vector.shape_cast %get3A_118 : vector<16xi32> to vector<16xi32>
      %add3A_120 = vector.broadcast %mul3A_20 : i32 to vector<16xi32>
      %add3A_121 = arith.addi %get3A_119, %add3A_120 : vector<16xi32>
      %swap3A_122 = arith.constant 32 : index
      %swap3A_123 = tpu.vector_load %arg8[%swap3A_122] {strides = array<i32>} : memref<80xi32, #tpu.memory_space<vmem>>, vector<16xi32>,
      %swap3A_124 = vector.shape_cast %swap3A_123 : vector<16xi32> to vector<16xi32>
      %swap3A_125 = vector.shape_cast %add3A_121 : vector<16xi32> to vector<16xi32>
      tpu.vector_store %arg8[%swap3A_122], %swap3A_125 {strides = array<i32>} : memref<80xi32, #tpu.memory_space<vmem>>, vector<16xi32>,
      %get3A_126 = arith.constant 48 : index
      %get3A_127 = tpu.vector_load %arg8[%get3A_126] {strides = array<i32>} : memref<80xi32, #tpu.memory_space<vmem>>, vector<16xi32>,
      %get3A_128 = vector.shape_cast %get3A_127 : vector<16xi32> to vector<16xi32>
      %add3A_129 = vector.broadcast %mul3A_20 : i32 to vector<16xi32>
      %add3A_130 = arith.addi %get3A_128, %add3A_129 : vector<16xi32>
      %swap3A_131 = arith.constant 48 : index
      %swap3A_132 = tpu.vector_load %arg8[%swap3A_131] {strides = array<i32>} : memref<80xi32, #tpu.memory_space<vmem>>, vector<16xi32>,
      %swap3A_133 = vector.shape_cast %swap3A_132 : vector<16xi32> to vector<16xi32>
      %swap3A_134 = vector.shape_cast %add3A_130 : vector<16xi32> to vector<16xi32>
      tpu.vector_store %arg8[%swap3A_131], %swap3A_134 {strides = array<i32>} : memref<80xi32, #tpu.memory_space<vmem>>, vector<16xi32>,
      %get3A_135 = arith.constant 64 : index
      %get3A_136 = tpu.vector_load %arg8[%get3A_135] {strides = array<i32>} : memref<80xi32, #tpu.memory_space<vmem>>, vector<16xi32>,
      %get3A_137 = vector.shape_cast %get3A_136 : vector<16xi32> to vector<16xi32>
      %add3A_138 = vector.broadcast %mul3A_20 : i32 to vector<16xi32>
      %add3A_139 = arith.addi %get3A_137, %add3A_138 : vector<16xi32>
      %swap3A_140 = arith.constant 64 : index
      %swap3A_141 = tpu.vector_load %arg8[%swap3A_140] {strides = array<i32>} : memref<80xi32, #tpu.memory_space<vmem>>, vector<16xi32>,
      %swap3A_142 = vector.shape_cast %swap3A_141 : vector<16xi32> to vector<16xi32>
      %swap3A_143 = vector.shape_cast %add3A_139 : vector<16xi32> to vector<16xi32>
      tpu.vector_store %arg8[%swap3A_140], %swap3A_143 {strides = array<i32>} : memref<80xi32, #tpu.memory_space<vmem>>, vector<16xi32>,
      %dma_start3A_144 = arith.constant 0 : i32
      %dma_start3A_145 = arith.constant 0 : i32
      %dma_start3A_146 = tpu.memref_slice %arg2[%dma_start3A_144, %dma_start3A_145] : memref<20000x128xf32, #tpu.memory_space<hbm>> -> memref<20000x128xf32, #tpu.memory_space<hbm>>
      tpu.enqueue_indirect_dma source(%dma_start3A_146 : memref<20000x128xf32, #tpu.memory_space<hbm>>) target(%arg11 : memref<80x128xf32, #tpu.memory_space<vmem>>) offsets(%arg8 : memref<80xi32, #tpu.memory_space<vmem>>) semaphore(%arg15 : memref<!tpu.dma_semaphore, #tpu.memory_space<semaphore_mem>>)
      %dma_wait3A = arith.constant 0 : i32
      %dma_wait3A_147 = arith.constant 0 : i32
      %dma_wait3A_148 = tpu.memref_slice %arg2[%dma_wait3A, %dma_wait3A_147] : memref<20000x128xf32, #tpu.memory_space<hbm>> -> memref<20000x128xf32, #tpu.memory_space<hbm>>
      tpu.wait_indirect_dma semaphore(%arg14 : memref<!tpu.dma_semaphore, #tpu.memory_space<semaphore_mem>>) src(%dma_wait3A_148 : memref<20000x128xf32, #tpu.memory_space<hbm>>) dst(%arg10 : memref<80x128xf32, #tpu.memory_space<vmem>>)
      "tpu.region"() ({
        %run_scoped3A = tpu.sem_alloc : memref<!tpu.dma_semaphore, #tpu.memory_space<semaphore_mem>>
        %dma_start3A_153 = arith.constant 0 : i32
        %dma_start3A_154 = arith.constant 0 : i32
        %dma_start3A_155 = tpu.memref_slice %arg13[%dma_start3A_153, %dma_start3A_154] : memref<10000x128xf32, #tpu.memory_space<vmem_shared>> -> memref<10000x128xf32, #tpu.memory_space<vmem_shared>>
        tpu.enqueue_indirect_dma source(%arg10 : memref<80x128xf32, #tpu.memory_space<vmem>>) target(%dma_start3A_155 : memref<10000x128xf32, #tpu.memory_space<vmem_shared>>) offsets(%arg7 : memref<80xi32, #tpu.memory_space<vmem>>) semaphore(%run_scoped3A : memref<!tpu.dma_semaphore, #tpu.memory_space<semaphore_mem>>) {add = true}
        %dma_wait3A_156 = arith.constant 0 : i32
        %dma_wait3A_157 = arith.constant 0 : i32
        %dma_wait3A_158 = tpu.memref_slice %arg13[%dma_wait3A_156, %dma_wait3A_157] : memref<10000x128xf32, #tpu.memory_space<vmem_shared>> -> memref<10000x128xf32, #tpu.memory_space<vmem_shared>>
        tpu.wait_indirect_dma semaphore(%run_scoped3A : memref<!tpu.dma_semaphore, #tpu.memory_space<semaphore_mem>>) src(%arg10 : memref<80x128xf32, #tpu.memory_space<vmem>>) dst(%dma_wait3A_158 : memref<10000x128xf32, #tpu.memory_space<vmem_shared>>)
        tpu.yield
      }) : () -> ()
      %dma_wait3A_149 = arith.constant 0 : i32
      %dma_wait3A_150 = arith.constant 0 : i32
      %dma_wait3A_151 = tpu.memref_slice %arg2[%dma_wait3A_149, %dma_wait3A_150] : memref<20000x128xf32, #tpu.memory_space<hbm>> -> memref<20000x128xf32, #tpu.memory_space<hbm>>
      tpu.wait_indirect_dma semaphore(%arg15 : memref<!tpu.dma_semaphore, #tpu.memory_space<semaphore_mem>>) src(%dma_wait3A_151 : memref<20000x128xf32, #tpu.memory_space<hbm>>) dst(%arg11 : memref<80x128xf32, #tpu.memory_space<vmem>>)
      "tpu.region"() ({
        %run_scoped3A = tpu.sem_alloc : memref<!tpu.dma_semaphore, #tpu.memory_space<semaphore_mem>>
        %dma_start3A_153 = arith.constant 0 : i32
        %dma_start3A_154 = arith.constant 0 : i32
        %dma_start3A_155 = tpu.memref_slice %arg13[%dma_start3A_153, %dma_start3A_154] : memref<10000x128xf32, #tpu.memory_space<vmem_shared>> -> memref<10000x128xf32, #tpu.memory_space<vmem_shared>>
        tpu.enqueue_indirect_dma source(%arg11 : memref<80x128xf32, #tpu.memory_space<vmem>>) target(%dma_start3A_155 : memref<10000x128xf32, #tpu.memory_space<vmem_shared>>) offsets(%arg9 : memref<80xi32, #tpu.memory_space<vmem>>) semaphore(%run_scoped3A : memref<!tpu.dma_semaphore, #tpu.memory_space<semaphore_mem>>) {add = true}
        %dma_wait3A_156 = arith.constant 0 : i32
        %dma_wait3A_157 = arith.constant 0 : i32
        %dma_wait3A_158 = tpu.memref_slice %arg13[%dma_wait3A_156, %dma_wait3A_157] : memref<10000x128xf32, #tpu.memory_space<vmem_shared>> -> memref<10000x128xf32, #tpu.memory_space<vmem_shared>>
        tpu.wait_indirect_dma semaphore(%run_scoped3A : memref<!tpu.dma_semaphore, #tpu.memory_space<semaphore_mem>>) src(%arg11 : memref<80x128xf32, #tpu.memory_space<vmem>>) dst(%dma_wait3A_158 : memref<10000x128xf32, #tpu.memory_space<vmem_shared>>)
        tpu.yield
      }) : () -> ()
      %scan3A_152 = arith.constant 0 : i32
      scf.yield %scan3A_152 : i32
    }
    %scan3A_27 = arith.constant 125 : i32
    %barrier3A_28 = arith.constant 0 : index
    tpu.barrier barrier_id(%barrier3A_28)
    %mul3A_29 = arith.constant 624 : i32
    %mul3A_30 = arith.muli %arg1, %mul3A_29 : i32
    %scan3A_31 = arith.constant 0 : i32
    %scan3A_32 = arith.constant 0 : i32
    %scan3A_33 = arith.constant 7 : i32
    %scan3A_34 = arith.addi %scan3A_32, %scan3A_33 : i32
    %scan3A_35 = arith.constant 1 : i32
    %scan3A_36 = scf.for %scan3A_45 = %scan3A_32 to %scan3A_34 step %scan3A_35 iter_args(%scan3A_46 = %scan3A_31) -> (i32)  : i32 {
      %mul3A_47 = arith.constant 80 : i32
      %mul3A_48 = arith.muli %scan3A_45, %mul3A_47 : i32
      %add3A_49 = arith.addi %mul3A_30, %mul3A_48 : i32
      "tpu.region"() ({
        %run_scoped3A = tpu.sem_alloc : memref<!tpu.dma_semaphore, #tpu.memory_space<semaphore_mem>>
        %dma_start3A = arith.constant 0 : i32
        %dma_start3A_51 = tpu.memref_slice %arg13[%add3A_49, %dma_start3A] : memref<10000x128xf32, #tpu.memory_space<vmem_shared>> -> memref<80x128xf32, #tpu.memory_space<vmem_shared>>
        %dma_start3A_52 = arith.constant 0 : i32
        %dma_start3A_53 = tpu.memref_slice %arg13[%add3A_49, %dma_start3A_52] : memref<10000x128xf32, #tpu.memory_space<vmem_shared>> -> memref<80x128xf32, #tpu.memory_space<vmem_shared>>
        tpu.enqueue_dma source(%dma_start3A_53 : memref<80x128xf32, #tpu.memory_space<vmem_shared>>) target(%arg12 : memref<80x128xf32, #tpu.memory_space<vmem>>) target_semaphore(%run_scoped3A : memref<!tpu.dma_semaphore, #tpu.memory_space<semaphore_mem>>)
        %dma_wait3A = arith.constant 0 : i32
        %dma_wait3A_54 = tpu.memref_slice %arg13[%add3A_49, %dma_wait3A] : memref<10000x128xf32, #tpu.memory_space<vmem_shared>> -> memref<80x128xf32, #tpu.memory_space<vmem_shared>>
        %dma_wait3A_55 = arith.constant 0 : i32
        %dma_wait3A_56 = tpu.memref_slice %arg13[%add3A_49, %dma_wait3A_55] : memref<10000x128xf32, #tpu.memory_space<vmem_shared>> -> memref<80x128xf32, #tpu.memory_space<vmem_shared>>
        tpu.wait_dma2 semaphore(%run_scoped3A : memref<!tpu.dma_semaphore, #tpu.memory_space<semaphore_mem>>) src(%dma_wait3A_56 : memref<80x128xf32, #tpu.memory_space<vmem_shared>>) dst(%arg12 : memref<80x128xf32, #tpu.memory_space<vmem>>)
        tpu.yield
      }) : () -> ()
      "tpu.region"() ({
        %run_scoped3A = tpu.sem_alloc : memref<!tpu.dma_semaphore, #tpu.memory_space<semaphore_mem>>
        %dma_start3A = arith.constant 0 : i32
        %dma_start3A_51 = arith.constant 0 : i32
        %dma_start3A_52 = tpu.memref_slice %arg5[%arg0, %dma_start3A, %dma_start3A_51] : memref<2x10000x128xf32, #tpu.memory_space<hbm>> -> memref<1x10000x128xf32, #tpu.memory_space<hbm>>
        %dma_start3A_53 = tpu.memref_squeeze %dma_start3A_52 : memref<1x10000x128xf32, #tpu.memory_space<hbm>> -> memref<10000x128xf32, #tpu.memory_space<hbm>>
        %dma_start3A_54 = arith.constant 0 : i32
        %dma_start3A_55 = tpu.memref_slice %dma_start3A_53[%add3A_49, %dma_start3A_54] : memref<10000x128xf32, #tpu.memory_space<hbm>> -> memref<80x128xf32, #tpu.memory_space<hbm>>
        %dma_start3A_56 = arith.constant 0 : i32
        %dma_start3A_57 = arith.constant 0 : i32
        %dma_start3A_58 = tpu.memref_slice %arg5[%arg0, %dma_start3A_56, %dma_start3A_57] : memref<2x10000x128xf32, #tpu.memory_space<hbm>> -> memref<1x10000x128xf32, #tpu.memory_space<hbm>>
        %dma_start3A_59 = tpu.memref_squeeze %dma_start3A_58 : memref<1x10000x128xf32, #tpu.memory_space<hbm>> -> memref<10000x128xf32, #tpu.memory_space<hbm>>
        %dma_start3A_60 = arith.constant 0 : i32
        %dma_start3A_61 = tpu.memref_slice %dma_start3A_59[%add3A_49, %dma_start3A_60] : memref<10000x128xf32, #tpu.memory_space<hbm>> -> memref<80x128xf32, #tpu.memory_space<hbm>>
        tpu.enqueue_dma source(%arg12 : memref<80x128xf32, #tpu.memory_space<vmem>>) target(%dma_start3A_61 : memref<80x128xf32, #tpu.memory_space<hbm>>) target_semaphore(%run_scoped3A : memref<!tpu.dma_semaphore, #tpu.memory_space<semaphore_mem>>)
        %dma_wait3A = arith.constant 0 : i32
        %dma_wait3A_62 = arith.constant 0 : i32
        %dma_wait3A_63 = tpu.memref_slice %arg5[%arg0, %dma_wait3A, %dma_wait3A_62] : memref<2x10000x128xf32, #tpu.memory_space<hbm>> -> memref<1x10000x128xf32, #tpu.memory_space<hbm>>
        %dma_wait3A_64 = tpu.memref_squeeze %dma_wait3A_63 : memref<1x10000x128xf32, #tpu.memory_space<hbm>> -> memref<10000x128xf32, #tpu.memory_space<hbm>>
        %dma_wait3A_65 = arith.constant 0 : i32
        %dma_wait3A_66 = tpu.memref_slice %dma_wait3A_64[%add3A_49, %dma_wait3A_65] : memref<10000x128xf32, #tpu.memory_space<hbm>> -> memref<80x128xf32, #tpu.memory_space<hbm>>
        %dma_wait3A_67 = arith.constant 0 : i32
        %dma_wait3A_68 = arith.constant 0 : i32
        %dma_wait3A_69 = tpu.memref_slice %arg5[%arg0, %dma_wait3A_67, %dma_wait3A_68] : memref<2x10000x128xf32, #tpu.memory_space<hbm>> -> memref<1x10000x128xf32, #tpu.memory_space<hbm>>
        %dma_wait3A_70 = tpu.memref_squeeze %dma_wait3A_69 : memref<1x10000x128xf32, #tpu.memory_space<hbm>> -> memref<10000x128xf32, #tpu.memory_space<hbm>>
        %dma_wait3A_71 = arith.constant 0 : i32
        %dma_wait3A_72 = tpu.memref_slice %dma_wait3A_70[%add3A_49, %dma_wait3A_71] : memref<10000x128xf32, #tpu.memory_space<hbm>> -> memref<80x128xf32, #tpu.memory_space<hbm>>
        tpu.wait_dma2 semaphore(%run_scoped3A : memref<!tpu.dma_semaphore, #tpu.memory_space<semaphore_mem>>) src(%arg12 : memref<80x128xf32, #tpu.memory_space<vmem>>) dst(%dma_wait3A_72 : memref<80x128xf32, #tpu.memory_space<hbm>>)
        tpu.yield
      }) : () -> ()
      %scan3A_50 = arith.constant 0 : i32
      scf.yield %scan3A_50 : i32
    }
    %scan3A_37 = arith.constant 7 : i32
    %add3A_38 = arith.constant 560 : i32
    %add3A_39 = arith.addi %mul3A_30, %add3A_38 : i32
    "tpu.region"() ({
      %run_scoped3A = tpu.sem_alloc : memref<!tpu.dma_semaphore, #tpu.memory_space<semaphore_mem>>
      %dma_start3A = arith.constant 0 : i32
      %dma_start3A_45 = arith.constant 0 : i32
      %dma_start3A_46 = tpu.memref_slice %arg12[%dma_start3A, %dma_start3A_45] : memref<80x128xf32, #tpu.memory_space<vmem>> -> memref<64x128xf32, #tpu.memory_space<vmem>>
      %dma_start3A_47 = arith.constant 0 : i32
      %dma_start3A_48 = tpu.memref_slice %arg13[%add3A_39, %dma_start3A_47] : memref<10000x128xf32, #tpu.memory_space<vmem_shared>> -> memref<64x128xf32, #tpu.memory_space<vmem_shared>>
      %dma_start3A_49 = arith.constant 0 : i32
      %dma_start3A_50 = arith.constant 0 : i32
      %dma_start3A_51 = tpu.memref_slice %arg12[%dma_start3A_49, %dma_start3A_50] : memref<80x128xf32, #tpu.memory_space<vmem>> -> memref<64x128xf32, #tpu.memory_space<vmem>>
      %dma_start3A_52 = arith.constant 0 : i32
      %dma_start3A_53 = tpu.memref_slice %arg13[%add3A_39, %dma_start3A_52] : memref<10000x128xf32, #tpu.memory_space<vmem_shared>> -> memref<64x128xf32, #tpu.memory_space<vmem_shared>>
      tpu.enqueue_dma source(%dma_start3A_53 : memref<64x128xf32, #tpu.memory_space<vmem_shared>>) target(%dma_start3A_51 : memref<64x128xf32, #tpu.memory_space<vmem>>) target_semaphore(%run_scoped3A : memref<!tpu.dma_semaphore, #tpu.memory_space<semaphore_mem>>)
      %dma_wait3A = arith.constant 0 : i32
      %dma_wait3A_54 = arith.constant 0 : i32
      %dma_wait3A_55 = tpu.memref_slice %arg12[%dma_wait3A, %dma_wait3A_54] : memref<80x128xf32, #tpu.memory_space<vmem>> -> memref<64x128xf32, #tpu.memory_space<vmem>>
      %dma_wait3A_56 = arith.constant 0 : i32
      %dma_wait3A_57 = tpu.memref_slice %arg13[%add3A_39, %dma_wait3A_56] : memref<10000x128xf32, #tpu.memory_space<vmem_shared>> -> memref<64x128xf32, #tpu.memory_space<vmem_shared>>
      %dma_wait3A_58 = arith.constant 0 : i32
      %dma_wait3A_59 = arith.constant 0 : i32
      %dma_wait3A_60 = tpu.memref_slice %arg12[%dma_wait3A_58, %dma_wait3A_59] : memref<80x128xf32, #tpu.memory_space<vmem>> -> memref<64x128xf32, #tpu.memory_space<vmem>>
      %dma_wait3A_61 = arith.constant 0 : i32
      %dma_wait3A_62 = tpu.memref_slice %arg13[%add3A_39, %dma_wait3A_61] : memref<10000x128xf32, #tpu.memory_space<vmem_shared>> -> memref<64x128xf32, #tpu.memory_space<vmem_shared>>
      tpu.wait_dma2 semaphore(%run_scoped3A : memref<!tpu.dma_semaphore, #tpu.memory_space<semaphore_mem>>) src(%dma_wait3A_62 : memref<64x128xf32, #tpu.memory_space<vmem_shared>>) dst(%dma_wait3A_60 : memref<64x128xf32, #tpu.memory_space<vmem>>)
      tpu.yield
    }) : () -> ()
    "tpu.region"() ({
      %run_scoped3A = tpu.sem_alloc : memref<!tpu.dma_semaphore, #tpu.memory_space<semaphore_mem>>
      %dma_start3A = arith.constant 0 : i32
      %dma_start3A_45 = arith.constant 0 : i32
      %dma_start3A_46 = tpu.memref_slice %arg12[%dma_start3A, %dma_start3A_45] : memref<80x128xf32, #tpu.memory_space<vmem>> -> memref<64x128xf32, #tpu.memory_space<vmem>>
      %dma_start3A_47 = arith.constant 0 : i32
      %dma_start3A_48 = arith.constant 0 : i32
      %dma_start3A_49 = tpu.memref_slice %arg5[%arg0, %dma_start3A_47, %dma_start3A_48] : memref<2x10000x128xf32, #tpu.memory_space<hbm>> -> memref<1x10000x128xf32, #tpu.memory_space<hbm>>
      %dma_start3A_50 = tpu.memref_squeeze %dma_start3A_49 : memref<1x10000x128xf32, #tpu.memory_space<hbm>> -> memref<10000x128xf32, #tpu.memory_space<hbm>>
      %dma_start3A_51 = arith.constant 0 : i32
      %dma_start3A_52 = tpu.memref_slice %dma_start3A_50[%add3A_39, %dma_start3A_51] : memref<10000x128xf32, #tpu.memory_space<hbm>> -> memref<64x128xf32, #tpu.memory_space<hbm>>
      %dma_start3A_53 = arith.constant 0 : i32
      %dma_start3A_54 = arith.constant 0 : i32
      %dma_start3A_55 = tpu.memref_slice %arg5[%arg0, %dma_start3A_53, %dma_start3A_54] : memref<2x10000x128xf32, #tpu.memory_space<hbm>> -> memref<1x10000x128xf32, #tpu.memory_space<hbm>>
      %dma_start3A_56 = tpu.memref_squeeze %dma_start3A_55 : memref<1x10000x128xf32, #tpu.memory_space<hbm>> -> memref<10000x128xf32, #tpu.memory_space<hbm>>
      %dma_start3A_57 = arith.constant 0 : i32
      %dma_start3A_58 = tpu.memref_slice %dma_start3A_56[%add3A_39, %dma_start3A_57] : memref<10000x128xf32, #tpu.memory_space<hbm>> -> memref<64x128xf32, #tpu.memory_space<hbm>>
      %dma_start3A_59 = arith.constant 0 : i32
      %dma_start3A_60 = arith.constant 0 : i32
      %dma_start3A_61 = tpu.memref_slice %arg12[%dma_start3A_59, %dma_start3A_60] : memref<80x128xf32, #tpu.memory_space<vmem>> -> memref<64x128xf32, #tpu.memory_space<vmem>>
      tpu.enqueue_dma source(%dma_start3A_61 : memref<64x128xf32, #tpu.memory_space<vmem>>) target(%dma_start3A_58 : memref<64x128xf32, #tpu.memory_space<hbm>>) target_semaphore(%run_scoped3A : memref<!tpu.dma_semaphore, #tpu.memory_space<semaphore_mem>>)
      %dma_wait3A = arith.constant 0 : i32
      %dma_wait3A_62 = arith.constant 0 : i32
      %dma_wait3A_63 = tpu.memref_slice %arg12[%dma_wait3A, %dma_wait3A_62] : memref<80x128xf32, #tpu.memory_space<vmem>> -> memref<64x128xf32, #tpu.memory_space<vmem>>
      %dma_wait3A_64 = arith.constant 0 : i32
      %dma_wait3A_65 = arith.constant 0 : i32
      %dma_wait3A_66 = tpu.memref_slice %arg5[%arg0, %dma_wait3A_64, %dma_wait3A_65] : memref<2x10000x128xf32, #tpu.memory_space<hbm>> -> memref<1x10000x128xf32, #tpu.memory_space<hbm>>
      %dma_wait3A_67 = tpu.memref_squeeze %dma_wait3A_66 : memref<1x10000x128xf32, #tpu.memory_space<hbm>> -> memref<10000x128xf32, #tpu.memory_space<hbm>>
      %dma_wait3A_68 = arith.constant 0 : i32
      %dma_wait3A_69 = tpu.memref_slice %dma_wait3A_67[%add3A_39, %dma_wait3A_68] : memref<10000x128xf32, #tpu.memory_space<hbm>> -> memref<64x128xf32, #tpu.memory_space<hbm>>
      %dma_wait3A_70 = arith.constant 0 : i32
      %dma_wait3A_71 = arith.constant 0 : i32
      %dma_wait3A_72 = tpu.memref_slice %arg5[%arg0, %dma_wait3A_70, %dma_wait3A_71] : memref<2x10000x128xf32, #tpu.memory_space<hbm>> -> memref<1x10000x128xf32, #tpu.memory_space<hbm>>
      %dma_wait3A_73 = tpu.memref_squeeze %dma_wait3A_72 : memref<1x10000x128xf32, #tpu.memory_space<hbm>> -> memref<10000x128xf32, #tpu.memory_space<hbm>>
      %dma_wait3A_74 = arith.constant 0 : i32
      %dma_wait3A_75 = tpu.memref_slice %dma_wait3A_73[%add3A_39, %dma_wait3A_74] : memref<10000x128xf32, #tpu.memory_space<hbm>> -> memref<64x128xf32, #tpu.memory_space<hbm>>
      %dma_wait3A_76 = arith.constant 0 : i32
      %dma_wait3A_77 = arith.constant 0 : i32
      %dma_wait3A_78 = tpu.memref_slice %arg12[%dma_wait3A_76, %dma_wait3A_77] : memref<80x128xf32, #tpu.memory_space<vmem>> -> memref<64x128xf32, #tpu.memory_space<vmem>>
      tpu.wait_dma2 semaphore(%run_scoped3A : memref<!tpu.dma_semaphore, #tpu.memory_space<semaphore_mem>>) src(%dma_wait3A_78 : memref<64x128xf32, #tpu.memory_space<vmem>>) dst(%dma_wait3A_75 : memref<64x128xf32, #tpu.memory_space<hbm>>)
      tpu.yield
    }) : () -> ()
    %eq3A_40 = arith.constant 0 : i32
    %eq3A_41 = arith.cmpi eq, %arg1, %eq3A_40 : i32
    %convert_element_type3A_42 = arith.extui %eq3A_41 : i1 to i32
    %cond3A_43 = arith.constant 0 : i32
    %cond3A_44 = arith.cmpi ne, %convert_element_type3A_42, %cond3A_43 : i32
    scf.if %cond3A_44 {
      "tpu.region"() ({
        %run_scoped3A = tpu.sem_alloc : memref<!tpu.dma_semaphore, #tpu.memory_space<semaphore_mem>>
        %dma_start3A = arith.constant 0 : i32
        %dma_start3A_45 = arith.constant 0 : i32
        %dma_start3A_46 = tpu.memref_slice %arg12[%dma_start3A, %dma_start3A_45] : memref<80x128xf32, #tpu.memory_space<vmem>> -> memref<16x128xf32, #tpu.memory_space<vmem>>
        %dma_start3A_47 = arith.constant 9984 : i32
        %dma_start3A_48 = arith.constant 0 : i32
        %dma_start3A_49 = tpu.memref_slice %arg13[%dma_start3A_47, %dma_start3A_48] : memref<10000x128xf32, #tpu.memory_space<vmem_shared>> -> memref<16x128xf32, #tpu.memory_space<vmem_shared>>
        %dma_start3A_50 = arith.constant 0 : i32
        %dma_start3A_51 = arith.constant 0 : i32
        %dma_start3A_52 = tpu.memref_slice %arg12[%dma_start3A_50, %dma_start3A_51] : memref<80x128xf32, #tpu.memory_space<vmem>> -> memref<16x128xf32, #tpu.memory_space<vmem>>
        %dma_start3A_53 = arith.constant 9984 : i32
        %dma_start3A_54 = arith.constant 0 : i32
        %dma_start3A_55 = tpu.memref_slice %arg13[%dma_start3A_53, %dma_start3A_54] : memref<10000x128xf32, #tpu.memory_space<vmem_shared>> -> memref<16x128xf32, #tpu.memory_space<vmem_shared>>
        tpu.enqueue_dma source(%dma_start3A_55 : memref<16x128xf32, #tpu.memory_space<vmem_shared>>) target(%dma_start3A_52 : memref<16x128xf32, #tpu.memory_space<vmem>>) target_semaphore(%run_scoped3A : memref<!tpu.dma_semaphore, #tpu.memory_space<semaphore_mem>>)
        %dma_wait3A = arith.constant 0 : i32
        %dma_wait3A_56 = arith.constant 0 : i32
        %dma_wait3A_57 = tpu.memref_slice %arg12[%dma_wait3A, %dma_wait3A_56] : memref<80x128xf32, #tpu.memory_space<vmem>> -> memref<16x128xf32, #tpu.memory_space<vmem>>
        %dma_wait3A_58 = arith.constant 9984 : i32
        %dma_wait3A_59 = arith.constant 0 : i32
        %dma_wait3A_60 = tpu.memref_slice %arg13[%dma_wait3A_58, %dma_wait3A_59] : memref<10000x128xf32, #tpu.memory_space<vmem_shared>> -> memref<16x128xf32, #tpu.memory_space<vmem_shared>>
        %dma_wait3A_61 = arith.constant 0 : i32
        %dma_wait3A_62 = arith.constant 0 : i32
        %dma_wait3A_63 = tpu.memref_slice %arg12[%dma_wait3A_61, %dma_wait3A_62] : memref<80x128xf32, #tpu.memory_space<vmem>> -> memref<16x128xf32, #tpu.memory_space<vmem>>
        %dma_wait3A_64 = arith.constant 9984 : i32
        %dma_wait3A_65 = arith.constant 0 : i32
        %dma_wait3A_66 = tpu.memref_slice %arg13[%dma_wait3A_64, %dma_wait3A_65] : memref<10000x128xf32, #tpu.memory_space<vmem_shared>> -> memref<16x128xf32, #tpu.memory_space<vmem_shared>>
        tpu.wait_dma2 semaphore(%run_scoped3A : memref<!tpu.dma_semaphore, #tpu.memory_space<semaphore_mem>>) src(%dma_wait3A_66 : memref<16x128xf32, #tpu.memory_space<vmem_shared>>) dst(%dma_wait3A_63 : memref<16x128xf32, #tpu.memory_space<vmem>>)
        tpu.yield
      }) : () -> ()
      "tpu.region"() ({
        %run_scoped3A = tpu.sem_alloc : memref<!tpu.dma_semaphore, #tpu.memory_space<semaphore_mem>>
        %dma_start3A = arith.constant 0 : i32
        %dma_start3A_45 = arith.constant 0 : i32
        %dma_start3A_46 = tpu.memref_slice %arg12[%dma_start3A, %dma_start3A_45] : memref<80x128xf32, #tpu.memory_space<vmem>> -> memref<16x128xf32, #tpu.memory_space<vmem>>
        %dma_start3A_47 = arith.constant 0 : i32
        %dma_start3A_48 = arith.constant 0 : i32
        %dma_start3A_49 = tpu.memref_slice %arg5[%arg0, %dma_start3A_47, %dma_start3A_48] : memref<2x10000x128xf32, #tpu.memory_space<hbm>> -> memref<1x10000x128xf32, #tpu.memory_space<hbm>>
        %dma_start3A_50 = tpu.memref_squeeze %dma_start3A_49 : memref<1x10000x128xf32, #tpu.memory_space<hbm>> -> memref<10000x128xf32, #tpu.memory_space<hbm>>
        %dma_start3A_51 = arith.constant 9984 : i32
        %dma_start3A_52 = arith.constant 0 : i32
        %dma_start3A_53 = tpu.memref_slice %dma_start3A_50[%dma_start3A_51, %dma_start3A_52] : memref<10000x128xf32, #tpu.memory_space<hbm>> -> memref<16x128xf32, #tpu.memory_space<hbm>>
        %dma_start3A_54 = arith.constant 0 : i32
        %dma_start3A_55 = arith.constant 0 : i32
        %dma_start3A_56 = tpu.memref_slice %arg5[%arg0, %dma_start3A_54, %dma_start3A_55] : memref<2x10000x128xf32, #tpu.memory_space<hbm>> -> memref<1x10000x128xf32, #tpu.memory_space<hbm>>
        %dma_start3A_57 = tpu.memref_squeeze %dma_start3A_56 : memref<1x10000x128xf32, #tpu.memory_space<hbm>> -> memref<10000x128xf32, #tpu.memory_space<hbm>>
        %dma_start3A_58 = arith.constant 9984 : i32
        %dma_start3A_59 = arith.constant 0 : i32
        %dma_start3A_60 = tpu.memref_slice %dma_start3A_57[%dma_start3A_58, %dma_start3A_59] : memref<10000x128xf32, #tpu.memory_space<hbm>> -> memref<16x128xf32, #tpu.memory_space<hbm>>
        %dma_start3A_61 = arith.constant 0 : i32
        %dma_start3A_62 = arith.constant 0 : i32
        %dma_start3A_63 = tpu.memref_slice %arg12[%dma_start3A_61, %dma_start3A_62] : memref<80x128xf32, #tpu.memory_space<vmem>> -> memref<16x128xf32, #tpu.memory_space<vmem>>
        tpu.enqueue_dma source(%dma_start3A_63 : memref<16x128xf32, #tpu.memory_space<vmem>>) target(%dma_start3A_60 : memref<16x128xf32, #tpu.memory_space<hbm>>) target_semaphore(%run_scoped3A : memref<!tpu.dma_semaphore, #tpu.memory_space<semaphore_mem>>)
        %dma_wait3A = arith.constant 0 : i32
        %dma_wait3A_64 = arith.constant 0 : i32
        %dma_wait3A_65 = tpu.memref_slice %arg12[%dma_wait3A, %dma_wait3A_64] : memref<80x128xf32, #tpu.memory_space<vmem>> -> memref<16x128xf32, #tpu.memory_space<vmem>>
        %dma_wait3A_66 = arith.constant 0 : i32
        %dma_wait3A_67 = arith.constant 0 : i32
        %dma_wait3A_68 = tpu.memref_slice %arg5[%arg0, %dma_wait3A_66, %dma_wait3A_67] : memref<2x10000x128xf32, #tpu.memory_space<hbm>> -> memref<1x10000x128xf32, #tpu.memory_space<hbm>>
        %dma_wait3A_69 = tpu.memref_squeeze %dma_wait3A_68 : memref<1x10000x128xf32, #tpu.memory_space<hbm>> -> memref<10000x128xf32, #tpu.memory_space<hbm>>
        %dma_wait3A_70 = arith.constant 9984 : i32
        %dma_wait3A_71 = arith.constant 0 : i32
        %dma_wait3A_72 = tpu.memref_slice %dma_wait3A_69[%dma_wait3A_70, %dma_wait3A_71] : memref<10000x128xf32, #tpu.memory_space<hbm>> -> memref<16x128xf32, #tpu.memory_space<hbm>>
        %dma_wait3A_73 = arith.constant 0 : i32
        %dma_wait3A_74 = arith.constant 0 : i32
        %dma_wait3A_75 = tpu.memref_slice %arg5[%arg0, %dma_wait3A_73, %dma_wait3A_74] : memref<2x10000x128xf32, #tpu.memory_space<hbm>> -> memref<1x10000x128xf32, #tpu.memory_space<hbm>>
        %dma_wait3A_76 = tpu.memref_squeeze %dma_wait3A_75 : memref<1x10000x128xf32, #tpu.memory_space<hbm>> -> memref<10000x128xf32, #tpu.memory_space<hbm>>
        %dma_wait3A_77 = arith.constant 9984 : i32
        %dma_wait3A_78 = arith.constant 0 : i32
        %dma_wait3A_79 = tpu.memref_slice %dma_wait3A_76[%dma_wait3A_77, %dma_wait3A_78] : memref<10000x128xf32, #tpu.memory_space<hbm>> -> memref<16x128xf32, #tpu.memory_space<hbm>>
        %dma_wait3A_80 = arith.constant 0 : i32
        %dma_wait3A_81 = arith.constant 0 : i32
        %dma_wait3A_82 = tpu.memref_slice %arg12[%dma_wait3A_80, %dma_wait3A_81] : memref<80x128xf32, #tpu.memory_space<vmem>> -> memref<16x128xf32, #tpu.memory_space<vmem>>
        tpu.wait_dma2 semaphore(%run_scoped3A : memref<!tpu.dma_semaphore, #tpu.memory_space<semaphore_mem>>) src(%dma_wait3A_82 : memref<16x128xf32, #tpu.memory_space<vmem>>) dst(%dma_wait3A_79 : memref<16x128xf32, #tpu.memory_space<hbm>>)
        tpu.yield
      }) : () -> ()
    } else {
    }
    return
  }
}

#map = affine_map<(d0, d1) -> (0, 0)>
#map1 = affine_map<(d0, d1) -> (0)>
#map2 = affine_map<(d0, d1) -> (0, 0, 0)>
module attributes {stable_mosaic.version = 14 : i64} {
  func.func @k(%arg0: i32, %arg1: i32, %arg2: memref<10000x128xf32, #tpu.memory_space<hbm>>, %arg3: memref<320000xi32, #tpu.memory_space<hbm>>, %arg4: memref<320000xi32, #tpu.memory_space<hbm>>, %arg5: memref<2x10000x128xf32, #tpu.memory_space<hbm>>, %arg6: memref<2x10000x128xf32, #tpu.memory_space<hbm>>, %arg7: memref<80xi32, #tpu.memory_space<vmem>>, %arg8: memref<80xi32, #tpu.memory_space<vmem>>, %arg9: memref<80xi32, #tpu.memory_space<vmem>>, %arg10: memref<80xi32, #tpu.memory_space<vmem>>, %arg11: memref<80x128xf32, #tpu.memory_space<vmem>>, %arg12: memref<80x128xf32, #tpu.memory_space<vmem>>, %arg13: memref<80x128xf32, #tpu.memory_space<vmem>>, %arg14: memref<10000x128xf32, #tpu.memory_space<vmem_shared>>, %arg15: memref<!tpu.dma_semaphore, #tpu.memory_space<semaphore_mem>>, %arg16: memref<!tpu.dma_semaphore, #tpu.memory_space<semaphore_mem>>) attributes {dimension_semantics = [#tpu.dimension_semantics<core_parallel>, #tpu.dimension_semantics<subcore_parallel>], iteration_bounds = array<i64: 2, 16>, scalar_prefetch = 0 : i64, scratch_operands = 10 : i64, tpu.core_type = #tpu.core_type<sc_vector_subcore>, window_params = [{transform_indices = #map}, {transform_indices = #map1}, {transform_indices = #map1}, {transform_indices = #map2}, {transform_indices = #map2}]} {
    %scan3A = arith.constant 0 : i32
    %scan3A_0 = arith.constant 0 : i32
    %scan3A_1 = arith.constant 80 : i32
    %scan3A_2 = arith.addi %scan3A_0, %scan3A_1 : i32
    %scan3A_3 = arith.constant 1 : i32
    %scan3A_4 = scf.for %scan3A_107 = %scan3A_0 to %scan3A_2 step %scan3A_3 iter_args(%scan3A_108 = %scan3A) -> (i32)  : i32 {
      %broadcast_in_dim3A = arith.constant 0.000000e+00 : f32
      %broadcast_in_dim3A_109 = vector.broadcast %broadcast_in_dim3A : f32 to vector<16xf32>
      %swap3A = arith.index_cast %scan3A_107 : i32 to index
      %swap3A_110 = arith.constant 0 : index
      %swap3A_111 = tpu.vector_load %arg13[%swap3A, %swap3A_110] {strides = array<i32>} : memref<80x128xf32, #tpu.memory_space<vmem>>, vector<1x16xf32>,
      %swap3A_112 = vector.shape_cast %swap3A_111 : vector<1x16xf32> to vector<16xf32>
      %swap3A_113 = vector.shape_cast %broadcast_in_dim3A_109 : vector<16xf32> to vector<1x16xf32>
      tpu.vector_store %arg13[%swap3A, %swap3A_110], %swap3A_113 {strides = array<i32>} : memref<80x128xf32, #tpu.memory_space<vmem>>, vector<1x16xf32>,
      %broadcast_in_dim3A_114 = arith.constant 0.000000e+00 : f32
      %broadcast_in_dim3A_115 = vector.broadcast %broadcast_in_dim3A_114 : f32 to vector<16xf32>
      %swap3A_116 = arith.index_cast %scan3A_107 : i32 to index
      %swap3A_117 = arith.constant 16 : index
      %swap3A_118 = tpu.vector_load %arg13[%swap3A_116, %swap3A_117] {strides = array<i32>} : memref<80x128xf32, #tpu.memory_space<vmem>>, vector<1x16xf32>,
      %swap3A_119 = vector.shape_cast %swap3A_118 : vector<1x16xf32> to vector<16xf32>
      %swap3A_120 = vector.shape_cast %broadcast_in_dim3A_115 : vector<16xf32> to vector<1x16xf32>
      tpu.vector_store %arg13[%swap3A_116, %swap3A_117], %swap3A_120 {strides = array<i32>} : memref<80x128xf32, #tpu.memory_space<vmem>>, vector<1x16xf32>,
      %broadcast_in_dim3A_121 = arith.constant 0.000000e+00 : f32
      %broadcast_in_dim3A_122 = vector.broadcast %broadcast_in_dim3A_121 : f32 to vector<16xf32>
      %swap3A_123 = arith.index_cast %scan3A_107 : i32 to index
      %swap3A_124 = arith.constant 32 : index
      %swap3A_125 = tpu.vector_load %arg13[%swap3A_123, %swap3A_124] {strides = array<i32>} : memref<80x128xf32, #tpu.memory_space<vmem>>, vector<1x16xf32>,
      %swap3A_126 = vector.shape_cast %swap3A_125 : vector<1x16xf32> to vector<16xf32>
      %swap3A_127 = vector.shape_cast %broadcast_in_dim3A_122 : vector<16xf32> to vector<1x16xf32>
      tpu.vector_store %arg13[%swap3A_123, %swap3A_124], %swap3A_127 {strides = array<i32>} : memref<80x128xf32, #tpu.memory_space<vmem>>, vector<1x16xf32>,
      %broadcast_in_dim3A_128 = arith.constant 0.000000e+00 : f32
      %broadcast_in_dim3A_129 = vector.broadcast %broadcast_in_dim3A_128 : f32 to vector<16xf32>
      %swap3A_130 = arith.index_cast %scan3A_107 : i32 to index
      %swap3A_131 = arith.constant 48 : index
      %swap3A_132 = tpu.vector_load %arg13[%swap3A_130, %swap3A_131] {strides = array<i32>} : memref<80x128xf32, #tpu.memory_space<vmem>>, vector<1x16xf32>,
      %swap3A_133 = vector.shape_cast %swap3A_132 : vector<1x16xf32> to vector<16xf32>
      %swap3A_134 = vector.shape_cast %broadcast_in_dim3A_129 : vector<16xf32> to vector<1x16xf32>
      tpu.vector_store %arg13[%swap3A_130, %swap3A_131], %swap3A_134 {strides = array<i32>} : memref<80x128xf32, #tpu.memory_space<vmem>>, vector<1x16xf32>,
      %broadcast_in_dim3A_135 = arith.constant 0.000000e+00 : f32
      %broadcast_in_dim3A_136 = vector.broadcast %broadcast_in_dim3A_135 : f32 to vector<16xf32>
      %swap3A_137 = arith.index_cast %scan3A_107 : i32 to index
      %swap3A_138 = arith.constant 64 : index
      %swap3A_139 = tpu.vector_load %arg13[%swap3A_137, %swap3A_138] {strides = array<i32>} : memref<80x128xf32, #tpu.memory_space<vmem>>, vector<1x16xf32>,
      %swap3A_140 = vector.shape_cast %swap3A_139 : vector<1x16xf32> to vector<16xf32>
      %swap3A_141 = vector.shape_cast %broadcast_in_dim3A_136 : vector<16xf32> to vector<1x16xf32>
      tpu.vector_store %arg13[%swap3A_137, %swap3A_138], %swap3A_141 {strides = array<i32>} : memref<80x128xf32, #tpu.memory_space<vmem>>, vector<1x16xf32>,
      %broadcast_in_dim3A_142 = arith.constant 0.000000e+00 : f32
      %broadcast_in_dim3A_143 = vector.broadcast %broadcast_in_dim3A_142 : f32 to vector<16xf32>
      %swap3A_144 = arith.index_cast %scan3A_107 : i32 to index
      %swap3A_145 = arith.constant 80 : index
      %swap3A_146 = tpu.vector_load %arg13[%swap3A_144, %swap3A_145] {strides = array<i32>} : memref<80x128xf32, #tpu.memory_space<vmem>>, vector<1x16xf32>,
      %swap3A_147 = vector.shape_cast %swap3A_146 : vector<1x16xf32> to vector<16xf32>
      %swap3A_148 = vector.shape_cast %broadcast_in_dim3A_143 : vector<16xf32> to vector<1x16xf32>
      tpu.vector_store %arg13[%swap3A_144, %swap3A_145], %swap3A_148 {strides = array<i32>} : memref<80x128xf32, #tpu.memory_space<vmem>>, vector<1x16xf32>,
      %broadcast_in_dim3A_149 = arith.constant 0.000000e+00 : f32
      %broadcast_in_dim3A_150 = vector.broadcast %broadcast_in_dim3A_149 : f32 to vector<16xf32>
      %swap3A_151 = arith.index_cast %scan3A_107 : i32 to index
      %swap3A_152 = arith.constant 96 : index
      %swap3A_153 = tpu.vector_load %arg13[%swap3A_151, %swap3A_152] {strides = array<i32>} : memref<80x128xf32, #tpu.memory_space<vmem>>, vector<1x16xf32>,
      %swap3A_154 = vector.shape_cast %swap3A_153 : vector<1x16xf32> to vector<16xf32>
      %swap3A_155 = vector.shape_cast %broadcast_in_dim3A_150 : vector<16xf32> to vector<1x16xf32>
      tpu.vector_store %arg13[%swap3A_151, %swap3A_152], %swap3A_155 {strides = array<i32>} : memref<80x128xf32, #tpu.memory_space<vmem>>, vector<1x16xf32>,
      %broadcast_in_dim3A_156 = arith.constant 0.000000e+00 : f32
      %broadcast_in_dim3A_157 = vector.broadcast %broadcast_in_dim3A_156 : f32 to vector<16xf32>
      %swap3A_158 = arith.index_cast %scan3A_107 : i32 to index
      %swap3A_159 = arith.constant 112 : index
      %swap3A_160 = tpu.vector_load %arg13[%swap3A_158, %swap3A_159] {strides = array<i32>} : memref<80x128xf32, #tpu.memory_space<vmem>>, vector<1x16xf32>,
      %swap3A_161 = vector.shape_cast %swap3A_160 : vector<1x16xf32> to vector<16xf32>
      %swap3A_162 = vector.shape_cast %broadcast_in_dim3A_157 : vector<16xf32> to vector<1x16xf32>
      tpu.vector_store %arg13[%swap3A_158, %swap3A_159], %swap3A_162 {strides = array<i32>} : memref<80x128xf32, #tpu.memory_space<vmem>>, vector<1x16xf32>,
      %scan3A_163 = arith.constant 0 : i32
      scf.yield %scan3A_163 : i32
    }
    %scan3A_5 = arith.constant 80 : i32
    %mul3A = arith.constant 624 : i32
    %mul3A_6 = arith.muli %arg1, %mul3A : i32
    %scan3A_7 = arith.constant 0 : i32
    %scan3A_8 = arith.constant 0 : i32
    %scan3A_9 = arith.constant 7 : i32
    %scan3A_10 = arith.addi %scan3A_8, %scan3A_9 : i32
    %scan3A_11 = arith.constant 1 : i32
    %scan3A_12 = scf.for %scan3A_107 = %scan3A_8 to %scan3A_10 step %scan3A_11 iter_args(%scan3A_108 = %scan3A_7) -> (i32)  : i32 {
      %mul3A_109 = arith.constant 80 : i32
      %mul3A_110 = arith.muli %scan3A_107, %mul3A_109 : i32
      %add3A_111 = arith.addi %mul3A_6, %mul3A_110 : i32
      "tpu.region"() ({
        %run_scoped3A = tpu.sem_alloc : memref<!tpu.dma_semaphore, #tpu.memory_space<semaphore_mem>>
        %dma_start3A_113 = arith.constant 0 : i32
        %dma_start3A_114 = tpu.memref_slice %arg14[%add3A_111, %dma_start3A_113] : memref<10000x128xf32, #tpu.memory_space<vmem_shared>> -> memref<80x128xf32, #tpu.memory_space<vmem_shared>>
        %dma_start3A_115 = arith.constant 0 : i32
        %dma_start3A_116 = tpu.memref_slice %arg14[%add3A_111, %dma_start3A_115] : memref<10000x128xf32, #tpu.memory_space<vmem_shared>> -> memref<80x128xf32, #tpu.memory_space<vmem_shared>>
        tpu.enqueue_dma source(%arg13 : memref<80x128xf32, #tpu.memory_space<vmem>>) target(%dma_start3A_116 : memref<80x128xf32, #tpu.memory_space<vmem_shared>>) target_semaphore(%run_scoped3A : memref<!tpu.dma_semaphore, #tpu.memory_space<semaphore_mem>>)
        %dma_wait3A_117 = arith.constant 0 : i32
        %dma_wait3A_118 = tpu.memref_slice %arg14[%add3A_111, %dma_wait3A_117] : memref<10000x128xf32, #tpu.memory_space<vmem_shared>> -> memref<80x128xf32, #tpu.memory_space<vmem_shared>>
        %dma_wait3A_119 = arith.constant 0 : i32
        %dma_wait3A_120 = tpu.memref_slice %arg14[%add3A_111, %dma_wait3A_119] : memref<10000x128xf32, #tpu.memory_space<vmem_shared>> -> memref<80x128xf32, #tpu.memory_space<vmem_shared>>
        tpu.wait_dma2 semaphore(%run_scoped3A : memref<!tpu.dma_semaphore, #tpu.memory_space<semaphore_mem>>) src(%arg13 : memref<80x128xf32, #tpu.memory_space<vmem>>) dst(%dma_wait3A_120 : memref<80x128xf32, #tpu.memory_space<vmem_shared>>)
        tpu.yield
      }) : () -> ()
      %scan3A_112 = arith.constant 0 : i32
      scf.yield %scan3A_112 : i32
    }
    %scan3A_13 = arith.constant 7 : i32
    %add3A = arith.constant 560 : i32
    %add3A_14 = arith.addi %mul3A_6, %add3A : i32
    "tpu.region"() ({
      %run_scoped3A = tpu.sem_alloc : memref<!tpu.dma_semaphore, #tpu.memory_space<semaphore_mem>>
      %dma_start3A_107 = arith.constant 0 : i32
      %dma_start3A_108 = arith.constant 0 : i32
      %dma_start3A_109 = tpu.memref_slice %arg13[%dma_start3A_107, %dma_start3A_108] : memref<80x128xf32, #tpu.memory_space<vmem>> -> memref<64x128xf32, #tpu.memory_space<vmem>>
      %dma_start3A_110 = arith.constant 0 : i32
      %dma_start3A_111 = tpu.memref_slice %arg14[%add3A_14, %dma_start3A_110] : memref<10000x128xf32, #tpu.memory_space<vmem_shared>> -> memref<64x128xf32, #tpu.memory_space<vmem_shared>>
      %dma_start3A_112 = arith.constant 0 : i32
      %dma_start3A_113 = tpu.memref_slice %arg14[%add3A_14, %dma_start3A_112] : memref<10000x128xf32, #tpu.memory_space<vmem_shared>> -> memref<64x128xf32, #tpu.memory_space<vmem_shared>>
      %dma_start3A_114 = arith.constant 0 : i32
      %dma_start3A_115 = arith.constant 0 : i32
      %dma_start3A_116 = tpu.memref_slice %arg13[%dma_start3A_114, %dma_start3A_115] : memref<80x128xf32, #tpu.memory_space<vmem>> -> memref<64x128xf32, #tpu.memory_space<vmem>>
      tpu.enqueue_dma source(%dma_start3A_116 : memref<64x128xf32, #tpu.memory_space<vmem>>) target(%dma_start3A_113 : memref<64x128xf32, #tpu.memory_space<vmem_shared>>) target_semaphore(%run_scoped3A : memref<!tpu.dma_semaphore, #tpu.memory_space<semaphore_mem>>)
      %dma_wait3A_117 = arith.constant 0 : i32
      %dma_wait3A_118 = arith.constant 0 : i32
      %dma_wait3A_119 = tpu.memref_slice %arg13[%dma_wait3A_117, %dma_wait3A_118] : memref<80x128xf32, #tpu.memory_space<vmem>> -> memref<64x128xf32, #tpu.memory_space<vmem>>
      %dma_wait3A_120 = arith.constant 0 : i32
      %dma_wait3A_121 = tpu.memref_slice %arg14[%add3A_14, %dma_wait3A_120] : memref<10000x128xf32, #tpu.memory_space<vmem_shared>> -> memref<64x128xf32, #tpu.memory_space<vmem_shared>>
      %dma_wait3A_122 = arith.constant 0 : i32
      %dma_wait3A_123 = tpu.memref_slice %arg14[%add3A_14, %dma_wait3A_122] : memref<10000x128xf32, #tpu.memory_space<vmem_shared>> -> memref<64x128xf32, #tpu.memory_space<vmem_shared>>
      %dma_wait3A_124 = arith.constant 0 : i32
      %dma_wait3A_125 = arith.constant 0 : i32
      %dma_wait3A_126 = tpu.memref_slice %arg13[%dma_wait3A_124, %dma_wait3A_125] : memref<80x128xf32, #tpu.memory_space<vmem>> -> memref<64x128xf32, #tpu.memory_space<vmem>>
      tpu.wait_dma2 semaphore(%run_scoped3A : memref<!tpu.dma_semaphore, #tpu.memory_space<semaphore_mem>>) src(%dma_wait3A_126 : memref<64x128xf32, #tpu.memory_space<vmem>>) dst(%dma_wait3A_123 : memref<64x128xf32, #tpu.memory_space<vmem_shared>>)
      tpu.yield
    }) : () -> ()
    %eq3A = arith.constant 0 : i32
    %eq3A_15 = arith.cmpi eq, %arg1, %eq3A : i32
    %convert_element_type3A = arith.extui %eq3A_15 : i1 to i32
    %cond3A = arith.constant 0 : i32
    %cond3A_16 = arith.cmpi ne, %convert_element_type3A, %cond3A : i32
    scf.if %cond3A_16 {
      "tpu.region"() ({
        %run_scoped3A = tpu.sem_alloc : memref<!tpu.dma_semaphore, #tpu.memory_space<semaphore_mem>>
        %dma_start3A_107 = arith.constant 0 : i32
        %dma_start3A_108 = arith.constant 0 : i32
        %dma_start3A_109 = tpu.memref_slice %arg13[%dma_start3A_107, %dma_start3A_108] : memref<80x128xf32, #tpu.memory_space<vmem>> -> memref<16x128xf32, #tpu.memory_space<vmem>>
        %dma_start3A_110 = arith.constant 9984 : i32
        %dma_start3A_111 = arith.constant 0 : i32
        %dma_start3A_112 = tpu.memref_slice %arg14[%dma_start3A_110, %dma_start3A_111] : memref<10000x128xf32, #tpu.memory_space<vmem_shared>> -> memref<16x128xf32, #tpu.memory_space<vmem_shared>>
        %dma_start3A_113 = arith.constant 9984 : i32
        %dma_start3A_114 = arith.constant 0 : i32
        %dma_start3A_115 = tpu.memref_slice %arg14[%dma_start3A_113, %dma_start3A_114] : memref<10000x128xf32, #tpu.memory_space<vmem_shared>> -> memref<16x128xf32, #tpu.memory_space<vmem_shared>>
        %dma_start3A_116 = arith.constant 0 : i32
        %dma_start3A_117 = arith.constant 0 : i32
        %dma_start3A_118 = tpu.memref_slice %arg13[%dma_start3A_116, %dma_start3A_117] : memref<80x128xf32, #tpu.memory_space<vmem>> -> memref<16x128xf32, #tpu.memory_space<vmem>>
        tpu.enqueue_dma source(%dma_start3A_118 : memref<16x128xf32, #tpu.memory_space<vmem>>) target(%dma_start3A_115 : memref<16x128xf32, #tpu.memory_space<vmem_shared>>) target_semaphore(%run_scoped3A : memref<!tpu.dma_semaphore, #tpu.memory_space<semaphore_mem>>)
        %dma_wait3A_119 = arith.constant 0 : i32
        %dma_wait3A_120 = arith.constant 0 : i32
        %dma_wait3A_121 = tpu.memref_slice %arg13[%dma_wait3A_119, %dma_wait3A_120] : memref<80x128xf32, #tpu.memory_space<vmem>> -> memref<16x128xf32, #tpu.memory_space<vmem>>
        %dma_wait3A_122 = arith.constant 9984 : i32
        %dma_wait3A_123 = arith.constant 0 : i32
        %dma_wait3A_124 = tpu.memref_slice %arg14[%dma_wait3A_122, %dma_wait3A_123] : memref<10000x128xf32, #tpu.memory_space<vmem_shared>> -> memref<16x128xf32, #tpu.memory_space<vmem_shared>>
        %dma_wait3A_125 = arith.constant 9984 : i32
        %dma_wait3A_126 = arith.constant 0 : i32
        %dma_wait3A_127 = tpu.memref_slice %arg14[%dma_wait3A_125, %dma_wait3A_126] : memref<10000x128xf32, #tpu.memory_space<vmem_shared>> -> memref<16x128xf32, #tpu.memory_space<vmem_shared>>
        %dma_wait3A_128 = arith.constant 0 : i32
        %dma_wait3A_129 = arith.constant 0 : i32
        %dma_wait3A_130 = tpu.memref_slice %arg13[%dma_wait3A_128, %dma_wait3A_129] : memref<80x128xf32, #tpu.memory_space<vmem>> -> memref<16x128xf32, #tpu.memory_space<vmem>>
        tpu.wait_dma2 semaphore(%run_scoped3A : memref<!tpu.dma_semaphore, #tpu.memory_space<semaphore_mem>>) src(%dma_wait3A_130 : memref<16x128xf32, #tpu.memory_space<vmem>>) dst(%dma_wait3A_127 : memref<16x128xf32, #tpu.memory_space<vmem_shared>>)
        tpu.yield
      }) : () -> ()
    } else {
    }
    %scan3A_17 = arith.constant 0 : i32
    %scan3A_18 = arith.constant 0 : i32
    %scan3A_19 = arith.constant 80 : i32
    %scan3A_20 = arith.addi %scan3A_18, %scan3A_19 : i32
    %scan3A_21 = arith.constant 1 : i32
    %scan3A_22 = scf.for %scan3A_107 = %scan3A_18 to %scan3A_20 step %scan3A_21 iter_args(%scan3A_108 = %scan3A_17) -> (i32)  : i32 {
      %broadcast_in_dim3A = arith.constant 1.000000e+00 : f32
      %broadcast_in_dim3A_109 = vector.broadcast %broadcast_in_dim3A : f32 to vector<16xf32>
      %swap3A = arith.index_cast %scan3A_107 : i32 to index
      %swap3A_110 = arith.constant 0 : index
      %swap3A_111 = tpu.vector_load %arg13[%swap3A, %swap3A_110] {strides = array<i32>} : memref<80x128xf32, #tpu.memory_space<vmem>>, vector<1x16xf32>,
      %swap3A_112 = vector.shape_cast %swap3A_111 : vector<1x16xf32> to vector<16xf32>
      %swap3A_113 = vector.shape_cast %broadcast_in_dim3A_109 : vector<16xf32> to vector<1x16xf32>
      tpu.vector_store %arg13[%swap3A, %swap3A_110], %swap3A_113 {strides = array<i32>} : memref<80x128xf32, #tpu.memory_space<vmem>>, vector<1x16xf32>,
      %broadcast_in_dim3A_114 = arith.constant 1.000000e+00 : f32
      %broadcast_in_dim3A_115 = vector.broadcast %broadcast_in_dim3A_114 : f32 to vector<16xf32>
      %swap3A_116 = arith.index_cast %scan3A_107 : i32 to index
      %swap3A_117 = arith.constant 16 : index
      %swap3A_118 = tpu.vector_load %arg13[%swap3A_116, %swap3A_117] {strides = array<i32>} : memref<80x128xf32, #tpu.memory_space<vmem>>, vector<1x16xf32>,
      %swap3A_119 = vector.shape_cast %swap3A_118 : vector<1x16xf32> to vector<16xf32>
      %swap3A_120 = vector.shape_cast %broadcast_in_dim3A_115 : vector<16xf32> to vector<1x16xf32>
      tpu.vector_store %arg13[%swap3A_116, %swap3A_117], %swap3A_120 {strides = array<i32>} : memref<80x128xf32, #tpu.memory_space<vmem>>, vector<1x16xf32>,
      %broadcast_in_dim3A_121 = arith.constant 1.000000e+00 : f32
      %broadcast_in_dim3A_122 = vector.broadcast %broadcast_in_dim3A_121 : f32 to vector<16xf32>
      %swap3A_123 = arith.index_cast %scan3A_107 : i32 to index
      %swap3A_124 = arith.constant 32 : index
      %swap3A_125 = tpu.vector_load %arg13[%swap3A_123, %swap3A_124] {strides = array<i32>} : memref<80x128xf32, #tpu.memory_space<vmem>>, vector<1x16xf32>,
      %swap3A_126 = vector.shape_cast %swap3A_125 : vector<1x16xf32> to vector<16xf32>
      %swap3A_127 = vector.shape_cast %broadcast_in_dim3A_122 : vector<16xf32> to vector<1x16xf32>
      tpu.vector_store %arg13[%swap3A_123, %swap3A_124], %swap3A_127 {strides = array<i32>} : memref<80x128xf32, #tpu.memory_space<vmem>>, vector<1x16xf32>,
      %broadcast_in_dim3A_128 = arith.constant 1.000000e+00 : f32
      %broadcast_in_dim3A_129 = vector.broadcast %broadcast_in_dim3A_128 : f32 to vector<16xf32>
      %swap3A_130 = arith.index_cast %scan3A_107 : i32 to index
      %swap3A_131 = arith.constant 48 : index
      %swap3A_132 = tpu.vector_load %arg13[%swap3A_130, %swap3A_131] {strides = array<i32>} : memref<80x128xf32, #tpu.memory_space<vmem>>, vector<1x16xf32>,
      %swap3A_133 = vector.shape_cast %swap3A_132 : vector<1x16xf32> to vector<16xf32>
      %swap3A_134 = vector.shape_cast %broadcast_in_dim3A_129 : vector<16xf32> to vector<1x16xf32>
      tpu.vector_store %arg13[%swap3A_130, %swap3A_131], %swap3A_134 {strides = array<i32>} : memref<80x128xf32, #tpu.memory_space<vmem>>, vector<1x16xf32>,
      %broadcast_in_dim3A_135 = arith.constant 1.000000e+00 : f32
      %broadcast_in_dim3A_136 = vector.broadcast %broadcast_in_dim3A_135 : f32 to vector<16xf32>
      %swap3A_137 = arith.index_cast %scan3A_107 : i32 to index
      %swap3A_138 = arith.constant 64 : index
      %swap3A_139 = tpu.vector_load %arg13[%swap3A_137, %swap3A_138] {strides = array<i32>} : memref<80x128xf32, #tpu.memory_space<vmem>>, vector<1x16xf32>,
      %swap3A_140 = vector.shape_cast %swap3A_139 : vector<1x16xf32> to vector<16xf32>
      %swap3A_141 = vector.shape_cast %broadcast_in_dim3A_136 : vector<16xf32> to vector<1x16xf32>
      tpu.vector_store %arg13[%swap3A_137, %swap3A_138], %swap3A_141 {strides = array<i32>} : memref<80x128xf32, #tpu.memory_space<vmem>>, vector<1x16xf32>,
      %broadcast_in_dim3A_142 = arith.constant 1.000000e+00 : f32
      %broadcast_in_dim3A_143 = vector.broadcast %broadcast_in_dim3A_142 : f32 to vector<16xf32>
      %swap3A_144 = arith.index_cast %scan3A_107 : i32 to index
      %swap3A_145 = arith.constant 80 : index
      %swap3A_146 = tpu.vector_load %arg13[%swap3A_144, %swap3A_145] {strides = array<i32>} : memref<80x128xf32, #tpu.memory_space<vmem>>, vector<1x16xf32>,
      %swap3A_147 = vector.shape_cast %swap3A_146 : vector<1x16xf32> to vector<16xf32>
      %swap3A_148 = vector.shape_cast %broadcast_in_dim3A_143 : vector<16xf32> to vector<1x16xf32>
      tpu.vector_store %arg13[%swap3A_144, %swap3A_145], %swap3A_148 {strides = array<i32>} : memref<80x128xf32, #tpu.memory_space<vmem>>, vector<1x16xf32>,
      %broadcast_in_dim3A_149 = arith.constant 1.000000e+00 : f32
      %broadcast_in_dim3A_150 = vector.broadcast %broadcast_in_dim3A_149 : f32 to vector<16xf32>
      %swap3A_151 = arith.index_cast %scan3A_107 : i32 to index
      %swap3A_152 = arith.constant 96 : index
      %swap3A_153 = tpu.vector_load %arg13[%swap3A_151, %swap3A_152] {strides = array<i32>} : memref<80x128xf32, #tpu.memory_space<vmem>>, vector<1x16xf32>,
      %swap3A_154 = vector.shape_cast %swap3A_153 : vector<1x16xf32> to vector<16xf32>
      %swap3A_155 = vector.shape_cast %broadcast_in_dim3A_150 : vector<16xf32> to vector<1x16xf32>
      tpu.vector_store %arg13[%swap3A_151, %swap3A_152], %swap3A_155 {strides = array<i32>} : memref<80x128xf32, #tpu.memory_space<vmem>>, vector<1x16xf32>,
      %broadcast_in_dim3A_156 = arith.constant 1.000000e+00 : f32
      %broadcast_in_dim3A_157 = vector.broadcast %broadcast_in_dim3A_156 : f32 to vector<16xf32>
      %swap3A_158 = arith.index_cast %scan3A_107 : i32 to index
      %swap3A_159 = arith.constant 112 : index
      %swap3A_160 = tpu.vector_load %arg13[%swap3A_158, %swap3A_159] {strides = array<i32>} : memref<80x128xf32, #tpu.memory_space<vmem>>, vector<1x16xf32>,
      %swap3A_161 = vector.shape_cast %swap3A_160 : vector<1x16xf32> to vector<16xf32>
      %swap3A_162 = vector.shape_cast %broadcast_in_dim3A_157 : vector<16xf32> to vector<1x16xf32>
      tpu.vector_store %arg13[%swap3A_158, %swap3A_159], %swap3A_162 {strides = array<i32>} : memref<80x128xf32, #tpu.memory_space<vmem>>, vector<1x16xf32>,
      %scan3A_163 = arith.constant 0 : i32
      scf.yield %scan3A_163 : i32
    }
    %scan3A_23 = arith.constant 80 : i32
    %barrier3A = arith.constant 0 : index
    tpu.barrier barrier_id(%barrier3A)
    %mul3A_24 = arith.constant 160000 : i32
    %mul3A_25 = arith.muli %arg0, %mul3A_24 : i32
    %mul3A_26 = arith.constant 10000 : i32
    %mul3A_27 = arith.muli %arg1, %mul3A_26 : i32
    %add3A_28 = arith.addi %mul3A_25, %mul3A_27 : i32
    %scan3A_29 = arith.constant 0 : i32
    %scan3A_30 = arith.constant 0 : i32
    %scan3A_31 = arith.constant 125 : i32
    %scan3A_32 = arith.addi %scan3A_30, %scan3A_31 : i32
    %scan3A_33 = arith.constant 1 : i32
    %scan3A_34 = scf.for %scan3A_107 = %scan3A_30 to %scan3A_32 step %scan3A_33 iter_args(%scan3A_108 = %scan3A_29) -> (i32)  : i32 {
      %mul3A_109 = arith.constant 80 : i32
      %mul3A_110 = arith.muli %scan3A_107, %mul3A_109 : i32
      %add3A_111 = arith.addi %add3A_28, %mul3A_110 : i32
      "tpu.region"() ({
        %run_scoped3A = tpu.sem_alloc : memref<!tpu.dma_semaphore, #tpu.memory_space<semaphore_mem>>
        %dma_start3A_113 = tpu.memref_slice %arg4[%add3A_111] : memref<320000xi32, #tpu.memory_space<hbm>> -> memref<80xi32, #tpu.memory_space<hbm>>
        %dma_start3A_114 = tpu.memref_slice %arg4[%add3A_111] : memref<320000xi32, #tpu.memory_space<hbm>> -> memref<80xi32, #tpu.memory_space<hbm>>
        tpu.enqueue_dma source(%dma_start3A_114 : memref<80xi32, #tpu.memory_space<hbm>>) target(%arg8 : memref<80xi32, #tpu.memory_space<vmem>>) target_semaphore(%run_scoped3A : memref<!tpu.dma_semaphore, #tpu.memory_space<semaphore_mem>>)
        %dma_wait3A_115 = tpu.memref_slice %arg4[%add3A_111] : memref<320000xi32, #tpu.memory_space<hbm>> -> memref<80xi32, #tpu.memory_space<hbm>>
        %dma_wait3A_116 = tpu.memref_slice %arg4[%add3A_111] : memref<320000xi32, #tpu.memory_space<hbm>> -> memref<80xi32, #tpu.memory_space<hbm>>
        tpu.wait_dma2 semaphore(%run_scoped3A : memref<!tpu.dma_semaphore, #tpu.memory_space<semaphore_mem>>) src(%dma_wait3A_116 : memref<80xi32, #tpu.memory_space<hbm>>) dst(%arg8 : memref<80xi32, #tpu.memory_space<vmem>>)
        tpu.yield
      }) : () -> ()
      "tpu.region"() ({
        %run_scoped3A = tpu.sem_alloc : memref<!tpu.dma_semaphore, #tpu.memory_space<semaphore_mem>>
        %dma_start3A_113 = arith.constant 0 : i32
        %dma_start3A_114 = arith.constant 0 : i32
        %dma_start3A_115 = tpu.memref_slice %arg14[%dma_start3A_113, %dma_start3A_114] : memref<10000x128xf32, #tpu.memory_space<vmem_shared>> -> memref<10000x128xf32, #tpu.memory_space<vmem_shared>>
        tpu.enqueue_indirect_dma source(%arg13 : memref<80x128xf32, #tpu.memory_space<vmem>>) target(%dma_start3A_115 : memref<10000x128xf32, #tpu.memory_space<vmem_shared>>) offsets(%arg8 : memref<80xi32, #tpu.memory_space<vmem>>) semaphore(%run_scoped3A : memref<!tpu.dma_semaphore, #tpu.memory_space<semaphore_mem>>) {add = true}
        %dma_wait3A_116 = arith.constant 0 : i32
        %dma_wait3A_117 = arith.constant 0 : i32
        %dma_wait3A_118 = tpu.memref_slice %arg14[%dma_wait3A_116, %dma_wait3A_117] : memref<10000x128xf32, #tpu.memory_space<vmem_shared>> -> memref<10000x128xf32, #tpu.memory_space<vmem_shared>>
        tpu.wait_indirect_dma semaphore(%run_scoped3A : memref<!tpu.dma_semaphore, #tpu.memory_space<semaphore_mem>>) src(%arg13 : memref<80x128xf32, #tpu.memory_space<vmem>>) dst(%dma_wait3A_118 : memref<10000x128xf32, #tpu.memory_space<vmem_shared>>)
        tpu.yield
      }) : () -> ()
      %scan3A_112 = arith.constant 0 : i32
      scf.yield %scan3A_112 : i32
    }
    %scan3A_35 = arith.constant 125 : i32
    %barrier3A_36 = arith.constant 0 : index
    tpu.barrier barrier_id(%barrier3A_36)
    %mul3A_37 = arith.constant 624 : i32
    %mul3A_38 = arith.muli %arg1, %mul3A_37 : i32
    %scan3A_39 = arith.constant 0 : i32
    %scan3A_40 = arith.constant 0 : i32
    %scan3A_41 = arith.constant 7 : i32
    %scan3A_42 = arith.addi %scan3A_40, %scan3A_41 : i32
    %scan3A_43 = arith.constant 1 : i32
    %scan3A_44 = scf.for %scan3A_107 = %scan3A_40 to %scan3A_42 step %scan3A_43 iter_args(%scan3A_108 = %scan3A_39) -> (i32)  : i32 {
      %mul3A_109 = arith.constant 80 : i32
      %mul3A_110 = arith.muli %scan3A_107, %mul3A_109 : i32
      %add3A_111 = arith.addi %mul3A_38, %mul3A_110 : i32
      "tpu.region"() ({
        %run_scoped3A = tpu.sem_alloc : memref<!tpu.dma_semaphore, #tpu.memory_space<semaphore_mem>>
        %dma_start3A_113 = arith.constant 0 : i32
        %dma_start3A_114 = tpu.memref_slice %arg14[%add3A_111, %dma_start3A_113] : memref<10000x128xf32, #tpu.memory_space<vmem_shared>> -> memref<80x128xf32, #tpu.memory_space<vmem_shared>>
        %dma_start3A_115 = arith.constant 0 : i32
        %dma_start3A_116 = tpu.memref_slice %arg14[%add3A_111, %dma_start3A_115] : memref<10000x128xf32, #tpu.memory_space<vmem_shared>> -> memref<80x128xf32, #tpu.memory_space<vmem_shared>>
        tpu.enqueue_dma source(%dma_start3A_116 : memref<80x128xf32, #tpu.memory_space<vmem_shared>>) target(%arg11 : memref<80x128xf32, #tpu.memory_space<vmem>>) target_semaphore(%run_scoped3A : memref<!tpu.dma_semaphore, #tpu.memory_space<semaphore_mem>>)
        %dma_wait3A_117 = arith.constant 0 : i32
        %dma_wait3A_118 = tpu.memref_slice %arg14[%add3A_111, %dma_wait3A_117] : memref<10000x128xf32, #tpu.memory_space<vmem_shared>> -> memref<80x128xf32, #tpu.memory_space<vmem_shared>>
        %dma_wait3A_119 = arith.constant 0 : i32
        %dma_wait3A_120 = tpu.memref_slice %arg14[%add3A_111, %dma_wait3A_119] : memref<10000x128xf32, #tpu.memory_space<vmem_shared>> -> memref<80x128xf32, #tpu.memory_space<vmem_shared>>
        tpu.wait_dma2 semaphore(%run_scoped3A : memref<!tpu.dma_semaphore, #tpu.memory_space<semaphore_mem>>) src(%dma_wait3A_120 : memref<80x128xf32, #tpu.memory_space<vmem_shared>>) dst(%arg11 : memref<80x128xf32, #tpu.memory_space<vmem>>)
        tpu.yield
      }) : () -> ()
      "tpu.region"() ({
        %run_scoped3A = tpu.sem_alloc : memref<!tpu.dma_semaphore, #tpu.memory_space<semaphore_mem>>
        %dma_start3A_113 = arith.constant 0 : i32
        %dma_start3A_114 = arith.constant 0 : i32
        %dma_start3A_115 = tpu.memref_slice %arg6[%arg0, %dma_start3A_113, %dma_start3A_114] : memref<2x10000x128xf32, #tpu.memory_space<hbm>> -> memref<1x10000x128xf32, #tpu.memory_space<hbm>>
        %dma_start3A_116 = tpu.memref_squeeze %dma_start3A_115 : memref<1x10000x128xf32, #tpu.memory_space<hbm>> -> memref<10000x128xf32, #tpu.memory_space<hbm>>
        %dma_start3A_117 = arith.constant 0 : i32
        %dma_start3A_118 = tpu.memref_slice %dma_start3A_116[%add3A_111, %dma_start3A_117] : memref<10000x128xf32, #tpu.memory_space<hbm>> -> memref<80x128xf32, #tpu.memory_space<hbm>>
        %dma_start3A_119 = arith.constant 0 : i32
        %dma_start3A_120 = arith.constant 0 : i32
        %dma_start3A_121 = tpu.memref_slice %arg6[%arg0, %dma_start3A_119, %dma_start3A_120] : memref<2x10000x128xf32, #tpu.memory_space<hbm>> -> memref<1x10000x128xf32, #tpu.memory_space<hbm>>
        %dma_start3A_122 = tpu.memref_squeeze %dma_start3A_121 : memref<1x10000x128xf32, #tpu.memory_space<hbm>> -> memref<10000x128xf32, #tpu.memory_space<hbm>>
        %dma_start3A_123 = arith.constant 0 : i32
        %dma_start3A_124 = tpu.memref_slice %dma_start3A_122[%add3A_111, %dma_start3A_123] : memref<10000x128xf32, #tpu.memory_space<hbm>> -> memref<80x128xf32, #tpu.memory_space<hbm>>
        tpu.enqueue_dma source(%arg11 : memref<80x128xf32, #tpu.memory_space<vmem>>) target(%dma_start3A_124 : memref<80x128xf32, #tpu.memory_space<hbm>>) target_semaphore(%run_scoped3A : memref<!tpu.dma_semaphore, #tpu.memory_space<semaphore_mem>>)
        %dma_wait3A_125 = arith.constant 0 : i32
        %dma_wait3A_126 = arith.constant 0 : i32
        %dma_wait3A_127 = tpu.memref_slice %arg6[%arg0, %dma_wait3A_125, %dma_wait3A_126] : memref<2x10000x128xf32, #tpu.memory_space<hbm>> -> memref<1x10000x128xf32, #tpu.memory_space<hbm>>
        %dma_wait3A_128 = tpu.memref_squeeze %dma_wait3A_127 : memref<1x10000x128xf32, #tpu.memory_space<hbm>> -> memref<10000x128xf32, #tpu.memory_space<hbm>>
        %dma_wait3A_129 = arith.constant 0 : i32
        %dma_wait3A_130 = tpu.memref_slice %dma_wait3A_128[%add3A_111, %dma_wait3A_129] : memref<10000x128xf32, #tpu.memory_space<hbm>> -> memref<80x128xf32, #tpu.memory_space<hbm>>
        %dma_wait3A_131 = arith.constant 0 : i32
        %dma_wait3A_132 = arith.constant 0 : i32
        %dma_wait3A_133 = tpu.memref_slice %arg6[%arg0, %dma_wait3A_131, %dma_wait3A_132] : memref<2x10000x128xf32, #tpu.memory_space<hbm>> -> memref<1x10000x128xf32, #tpu.memory_space<hbm>>
        %dma_wait3A_134 = tpu.memref_squeeze %dma_wait3A_133 : memref<1x10000x128xf32, #tpu.memory_space<hbm>> -> memref<10000x128xf32, #tpu.memory_space<hbm>>
        %dma_wait3A_135 = arith.constant 0 : i32
        %dma_wait3A_136 = tpu.memref_slice %dma_wait3A_134[%add3A_111, %dma_wait3A_135] : memref<10000x128xf32, #tpu.memory_space<hbm>> -> memref<80x128xf32, #tpu.memory_space<hbm>>
        tpu.wait_dma2 semaphore(%run_scoped3A : memref<!tpu.dma_semaphore, #tpu.memory_space<semaphore_mem>>) src(%arg11 : memref<80x128xf32, #tpu.memory_space<vmem>>) dst(%dma_wait3A_136 : memref<80x128xf32, #tpu.memory_space<hbm>>)
        tpu.yield
      }) : () -> ()
      %scan3A_112 = arith.constant 0 : i32
      scf.yield %scan3A_112 : i32
    }
    %scan3A_45 = arith.constant 7 : i32
    %add3A_46 = arith.constant 560 : i32
    %add3A_47 = arith.addi %mul3A_38, %add3A_46 : i32
    "tpu.region"() ({
      %run_scoped3A = tpu.sem_alloc : memref<!tpu.dma_semaphore, #tpu.memory_space<semaphore_mem>>
      %dma_start3A_107 = arith.constant 0 : i32
      %dma_start3A_108 = arith.constant 0 : i32
      %dma_start3A_109 = tpu.memref_slice %arg11[%dma_start3A_107, %dma_start3A_108] : memref<80x128xf32, #tpu.memory_space<vmem>> -> memref<64x128xf32, #tpu.memory_space<vmem>>
      %dma_start3A_110 = arith.constant 0 : i32
      %dma_start3A_111 = tpu.memref_slice %arg14[%add3A_47, %dma_start3A_110] : memref<10000x128xf32, #tpu.memory_space<vmem_shared>> -> memref<64x128xf32, #tpu.memory_space<vmem_shared>>
      %dma_start3A_112 = arith.constant 0 : i32
      %dma_start3A_113 = arith.constant 0 : i32
      %dma_start3A_114 = tpu.memref_slice %arg11[%dma_start3A_112, %dma_start3A_113] : memref<80x128xf32, #tpu.memory_space<vmem>> -> memref<64x128xf32, #tpu.memory_space<vmem>>
      %dma_start3A_115 = arith.constant 0 : i32
      %dma_start3A_116 = tpu.memref_slice %arg14[%add3A_47, %dma_start3A_115] : memref<10000x128xf32, #tpu.memory_space<vmem_shared>> -> memref<64x128xf32, #tpu.memory_space<vmem_shared>>
      tpu.enqueue_dma source(%dma_start3A_116 : memref<64x128xf32, #tpu.memory_space<vmem_shared>>) target(%dma_start3A_114 : memref<64x128xf32, #tpu.memory_space<vmem>>) target_semaphore(%run_scoped3A : memref<!tpu.dma_semaphore, #tpu.memory_space<semaphore_mem>>)
      %dma_wait3A_117 = arith.constant 0 : i32
      %dma_wait3A_118 = arith.constant 0 : i32
      %dma_wait3A_119 = tpu.memref_slice %arg11[%dma_wait3A_117, %dma_wait3A_118] : memref<80x128xf32, #tpu.memory_space<vmem>> -> memref<64x128xf32, #tpu.memory_space<vmem>>
      %dma_wait3A_120 = arith.constant 0 : i32
      %dma_wait3A_121 = tpu.memref_slice %arg14[%add3A_47, %dma_wait3A_120] : memref<10000x128xf32, #tpu.memory_space<vmem_shared>> -> memref<64x128xf32, #tpu.memory_space<vmem_shared>>
      %dma_wait3A_122 = arith.constant 0 : i32
      %dma_wait3A_123 = arith.constant 0 : i32
      %dma_wait3A_124 = tpu.memref_slice %arg11[%dma_wait3A_122, %dma_wait3A_123] : memref<80x128xf32, #tpu.memory_space<vmem>> -> memref<64x128xf32, #tpu.memory_space<vmem>>
      %dma_wait3A_125 = arith.constant 0 : i32
      %dma_wait3A_126 = tpu.memref_slice %arg14[%add3A_47, %dma_wait3A_125] : memref<10000x128xf32, #tpu.memory_space<vmem_shared>> -> memref<64x128xf32, #tpu.memory_space<vmem_shared>>
      tpu.wait_dma2 semaphore(%run_scoped3A : memref<!tpu.dma_semaphore, #tpu.memory_space<semaphore_mem>>) src(%dma_wait3A_126 : memref<64x128xf32, #tpu.memory_space<vmem_shared>>) dst(%dma_wait3A_124 : memref<64x128xf32, #tpu.memory_space<vmem>>)
      tpu.yield
    }) : () -> ()
    "tpu.region"() ({
      %run_scoped3A = tpu.sem_alloc : memref<!tpu.dma_semaphore, #tpu.memory_space<semaphore_mem>>
      %dma_start3A_107 = arith.constant 0 : i32
      %dma_start3A_108 = arith.constant 0 : i32
      %dma_start3A_109 = tpu.memref_slice %arg11[%dma_start3A_107, %dma_start3A_108] : memref<80x128xf32, #tpu.memory_space<vmem>> -> memref<64x128xf32, #tpu.memory_space<vmem>>
      %dma_start3A_110 = arith.constant 0 : i32
      %dma_start3A_111 = arith.constant 0 : i32
      %dma_start3A_112 = tpu.memref_slice %arg6[%arg0, %dma_start3A_110, %dma_start3A_111] : memref<2x10000x128xf32, #tpu.memory_space<hbm>> -> memref<1x10000x128xf32, #tpu.memory_space<hbm>>
      %dma_start3A_113 = tpu.memref_squeeze %dma_start3A_112 : memref<1x10000x128xf32, #tpu.memory_space<hbm>> -> memref<10000x128xf32, #tpu.memory_space<hbm>>
      %dma_start3A_114 = arith.constant 0 : i32
      %dma_start3A_115 = tpu.memref_slice %dma_start3A_113[%add3A_47, %dma_start3A_114] : memref<10000x128xf32, #tpu.memory_space<hbm>> -> memref<64x128xf32, #tpu.memory_space<hbm>>
      %dma_start3A_116 = arith.constant 0 : i32
      %dma_start3A_117 = arith.constant 0 : i32
      %dma_start3A_118 = tpu.memref_slice %arg6[%arg0, %dma_start3A_116, %dma_start3A_117] : memref<2x10000x128xf32, #tpu.memory_space<hbm>> -> memref<1x10000x128xf32, #tpu.memory_space<hbm>>
      %dma_start3A_119 = tpu.memref_squeeze %dma_start3A_118 : memref<1x10000x128xf32, #tpu.memory_space<hbm>> -> memref<10000x128xf32, #tpu.memory_space<hbm>>
      %dma_start3A_120 = arith.constant 0 : i32
      %dma_start3A_121 = tpu.memref_slice %dma_start3A_119[%add3A_47, %dma_start3A_120] : memref<10000x128xf32, #tpu.memory_space<hbm>> -> memref<64x128xf32, #tpu.memory_space<hbm>>
      %dma_start3A_122 = arith.constant 0 : i32
      %dma_start3A_123 = arith.constant 0 : i32
      %dma_start3A_124 = tpu.memref_slice %arg11[%dma_start3A_122, %dma_start3A_123] : memref<80x128xf32, #tpu.memory_space<vmem>> -> memref<64x128xf32, #tpu.memory_space<vmem>>
      tpu.enqueue_dma source(%dma_start3A_124 : memref<64x128xf32, #tpu.memory_space<vmem>>) target(%dma_start3A_121 : memref<64x128xf32, #tpu.memory_space<hbm>>) target_semaphore(%run_scoped3A : memref<!tpu.dma_semaphore, #tpu.memory_space<semaphore_mem>>)
      %dma_wait3A_125 = arith.constant 0 : i32
      %dma_wait3A_126 = arith.constant 0 : i32
      %dma_wait3A_127 = tpu.memref_slice %arg11[%dma_wait3A_125, %dma_wait3A_126] : memref<80x128xf32, #tpu.memory_space<vmem>> -> memref<64x128xf32, #tpu.memory_space<vmem>>
      %dma_wait3A_128 = arith.constant 0 : i32
      %dma_wait3A_129 = arith.constant 0 : i32
      %dma_wait3A_130 = tpu.memref_slice %arg6[%arg0, %dma_wait3A_128, %dma_wait3A_129] : memref<2x10000x128xf32, #tpu.memory_space<hbm>> -> memref<1x10000x128xf32, #tpu.memory_space<hbm>>
      %dma_wait3A_131 = tpu.memref_squeeze %dma_wait3A_130 : memref<1x10000x128xf32, #tpu.memory_space<hbm>> -> memref<10000x128xf32, #tpu.memory_space<hbm>>
      %dma_wait3A_132 = arith.constant 0 : i32
      %dma_wait3A_133 = tpu.memref_slice %dma_wait3A_131[%add3A_47, %dma_wait3A_132] : memref<10000x128xf32, #tpu.memory_space<hbm>> -> memref<64x128xf32, #tpu.memory_space<hbm>>
      %dma_wait3A_134 = arith.constant 0 : i32
      %dma_wait3A_135 = arith.constant 0 : i32
      %dma_wait3A_136 = tpu.memref_slice %arg6[%arg0, %dma_wait3A_134, %dma_wait3A_135] : memref<2x10000x128xf32, #tpu.memory_space<hbm>> -> memref<1x10000x128xf32, #tpu.memory_space<hbm>>
      %dma_wait3A_137 = tpu.memref_squeeze %dma_wait3A_136 : memref<1x10000x128xf32, #tpu.memory_space<hbm>> -> memref<10000x128xf32, #tpu.memory_space<hbm>>
      %dma_wait3A_138 = arith.constant 0 : i32
      %dma_wait3A_139 = tpu.memref_slice %dma_wait3A_137[%add3A_47, %dma_wait3A_138] : memref<10000x128xf32, #tpu.memory_space<hbm>> -> memref<64x128xf32, #tpu.memory_space<hbm>>
      %dma_wait3A_140 = arith.constant 0 : i32
      %dma_wait3A_141 = arith.constant 0 : i32
      %dma_wait3A_142 = tpu.memref_slice %arg11[%dma_wait3A_140, %dma_wait3A_141] : memref<80x128xf32, #tpu.memory_space<vmem>> -> memref<64x128xf32, #tpu.memory_space<vmem>>
      tpu.wait_dma2 semaphore(%run_scoped3A : memref<!tpu.dma_semaphore, #tpu.memory_space<semaphore_mem>>) src(%dma_wait3A_142 : memref<64x128xf32, #tpu.memory_space<vmem>>) dst(%dma_wait3A_139 : memref<64x128xf32, #tpu.memory_space<hbm>>)
      tpu.yield
    }) : () -> ()
    %eq3A_48 = arith.constant 0 : i32
    %eq3A_49 = arith.cmpi eq, %arg1, %eq3A_48 : i32
    %convert_element_type3A_50 = arith.extui %eq3A_49 : i1 to i32
    %cond3A_51 = arith.constant 0 : i32
    %cond3A_52 = arith.cmpi ne, %convert_element_type3A_50, %cond3A_51 : i32
    scf.if %cond3A_52 {
      "tpu.region"() ({
        %run_scoped3A = tpu.sem_alloc : memref<!tpu.dma_semaphore, #tpu.memory_space<semaphore_mem>>
        %dma_start3A_107 = arith.constant 0 : i32
        %dma_start3A_108 = arith.constant 0 : i32
        %dma_start3A_109 = tpu.memref_slice %arg11[%dma_start3A_107, %dma_start3A_108] : memref<80x128xf32, #tpu.memory_space<vmem>> -> memref<16x128xf32, #tpu.memory_space<vmem>>
        %dma_start3A_110 = arith.constant 9984 : i32
        %dma_start3A_111 = arith.constant 0 : i32
        %dma_start3A_112 = tpu.memref_slice %arg14[%dma_start3A_110, %dma_start3A_111] : memref<10000x128xf32, #tpu.memory_space<vmem_shared>> -> memref<16x128xf32, #tpu.memory_space<vmem_shared>>
        %dma_start3A_113 = arith.constant 0 : i32
        %dma_start3A_114 = arith.constant 0 : i32
        %dma_start3A_115 = tpu.memref_slice %arg11[%dma_start3A_113, %dma_start3A_114] : memref<80x128xf32, #tpu.memory_space<vmem>> -> memref<16x128xf32, #tpu.memory_space<vmem>>
        %dma_start3A_116 = arith.constant 9984 : i32
        %dma_start3A_117 = arith.constant 0 : i32
        %dma_start3A_118 = tpu.memref_slice %arg14[%dma_start3A_116, %dma_start3A_117] : memref<10000x128xf32, #tpu.memory_space<vmem_shared>> -> memref<16x128xf32, #tpu.memory_space<vmem_shared>>
        tpu.enqueue_dma source(%dma_start3A_118 : memref<16x128xf32, #tpu.memory_space<vmem_shared>>) target(%dma_start3A_115 : memref<16x128xf32, #tpu.memory_space<vmem>>) target_semaphore(%run_scoped3A : memref<!tpu.dma_semaphore, #tpu.memory_space<semaphore_mem>>)
        %dma_wait3A_119 = arith.constant 0 : i32
        %dma_wait3A_120 = arith.constant 0 : i32
        %dma_wait3A_121 = tpu.memref_slice %arg11[%dma_wait3A_119, %dma_wait3A_120] : memref<80x128xf32, #tpu.memory_space<vmem>> -> memref<16x128xf32, #tpu.memory_space<vmem>>
        %dma_wait3A_122 = arith.constant 9984 : i32
        %dma_wait3A_123 = arith.constant 0 : i32
        %dma_wait3A_124 = tpu.memref_slice %arg14[%dma_wait3A_122, %dma_wait3A_123] : memref<10000x128xf32, #tpu.memory_space<vmem_shared>> -> memref<16x128xf32, #tpu.memory_space<vmem_shared>>
        %dma_wait3A_125 = arith.constant 0 : i32
        %dma_wait3A_126 = arith.constant 0 : i32
        %dma_wait3A_127 = tpu.memref_slice %arg11[%dma_wait3A_125, %dma_wait3A_126] : memref<80x128xf32, #tpu.memory_space<vmem>> -> memref<16x128xf32, #tpu.memory_space<vmem>>
        %dma_wait3A_128 = arith.constant 9984 : i32
        %dma_wait3A_129 = arith.constant 0 : i32
        %dma_wait3A_130 = tpu.memref_slice %arg14[%dma_wait3A_128, %dma_wait3A_129] : memref<10000x128xf32, #tpu.memory_space<vmem_shared>> -> memref<16x128xf32, #tpu.memory_space<vmem_shared>>
        tpu.wait_dma2 semaphore(%run_scoped3A : memref<!tpu.dma_semaphore, #tpu.memory_space<semaphore_mem>>) src(%dma_wait3A_130 : memref<16x128xf32, #tpu.memory_space<vmem_shared>>) dst(%dma_wait3A_127 : memref<16x128xf32, #tpu.memory_space<vmem>>)
        tpu.yield
      }) : () -> ()
      "tpu.region"() ({
        %run_scoped3A = tpu.sem_alloc : memref<!tpu.dma_semaphore, #tpu.memory_space<semaphore_mem>>
        %dma_start3A_107 = arith.constant 0 : i32
        %dma_start3A_108 = arith.constant 0 : i32
        %dma_start3A_109 = tpu.memref_slice %arg11[%dma_start3A_107, %dma_start3A_108] : memref<80x128xf32, #tpu.memory_space<vmem>> -> memref<16x128xf32, #tpu.memory_space<vmem>>
        %dma_start3A_110 = arith.constant 0 : i32
        %dma_start3A_111 = arith.constant 0 : i32
        %dma_start3A_112 = tpu.memref_slice %arg6[%arg0, %dma_start3A_110, %dma_start3A_111] : memref<2x10000x128xf32, #tpu.memory_space<hbm>> -> memref<1x10000x128xf32, #tpu.memory_space<hbm>>
        %dma_start3A_113 = tpu.memref_squeeze %dma_start3A_112 : memref<1x10000x128xf32, #tpu.memory_space<hbm>> -> memref<10000x128xf32, #tpu.memory_space<hbm>>
        %dma_start3A_114 = arith.constant 9984 : i32
        %dma_start3A_115 = arith.constant 0 : i32
        %dma_start3A_116 = tpu.memref_slice %dma_start3A_113[%dma_start3A_114, %dma_start3A_115] : memref<10000x128xf32, #tpu.memory_space<hbm>> -> memref<16x128xf32, #tpu.memory_space<hbm>>
        %dma_start3A_117 = arith.constant 0 : i32
        %dma_start3A_118 = arith.constant 0 : i32
        %dma_start3A_119 = tpu.memref_slice %arg6[%arg0, %dma_start3A_117, %dma_start3A_118] : memref<2x10000x128xf32, #tpu.memory_space<hbm>> -> memref<1x10000x128xf32, #tpu.memory_space<hbm>>
        %dma_start3A_120 = tpu.memref_squeeze %dma_start3A_119 : memref<1x10000x128xf32, #tpu.memory_space<hbm>> -> memref<10000x128xf32, #tpu.memory_space<hbm>>
        %dma_start3A_121 = arith.constant 9984 : i32
        %dma_start3A_122 = arith.constant 0 : i32
        %dma_start3A_123 = tpu.memref_slice %dma_start3A_120[%dma_start3A_121, %dma_start3A_122] : memref<10000x128xf32, #tpu.memory_space<hbm>> -> memref<16x128xf32, #tpu.memory_space<hbm>>
        %dma_start3A_124 = arith.constant 0 : i32
        %dma_start3A_125 = arith.constant 0 : i32
        %dma_start3A_126 = tpu.memref_slice %arg11[%dma_start3A_124, %dma_start3A_125] : memref<80x128xf32, #tpu.memory_space<vmem>> -> memref<16x128xf32, #tpu.memory_space<vmem>>
        tpu.enqueue_dma source(%dma_start3A_126 : memref<16x128xf32, #tpu.memory_space<vmem>>) target(%dma_start3A_123 : memref<16x128xf32, #tpu.memory_space<hbm>>) target_semaphore(%run_scoped3A : memref<!tpu.dma_semaphore, #tpu.memory_space<semaphore_mem>>)
        %dma_wait3A_127 = arith.constant 0 : i32
        %dma_wait3A_128 = arith.constant 0 : i32
        %dma_wait3A_129 = tpu.memref_slice %arg11[%dma_wait3A_127, %dma_wait3A_128] : memref<80x128xf32, #tpu.memory_space<vmem>> -> memref<16x128xf32, #tpu.memory_space<vmem>>
        %dma_wait3A_130 = arith.constant 0 : i32
        %dma_wait3A_131 = arith.constant 0 : i32
        %dma_wait3A_132 = tpu.memref_slice %arg6[%arg0, %dma_wait3A_130, %dma_wait3A_131] : memref<2x10000x128xf32, #tpu.memory_space<hbm>> -> memref<1x10000x128xf32, #tpu.memory_space<hbm>>
        %dma_wait3A_133 = tpu.memref_squeeze %dma_wait3A_132 : memref<1x10000x128xf32, #tpu.memory_space<hbm>> -> memref<10000x128xf32, #tpu.memory_space<hbm>>
        %dma_wait3A_134 = arith.constant 9984 : i32
        %dma_wait3A_135 = arith.constant 0 : i32
        %dma_wait3A_136 = tpu.memref_slice %dma_wait3A_133[%dma_wait3A_134, %dma_wait3A_135] : memref<10000x128xf32, #tpu.memory_space<hbm>> -> memref<16x128xf32, #tpu.memory_space<hbm>>
        %dma_wait3A_137 = arith.constant 0 : i32
        %dma_wait3A_138 = arith.constant 0 : i32
        %dma_wait3A_139 = tpu.memref_slice %arg6[%arg0, %dma_wait3A_137, %dma_wait3A_138] : memref<2x10000x128xf32, #tpu.memory_space<hbm>> -> memref<1x10000x128xf32, #tpu.memory_space<hbm>>
        %dma_wait3A_140 = tpu.memref_squeeze %dma_wait3A_139 : memref<1x10000x128xf32, #tpu.memory_space<hbm>> -> memref<10000x128xf32, #tpu.memory_space<hbm>>
        %dma_wait3A_141 = arith.constant 9984 : i32
        %dma_wait3A_142 = arith.constant 0 : i32
        %dma_wait3A_143 = tpu.memref_slice %dma_wait3A_140[%dma_wait3A_141, %dma_wait3A_142] : memref<10000x128xf32, #tpu.memory_space<hbm>> -> memref<16x128xf32, #tpu.memory_space<hbm>>
        %dma_wait3A_144 = arith.constant 0 : i32
        %dma_wait3A_145 = arith.constant 0 : i32
        %dma_wait3A_146 = tpu.memref_slice %arg11[%dma_wait3A_144, %dma_wait3A_145] : memref<80x128xf32, #tpu.memory_space<vmem>> -> memref<16x128xf32, #tpu.memory_space<vmem>>
        tpu.wait_dma2 semaphore(%run_scoped3A : memref<!tpu.dma_semaphore, #tpu.memory_space<semaphore_mem>>) src(%dma_wait3A_146 : memref<16x128xf32, #tpu.memory_space<vmem>>) dst(%dma_wait3A_143 : memref<16x128xf32, #tpu.memory_space<hbm>>)
        tpu.yield
      }) : () -> ()
    } else {
    }
    %scan3A_53 = arith.constant 0 : i32
    %scan3A_54 = arith.constant 0 : i32
    %scan3A_55 = arith.constant 80 : i32
    %scan3A_56 = arith.addi %scan3A_54, %scan3A_55 : i32
    %scan3A_57 = arith.constant 1 : i32
    %scan3A_58 = scf.for %scan3A_107 = %scan3A_54 to %scan3A_56 step %scan3A_57 iter_args(%scan3A_108 = %scan3A_53) -> (i32)  : i32 {
      %broadcast_in_dim3A = arith.constant 0.000000e+00 : f32
      %broadcast_in_dim3A_109 = vector.broadcast %broadcast_in_dim3A : f32 to vector<16xf32>
      %swap3A = arith.index_cast %scan3A_107 : i32 to index
      %swap3A_110 = arith.constant 0 : index
      %swap3A_111 = tpu.vector_load %arg13[%swap3A, %swap3A_110] {strides = array<i32>} : memref<80x128xf32, #tpu.memory_space<vmem>>, vector<1x16xf32>,
      %swap3A_112 = vector.shape_cast %swap3A_111 : vector<1x16xf32> to vector<16xf32>
      %swap3A_113 = vector.shape_cast %broadcast_in_dim3A_109 : vector<16xf32> to vector<1x16xf32>
      tpu.vector_store %arg13[%swap3A, %swap3A_110], %swap3A_113 {strides = array<i32>} : memref<80x128xf32, #tpu.memory_space<vmem>>, vector<1x16xf32>,
      %broadcast_in_dim3A_114 = arith.constant 0.000000e+00 : f32
      %broadcast_in_dim3A_115 = vector.broadcast %broadcast_in_dim3A_114 : f32 to vector<16xf32>
      %swap3A_116 = arith.index_cast %scan3A_107 : i32 to index
      %swap3A_117 = arith.constant 16 : index
      %swap3A_118 = tpu.vector_load %arg13[%swap3A_116, %swap3A_117] {strides = array<i32>} : memref<80x128xf32, #tpu.memory_space<vmem>>, vector<1x16xf32>,
      %swap3A_119 = vector.shape_cast %swap3A_118 : vector<1x16xf32> to vector<16xf32>
      %swap3A_120 = vector.shape_cast %broadcast_in_dim3A_115 : vector<16xf32> to vector<1x16xf32>
      tpu.vector_store %arg13[%swap3A_116, %swap3A_117], %swap3A_120 {strides = array<i32>} : memref<80x128xf32, #tpu.memory_space<vmem>>, vector<1x16xf32>,
      %broadcast_in_dim3A_121 = arith.constant 0.000000e+00 : f32
      %broadcast_in_dim3A_122 = vector.broadcast %broadcast_in_dim3A_121 : f32 to vector<16xf32>
      %swap3A_123 = arith.index_cast %scan3A_107 : i32 to index
      %swap3A_124 = arith.constant 32 : index
      %swap3A_125 = tpu.vector_load %arg13[%swap3A_123, %swap3A_124] {strides = array<i32>} : memref<80x128xf32, #tpu.memory_space<vmem>>, vector<1x16xf32>,
      %swap3A_126 = vector.shape_cast %swap3A_125 : vector<1x16xf32> to vector<16xf32>
      %swap3A_127 = vector.shape_cast %broadcast_in_dim3A_122 : vector<16xf32> to vector<1x16xf32>
      tpu.vector_store %arg13[%swap3A_123, %swap3A_124], %swap3A_127 {strides = array<i32>} : memref<80x128xf32, #tpu.memory_space<vmem>>, vector<1x16xf32>,
      %broadcast_in_dim3A_128 = arith.constant 0.000000e+00 : f32
      %broadcast_in_dim3A_129 = vector.broadcast %broadcast_in_dim3A_128 : f32 to vector<16xf32>
      %swap3A_130 = arith.index_cast %scan3A_107 : i32 to index
      %swap3A_131 = arith.constant 48 : index
      %swap3A_132 = tpu.vector_load %arg13[%swap3A_130, %swap3A_131] {strides = array<i32>} : memref<80x128xf32, #tpu.memory_space<vmem>>, vector<1x16xf32>,
      %swap3A_133 = vector.shape_cast %swap3A_132 : vector<1x16xf32> to vector<16xf32>
      %swap3A_134 = vector.shape_cast %broadcast_in_dim3A_129 : vector<16xf32> to vector<1x16xf32>
      tpu.vector_store %arg13[%swap3A_130, %swap3A_131], %swap3A_134 {strides = array<i32>} : memref<80x128xf32, #tpu.memory_space<vmem>>, vector<1x16xf32>,
      %broadcast_in_dim3A_135 = arith.constant 0.000000e+00 : f32
      %broadcast_in_dim3A_136 = vector.broadcast %broadcast_in_dim3A_135 : f32 to vector<16xf32>
      %swap3A_137 = arith.index_cast %scan3A_107 : i32 to index
      %swap3A_138 = arith.constant 64 : index
      %swap3A_139 = tpu.vector_load %arg13[%swap3A_137, %swap3A_138] {strides = array<i32>} : memref<80x128xf32, #tpu.memory_space<vmem>>, vector<1x16xf32>,
      %swap3A_140 = vector.shape_cast %swap3A_139 : vector<1x16xf32> to vector<16xf32>
      %swap3A_141 = vector.shape_cast %broadcast_in_dim3A_136 : vector<16xf32> to vector<1x16xf32>
      tpu.vector_store %arg13[%swap3A_137, %swap3A_138], %swap3A_141 {strides = array<i32>} : memref<80x128xf32, #tpu.memory_space<vmem>>, vector<1x16xf32>,
      %broadcast_in_dim3A_142 = arith.constant 0.000000e+00 : f32
      %broadcast_in_dim3A_143 = vector.broadcast %broadcast_in_dim3A_142 : f32 to vector<16xf32>
      %swap3A_144 = arith.index_cast %scan3A_107 : i32 to index
      %swap3A_145 = arith.constant 80 : index
      %swap3A_146 = tpu.vector_load %arg13[%swap3A_144, %swap3A_145] {strides = array<i32>} : memref<80x128xf32, #tpu.memory_space<vmem>>, vector<1x16xf32>,
      %swap3A_147 = vector.shape_cast %swap3A_146 : vector<1x16xf32> to vector<16xf32>
      %swap3A_148 = vector.shape_cast %broadcast_in_dim3A_143 : vector<16xf32> to vector<1x16xf32>
      tpu.vector_store %arg13[%swap3A_144, %swap3A_145], %swap3A_148 {strides = array<i32>} : memref<80x128xf32, #tpu.memory_space<vmem>>, vector<1x16xf32>,
      %broadcast_in_dim3A_149 = arith.constant 0.000000e+00 : f32
      %broadcast_in_dim3A_150 = vector.broadcast %broadcast_in_dim3A_149 : f32 to vector<16xf32>
      %swap3A_151 = arith.index_cast %scan3A_107 : i32 to index
      %swap3A_152 = arith.constant 96 : index
      %swap3A_153 = tpu.vector_load %arg13[%swap3A_151, %swap3A_152] {strides = array<i32>} : memref<80x128xf32, #tpu.memory_space<vmem>>, vector<1x16xf32>,
      %swap3A_154 = vector.shape_cast %swap3A_153 : vector<1x16xf32> to vector<16xf32>
      %swap3A_155 = vector.shape_cast %broadcast_in_dim3A_150 : vector<16xf32> to vector<1x16xf32>
      tpu.vector_store %arg13[%swap3A_151, %swap3A_152], %swap3A_155 {strides = array<i32>} : memref<80x128xf32, #tpu.memory_space<vmem>>, vector<1x16xf32>,
      %broadcast_in_dim3A_156 = arith.constant 0.000000e+00 : f32
      %broadcast_in_dim3A_157 = vector.broadcast %broadcast_in_dim3A_156 : f32 to vector<16xf32>
      %swap3A_158 = arith.index_cast %scan3A_107 : i32 to index
      %swap3A_159 = arith.constant 112 : index
      %swap3A_160 = tpu.vector_load %arg13[%swap3A_158, %swap3A_159] {strides = array<i32>} : memref<80x128xf32, #tpu.memory_space<vmem>>, vector<1x16xf32>,
      %swap3A_161 = vector.shape_cast %swap3A_160 : vector<1x16xf32> to vector<16xf32>
      %swap3A_162 = vector.shape_cast %broadcast_in_dim3A_157 : vector<16xf32> to vector<1x16xf32>
      tpu.vector_store %arg13[%swap3A_158, %swap3A_159], %swap3A_162 {strides = array<i32>} : memref<80x128xf32, #tpu.memory_space<vmem>>, vector<1x16xf32>,
      %scan3A_163 = arith.constant 0 : i32
      scf.yield %scan3A_163 : i32
    }
    %scan3A_59 = arith.constant 80 : i32
    %mul3A_60 = arith.constant 624 : i32
    %mul3A_61 = arith.muli %arg1, %mul3A_60 : i32
    %scan3A_62 = arith.constant 0 : i32
    %scan3A_63 = arith.constant 0 : i32
    %scan3A_64 = arith.constant 7 : i32
    %scan3A_65 = arith.addi %scan3A_63, %scan3A_64 : i32
    %scan3A_66 = arith.constant 1 : i32
    %scan3A_67 = scf.for %scan3A_107 = %scan3A_63 to %scan3A_65 step %scan3A_66 iter_args(%scan3A_108 = %scan3A_62) -> (i32)  : i32 {
      %mul3A_109 = arith.constant 80 : i32
      %mul3A_110 = arith.muli %scan3A_107, %mul3A_109 : i32
      %add3A_111 = arith.addi %mul3A_61, %mul3A_110 : i32
      "tpu.region"() ({
        %run_scoped3A = tpu.sem_alloc : memref<!tpu.dma_semaphore, #tpu.memory_space<semaphore_mem>>
        %dma_start3A_113 = arith.constant 0 : i32
        %dma_start3A_114 = tpu.memref_slice %arg14[%add3A_111, %dma_start3A_113] : memref<10000x128xf32, #tpu.memory_space<vmem_shared>> -> memref<80x128xf32, #tpu.memory_space<vmem_shared>>
        %dma_start3A_115 = arith.constant 0 : i32
        %dma_start3A_116 = tpu.memref_slice %arg14[%add3A_111, %dma_start3A_115] : memref<10000x128xf32, #tpu.memory_space<vmem_shared>> -> memref<80x128xf32, #tpu.memory_space<vmem_shared>>
        tpu.enqueue_dma source(%arg13 : memref<80x128xf32, #tpu.memory_space<vmem>>) target(%dma_start3A_116 : memref<80x128xf32, #tpu.memory_space<vmem_shared>>) target_semaphore(%run_scoped3A : memref<!tpu.dma_semaphore, #tpu.memory_space<semaphore_mem>>)
        %dma_wait3A_117 = arith.constant 0 : i32
        %dma_wait3A_118 = tpu.memref_slice %arg14[%add3A_111, %dma_wait3A_117] : memref<10000x128xf32, #tpu.memory_space<vmem_shared>> -> memref<80x128xf32, #tpu.memory_space<vmem_shared>>
        %dma_wait3A_119 = arith.constant 0 : i32
        %dma_wait3A_120 = tpu.memref_slice %arg14[%add3A_111, %dma_wait3A_119] : memref<10000x128xf32, #tpu.memory_space<vmem_shared>> -> memref<80x128xf32, #tpu.memory_space<vmem_shared>>
        tpu.wait_dma2 semaphore(%run_scoped3A : memref<!tpu.dma_semaphore, #tpu.memory_space<semaphore_mem>>) src(%arg13 : memref<80x128xf32, #tpu.memory_space<vmem>>) dst(%dma_wait3A_120 : memref<80x128xf32, #tpu.memory_space<vmem_shared>>)
        tpu.yield
      }) : () -> ()
      %scan3A_112 = arith.constant 0 : i32
      scf.yield %scan3A_112 : i32
    }
    %scan3A_68 = arith.constant 7 : i32
    %add3A_69 = arith.constant 560 : i32
    %add3A_70 = arith.addi %mul3A_61, %add3A_69 : i32
    "tpu.region"() ({
      %run_scoped3A = tpu.sem_alloc : memref<!tpu.dma_semaphore, #tpu.memory_space<semaphore_mem>>
      %dma_start3A_107 = arith.constant 0 : i32
      %dma_start3A_108 = arith.constant 0 : i32
      %dma_start3A_109 = tpu.memref_slice %arg13[%dma_start3A_107, %dma_start3A_108] : memref<80x128xf32, #tpu.memory_space<vmem>> -> memref<64x128xf32, #tpu.memory_space<vmem>>
      %dma_start3A_110 = arith.constant 0 : i32
      %dma_start3A_111 = tpu.memref_slice %arg14[%add3A_70, %dma_start3A_110] : memref<10000x128xf32, #tpu.memory_space<vmem_shared>> -> memref<64x128xf32, #tpu.memory_space<vmem_shared>>
      %dma_start3A_112 = arith.constant 0 : i32
      %dma_start3A_113 = tpu.memref_slice %arg14[%add3A_70, %dma_start3A_112] : memref<10000x128xf32, #tpu.memory_space<vmem_shared>> -> memref<64x128xf32, #tpu.memory_space<vmem_shared>>
      %dma_start3A_114 = arith.constant 0 : i32
      %dma_start3A_115 = arith.constant 0 : i32
      %dma_start3A_116 = tpu.memref_slice %arg13[%dma_start3A_114, %dma_start3A_115] : memref<80x128xf32, #tpu.memory_space<vmem>> -> memref<64x128xf32, #tpu.memory_space<vmem>>
      tpu.enqueue_dma source(%dma_start3A_116 : memref<64x128xf32, #tpu.memory_space<vmem>>) target(%dma_start3A_113 : memref<64x128xf32, #tpu.memory_space<vmem_shared>>) target_semaphore(%run_scoped3A : memref<!tpu.dma_semaphore, #tpu.memory_space<semaphore_mem>>)
      %dma_wait3A_117 = arith.constant 0 : i32
      %dma_wait3A_118 = arith.constant 0 : i32
      %dma_wait3A_119 = tpu.memref_slice %arg13[%dma_wait3A_117, %dma_wait3A_118] : memref<80x128xf32, #tpu.memory_space<vmem>> -> memref<64x128xf32, #tpu.memory_space<vmem>>
      %dma_wait3A_120 = arith.constant 0 : i32
      %dma_wait3A_121 = tpu.memref_slice %arg14[%add3A_70, %dma_wait3A_120] : memref<10000x128xf32, #tpu.memory_space<vmem_shared>> -> memref<64x128xf32, #tpu.memory_space<vmem_shared>>
      %dma_wait3A_122 = arith.constant 0 : i32
      %dma_wait3A_123 = tpu.memref_slice %arg14[%add3A_70, %dma_wait3A_122] : memref<10000x128xf32, #tpu.memory_space<vmem_shared>> -> memref<64x128xf32, #tpu.memory_space<vmem_shared>>
      %dma_wait3A_124 = arith.constant 0 : i32
      %dma_wait3A_125 = arith.constant 0 : i32
      %dma_wait3A_126 = tpu.memref_slice %arg13[%dma_wait3A_124, %dma_wait3A_125] : memref<80x128xf32, #tpu.memory_space<vmem>> -> memref<64x128xf32, #tpu.memory_space<vmem>>
      tpu.wait_dma2 semaphore(%run_scoped3A : memref<!tpu.dma_semaphore, #tpu.memory_space<semaphore_mem>>) src(%dma_wait3A_126 : memref<64x128xf32, #tpu.memory_space<vmem>>) dst(%dma_wait3A_123 : memref<64x128xf32, #tpu.memory_space<vmem_shared>>)
      tpu.yield
    }) : () -> ()
    %eq3A_71 = arith.constant 0 : i32
    %eq3A_72 = arith.cmpi eq, %arg1, %eq3A_71 : i32
    %convert_element_type3A_73 = arith.extui %eq3A_72 : i1 to i32
    %cond3A_74 = arith.constant 0 : i32
    %cond3A_75 = arith.cmpi ne, %convert_element_type3A_73, %cond3A_74 : i32
    scf.if %cond3A_75 {
      "tpu.region"() ({
        %run_scoped3A = tpu.sem_alloc : memref<!tpu.dma_semaphore, #tpu.memory_space<semaphore_mem>>
        %dma_start3A_107 = arith.constant 0 : i32
        %dma_start3A_108 = arith.constant 0 : i32
        %dma_start3A_109 = tpu.memref_slice %arg13[%dma_start3A_107, %dma_start3A_108] : memref<80x128xf32, #tpu.memory_space<vmem>> -> memref<16x128xf32, #tpu.memory_space<vmem>>
        %dma_start3A_110 = arith.constant 9984 : i32
        %dma_start3A_111 = arith.constant 0 : i32
        %dma_start3A_112 = tpu.memref_slice %arg14[%dma_start3A_110, %dma_start3A_111] : memref<10000x128xf32, #tpu.memory_space<vmem_shared>> -> memref<16x128xf32, #tpu.memory_space<vmem_shared>>
        %dma_start3A_113 = arith.constant 9984 : i32
        %dma_start3A_114 = arith.constant 0 : i32
        %dma_start3A_115 = tpu.memref_slice %arg14[%dma_start3A_113, %dma_start3A_114] : memref<10000x128xf32, #tpu.memory_space<vmem_shared>> -> memref<16x128xf32, #tpu.memory_space<vmem_shared>>
        %dma_start3A_116 = arith.constant 0 : i32
        %dma_start3A_117 = arith.constant 0 : i32
        %dma_start3A_118 = tpu.memref_slice %arg13[%dma_start3A_116, %dma_start3A_117] : memref<80x128xf32, #tpu.memory_space<vmem>> -> memref<16x128xf32, #tpu.memory_space<vmem>>
        tpu.enqueue_dma source(%dma_start3A_118 : memref<16x128xf32, #tpu.memory_space<vmem>>) target(%dma_start3A_115 : memref<16x128xf32, #tpu.memory_space<vmem_shared>>) target_semaphore(%run_scoped3A : memref<!tpu.dma_semaphore, #tpu.memory_space<semaphore_mem>>)
        %dma_wait3A_119 = arith.constant 0 : i32
        %dma_wait3A_120 = arith.constant 0 : i32
        %dma_wait3A_121 = tpu.memref_slice %arg13[%dma_wait3A_119, %dma_wait3A_120] : memref<80x128xf32, #tpu.memory_space<vmem>> -> memref<16x128xf32, #tpu.memory_space<vmem>>
        %dma_wait3A_122 = arith.constant 9984 : i32
        %dma_wait3A_123 = arith.constant 0 : i32
        %dma_wait3A_124 = tpu.memref_slice %arg14[%dma_wait3A_122, %dma_wait3A_123] : memref<10000x128xf32, #tpu.memory_space<vmem_shared>> -> memref<16x128xf32, #tpu.memory_space<vmem_shared>>
        %dma_wait3A_125 = arith.constant 9984 : i32
        %dma_wait3A_126 = arith.constant 0 : i32
        %dma_wait3A_127 = tpu.memref_slice %arg14[%dma_wait3A_125, %dma_wait3A_126] : memref<10000x128xf32, #tpu.memory_space<vmem_shared>> -> memref<16x128xf32, #tpu.memory_space<vmem_shared>>
        %dma_wait3A_128 = arith.constant 0 : i32
        %dma_wait3A_129 = arith.constant 0 : i32
        %dma_wait3A_130 = tpu.memref_slice %arg13[%dma_wait3A_128, %dma_wait3A_129] : memref<80x128xf32, #tpu.memory_space<vmem>> -> memref<16x128xf32, #tpu.memory_space<vmem>>
        tpu.wait_dma2 semaphore(%run_scoped3A : memref<!tpu.dma_semaphore, #tpu.memory_space<semaphore_mem>>) src(%dma_wait3A_130 : memref<16x128xf32, #tpu.memory_space<vmem>>) dst(%dma_wait3A_127 : memref<16x128xf32, #tpu.memory_space<vmem_shared>>)
        tpu.yield
      }) : () -> ()
    } else {
    }
    %barrier3A_76 = arith.constant 0 : index
    tpu.barrier barrier_id(%barrier3A_76)
    %scan3A_77 = arith.constant 0 : i32
    %scan3A_78 = arith.constant 0 : i32
    %scan3A_79 = arith.constant 62 : i32
    %scan3A_80 = arith.addi %scan3A_78, %scan3A_79 : i32
    %scan3A_81 = arith.constant 1 : i32
    %scan3A_82 = scf.for %scan3A_107 = %scan3A_78 to %scan3A_80 step %scan3A_81 iter_args(%scan3A_108 = %scan3A_77) -> (i32)  : i32 {
      %mul3A_109 = arith.constant 2 : i32
      %mul3A_110 = arith.muli %mul3A_109, %scan3A_107 : i32
      %mul3A_111 = arith.constant 80 : i32
      %mul3A_112 = arith.muli %mul3A_110, %mul3A_111 : i32
      %add3A_113 = arith.addi %add3A_28, %mul3A_112 : i32
      %add3A_114 = arith.constant 80 : i32
      %add3A_115 = arith.addi %add3A_113, %add3A_114 : i32
      "tpu.region"() ({
        %run_scoped3A = tpu.sem_alloc : memref<!tpu.dma_semaphore, #tpu.memory_space<semaphore_mem>>
        %dma_start3A_129 = tpu.memref_slice %arg3[%add3A_113] : memref<320000xi32, #tpu.memory_space<hbm>> -> memref<80xi32, #tpu.memory_space<hbm>>
        %dma_start3A_130 = tpu.memref_slice %arg3[%add3A_113] : memref<320000xi32, #tpu.memory_space<hbm>> -> memref<80xi32, #tpu.memory_space<hbm>>
        tpu.enqueue_dma source(%dma_start3A_130 : memref<80xi32, #tpu.memory_space<hbm>>) target(%arg7 : memref<80xi32, #tpu.memory_space<vmem>>) target_semaphore(%run_scoped3A : memref<!tpu.dma_semaphore, #tpu.memory_space<semaphore_mem>>)
        %dma_wait3A_131 = tpu.memref_slice %arg3[%add3A_113] : memref<320000xi32, #tpu.memory_space<hbm>> -> memref<80xi32, #tpu.memory_space<hbm>>
        %dma_wait3A_132 = tpu.memref_slice %arg3[%add3A_113] : memref<320000xi32, #tpu.memory_space<hbm>> -> memref<80xi32, #tpu.memory_space<hbm>>
        tpu.wait_dma2 semaphore(%run_scoped3A : memref<!tpu.dma_semaphore, #tpu.memory_space<semaphore_mem>>) src(%dma_wait3A_132 : memref<80xi32, #tpu.memory_space<hbm>>) dst(%arg7 : memref<80xi32, #tpu.memory_space<vmem>>)
        tpu.yield
      }) : () -> ()
      "tpu.region"() ({
        %run_scoped3A = tpu.sem_alloc : memref<!tpu.dma_semaphore, #tpu.memory_space<semaphore_mem>>
        %dma_start3A_129 = tpu.memref_slice %arg4[%add3A_113] : memref<320000xi32, #tpu.memory_space<hbm>> -> memref<80xi32, #tpu.memory_space<hbm>>
        %dma_start3A_130 = tpu.memref_slice %arg4[%add3A_113] : memref<320000xi32, #tpu.memory_space<hbm>> -> memref<80xi32, #tpu.memory_space<hbm>>
        tpu.enqueue_dma source(%dma_start3A_130 : memref<80xi32, #tpu.memory_space<hbm>>) target(%arg8 : memref<80xi32, #tpu.memory_space<vmem>>) target_semaphore(%run_scoped3A : memref<!tpu.dma_semaphore, #tpu.memory_space<semaphore_mem>>)
        %dma_wait3A_131 = tpu.memref_slice %arg4[%add3A_113] : memref<320000xi32, #tpu.memory_space<hbm>> -> memref<80xi32, #tpu.memory_space<hbm>>
        %dma_wait3A_132 = tpu.memref_slice %arg4[%add3A_113] : memref<320000xi32, #tpu.memory_space<hbm>> -> memref<80xi32, #tpu.memory_space<hbm>>
        tpu.wait_dma2 semaphore(%run_scoped3A : memref<!tpu.dma_semaphore, #tpu.memory_space<semaphore_mem>>) src(%dma_wait3A_132 : memref<80xi32, #tpu.memory_space<hbm>>) dst(%arg8 : memref<80xi32, #tpu.memory_space<vmem>>)
        tpu.yield
      }) : () -> ()
      %dma_start3A_116 = arith.constant 0 : i32
      %dma_start3A_117 = arith.constant 0 : i32
      %dma_start3A_118 = tpu.memref_slice %arg2[%dma_start3A_116, %dma_start3A_117] : memref<10000x128xf32, #tpu.memory_space<hbm>> -> memref<10000x128xf32, #tpu.memory_space<hbm>>
      tpu.enqueue_indirect_dma source(%dma_start3A_118 : memref<10000x128xf32, #tpu.memory_space<hbm>>) target(%arg11 : memref<80x128xf32, #tpu.memory_space<vmem>>) offsets(%arg7 : memref<80xi32, #tpu.memory_space<vmem>>) semaphore(%arg15 : memref<!tpu.dma_semaphore, #tpu.memory_space<semaphore_mem>>)
      "tpu.region"() ({
        %run_scoped3A = tpu.sem_alloc : memref<!tpu.dma_semaphore, #tpu.memory_space<semaphore_mem>>
        %dma_start3A_129 = tpu.memref_slice %arg3[%add3A_115] : memref<320000xi32, #tpu.memory_space<hbm>> -> memref<80xi32, #tpu.memory_space<hbm>>
        %dma_start3A_130 = tpu.memref_slice %arg3[%add3A_115] : memref<320000xi32, #tpu.memory_space<hbm>> -> memref<80xi32, #tpu.memory_space<hbm>>
        tpu.enqueue_dma source(%dma_start3A_130 : memref<80xi32, #tpu.memory_space<hbm>>) target(%arg9 : memref<80xi32, #tpu.memory_space<vmem>>) target_semaphore(%run_scoped3A : memref<!tpu.dma_semaphore, #tpu.memory_space<semaphore_mem>>)
        %dma_wait3A_131 = tpu.memref_slice %arg3[%add3A_115] : memref<320000xi32, #tpu.memory_space<hbm>> -> memref<80xi32, #tpu.memory_space<hbm>>
        %dma_wait3A_132 = tpu.memref_slice %arg3[%add3A_115] : memref<320000xi32, #tpu.memory_space<hbm>> -> memref<80xi32, #tpu.memory_space<hbm>>
        tpu.wait_dma2 semaphore(%run_scoped3A : memref<!tpu.dma_semaphore, #tpu.memory_space<semaphore_mem>>) src(%dma_wait3A_132 : memref<80xi32, #tpu.memory_space<hbm>>) dst(%arg9 : memref<80xi32, #tpu.memory_space<vmem>>)
        tpu.yield
      }) : () -> ()
      "tpu.region"() ({
        %run_scoped3A = tpu.sem_alloc : memref<!tpu.dma_semaphore, #tpu.memory_space<semaphore_mem>>
        %dma_start3A_129 = tpu.memref_slice %arg4[%add3A_115] : memref<320000xi32, #tpu.memory_space<hbm>> -> memref<80xi32, #tpu.memory_space<hbm>>
        %dma_start3A_130 = tpu.memref_slice %arg4[%add3A_115] : memref<320000xi32, #tpu.memory_space<hbm>> -> memref<80xi32, #tpu.memory_space<hbm>>
        tpu.enqueue_dma source(%dma_start3A_130 : memref<80xi32, #tpu.memory_space<hbm>>) target(%arg10 : memref<80xi32, #tpu.memory_space<vmem>>) target_semaphore(%run_scoped3A : memref<!tpu.dma_semaphore, #tpu.memory_space<semaphore_mem>>)
        %dma_wait3A_131 = tpu.memref_slice %arg4[%add3A_115] : memref<320000xi32, #tpu.memory_space<hbm>> -> memref<80xi32, #tpu.memory_space<hbm>>
        %dma_wait3A_132 = tpu.memref_slice %arg4[%add3A_115] : memref<320000xi32, #tpu.memory_space<hbm>> -> memref<80xi32, #tpu.memory_space<hbm>>
        tpu.wait_dma2 semaphore(%run_scoped3A : memref<!tpu.dma_semaphore, #tpu.memory_space<semaphore_mem>>) src(%dma_wait3A_132 : memref<80xi32, #tpu.memory_space<hbm>>) dst(%arg10 : memref<80xi32, #tpu.memory_space<vmem>>)
        tpu.yield
      }) : () -> ()
      %dma_start3A_119 = arith.constant 0 : i32
      %dma_start3A_120 = arith.constant 0 : i32
      %dma_start3A_121 = tpu.memref_slice %arg2[%dma_start3A_119, %dma_start3A_120] : memref<10000x128xf32, #tpu.memory_space<hbm>> -> memref<10000x128xf32, #tpu.memory_space<hbm>>
      tpu.enqueue_indirect_dma source(%dma_start3A_121 : memref<10000x128xf32, #tpu.memory_space<hbm>>) target(%arg12 : memref<80x128xf32, #tpu.memory_space<vmem>>) offsets(%arg9 : memref<80xi32, #tpu.memory_space<vmem>>) semaphore(%arg16 : memref<!tpu.dma_semaphore, #tpu.memory_space<semaphore_mem>>)
      %dma_wait3A_122 = arith.constant 0 : i32
      %dma_wait3A_123 = arith.constant 0 : i32
      %dma_wait3A_124 = tpu.memref_slice %arg2[%dma_wait3A_122, %dma_wait3A_123] : memref<10000x128xf32, #tpu.memory_space<hbm>> -> memref<10000x128xf32, #tpu.memory_space<hbm>>
      tpu.wait_indirect_dma semaphore(%arg15 : memref<!tpu.dma_semaphore, #tpu.memory_space<semaphore_mem>>) src(%dma_wait3A_124 : memref<10000x128xf32, #tpu.memory_space<hbm>>) dst(%arg11 : memref<80x128xf32, #tpu.memory_space<vmem>>)
      "tpu.region"() ({
        %run_scoped3A = tpu.sem_alloc : memref<!tpu.dma_semaphore, #tpu.memory_space<semaphore_mem>>
        %dma_start3A_129 = arith.constant 0 : i32
        %dma_start3A_130 = arith.constant 0 : i32
        %dma_start3A_131 = tpu.memref_slice %arg14[%dma_start3A_129, %dma_start3A_130] : memref<10000x128xf32, #tpu.memory_space<vmem_shared>> -> memref<10000x128xf32, #tpu.memory_space<vmem_shared>>
        tpu.enqueue_indirect_dma source(%arg11 : memref<80x128xf32, #tpu.memory_space<vmem>>) target(%dma_start3A_131 : memref<10000x128xf32, #tpu.memory_space<vmem_shared>>) offsets(%arg8 : memref<80xi32, #tpu.memory_space<vmem>>) semaphore(%run_scoped3A : memref<!tpu.dma_semaphore, #tpu.memory_space<semaphore_mem>>) {add = true}
        %dma_wait3A_132 = arith.constant 0 : i32
        %dma_wait3A_133 = arith.constant 0 : i32
        %dma_wait3A_134 = tpu.memref_slice %arg14[%dma_wait3A_132, %dma_wait3A_133] : memref<10000x128xf32, #tpu.memory_space<vmem_shared>> -> memref<10000x128xf32, #tpu.memory_space<vmem_shared>>
        tpu.wait_indirect_dma semaphore(%run_scoped3A : memref<!tpu.dma_semaphore, #tpu.memory_space<semaphore_mem>>) src(%arg11 : memref<80x128xf32, #tpu.memory_space<vmem>>) dst(%dma_wait3A_134 : memref<10000x128xf32, #tpu.memory_space<vmem_shared>>)
        tpu.yield
      }) : () -> ()
      %dma_wait3A_125 = arith.constant 0 : i32
      %dma_wait3A_126 = arith.constant 0 : i32
      %dma_wait3A_127 = tpu.memref_slice %arg2[%dma_wait3A_125, %dma_wait3A_126] : memref<10000x128xf32, #tpu.memory_space<hbm>> -> memref<10000x128xf32, #tpu.memory_space<hbm>>
      tpu.wait_indirect_dma semaphore(%arg16 : memref<!tpu.dma_semaphore, #tpu.memory_space<semaphore_mem>>) src(%dma_wait3A_127 : memref<10000x128xf32, #tpu.memory_space<hbm>>) dst(%arg12 : memref<80x128xf32, #tpu.memory_space<vmem>>)
      "tpu.region"() ({
        %run_scoped3A = tpu.sem_alloc : memref<!tpu.dma_semaphore, #tpu.memory_space<semaphore_mem>>
        %dma_start3A_129 = arith.constant 0 : i32
        %dma_start3A_130 = arith.constant 0 : i32
        %dma_start3A_131 = tpu.memref_slice %arg14[%dma_start3A_129, %dma_start3A_130] : memref<10000x128xf32, #tpu.memory_space<vmem_shared>> -> memref<10000x128xf32, #tpu.memory_space<vmem_shared>>
        tpu.enqueue_indirect_dma source(%arg12 : memref<80x128xf32, #tpu.memory_space<vmem>>) target(%dma_start3A_131 : memref<10000x128xf32, #tpu.memory_space<vmem_shared>>) offsets(%arg10 : memref<80xi32, #tpu.memory_space<vmem>>) semaphore(%run_scoped3A : memref<!tpu.dma_semaphore, #tpu.memory_space<semaphore_mem>>) {add = true}
        %dma_wait3A_132 = arith.constant 0 : i32
        %dma_wait3A_133 = arith.constant 0 : i32
        %dma_wait3A_134 = tpu.memref_slice %arg14[%dma_wait3A_132, %dma_wait3A_133] : memref<10000x128xf32, #tpu.memory_space<vmem_shared>> -> memref<10000x128xf32, #tpu.memory_space<vmem_shared>>
        tpu.wait_indirect_dma semaphore(%run_scoped3A : memref<!tpu.dma_semaphore, #tpu.memory_space<semaphore_mem>>) src(%arg12 : memref<80x128xf32, #tpu.memory_space<vmem>>) dst(%dma_wait3A_134 : memref<10000x128xf32, #tpu.memory_space<vmem_shared>>)
        tpu.yield
      }) : () -> ()
      %scan3A_128 = arith.constant 0 : i32
      scf.yield %scan3A_128 : i32
    }
    %scan3A_83 = arith.constant 62 : i32
    %add3A_84 = arith.constant 9920 : i32
    %add3A_85 = arith.addi %add3A_28, %add3A_84 : i32
    "tpu.region"() ({
      %run_scoped3A = tpu.sem_alloc : memref<!tpu.dma_semaphore, #tpu.memory_space<semaphore_mem>>
      %dma_start3A_107 = tpu.memref_slice %arg3[%add3A_85] : memref<320000xi32, #tpu.memory_space<hbm>> -> memref<80xi32, #tpu.memory_space<hbm>>
      %dma_start3A_108 = tpu.memref_slice %arg3[%add3A_85] : memref<320000xi32, #tpu.memory_space<hbm>> -> memref<80xi32, #tpu.memory_space<hbm>>
      tpu.enqueue_dma source(%dma_start3A_108 : memref<80xi32, #tpu.memory_space<hbm>>) target(%arg7 : memref<80xi32, #tpu.memory_space<vmem>>) target_semaphore(%run_scoped3A : memref<!tpu.dma_semaphore, #tpu.memory_space<semaphore_mem>>)
      %dma_wait3A_109 = tpu.memref_slice %arg3[%add3A_85] : memref<320000xi32, #tpu.memory_space<hbm>> -> memref<80xi32, #tpu.memory_space<hbm>>
      %dma_wait3A_110 = tpu.memref_slice %arg3[%add3A_85] : memref<320000xi32, #tpu.memory_space<hbm>> -> memref<80xi32, #tpu.memory_space<hbm>>
      tpu.wait_dma2 semaphore(%run_scoped3A : memref<!tpu.dma_semaphore, #tpu.memory_space<semaphore_mem>>) src(%dma_wait3A_110 : memref<80xi32, #tpu.memory_space<hbm>>) dst(%arg7 : memref<80xi32, #tpu.memory_space<vmem>>)
      tpu.yield
    }) : () -> ()
    "tpu.region"() ({
      %run_scoped3A = tpu.sem_alloc : memref<!tpu.dma_semaphore, #tpu.memory_space<semaphore_mem>>
      %dma_start3A_107 = tpu.memref_slice %arg4[%add3A_85] : memref<320000xi32, #tpu.memory_space<hbm>> -> memref<80xi32, #tpu.memory_space<hbm>>
      %dma_start3A_108 = tpu.memref_slice %arg4[%add3A_85] : memref<320000xi32, #tpu.memory_space<hbm>> -> memref<80xi32, #tpu.memory_space<hbm>>
      tpu.enqueue_dma source(%dma_start3A_108 : memref<80xi32, #tpu.memory_space<hbm>>) target(%arg8 : memref<80xi32, #tpu.memory_space<vmem>>) target_semaphore(%run_scoped3A : memref<!tpu.dma_semaphore, #tpu.memory_space<semaphore_mem>>)
      %dma_wait3A_109 = tpu.memref_slice %arg4[%add3A_85] : memref<320000xi32, #tpu.memory_space<hbm>> -> memref<80xi32, #tpu.memory_space<hbm>>
      %dma_wait3A_110 = tpu.memref_slice %arg4[%add3A_85] : memref<320000xi32, #tpu.memory_space<hbm>> -> memref<80xi32, #tpu.memory_space<hbm>>
      tpu.wait_dma2 semaphore(%run_scoped3A : memref<!tpu.dma_semaphore, #tpu.memory_space<semaphore_mem>>) src(%dma_wait3A_110 : memref<80xi32, #tpu.memory_space<hbm>>) dst(%arg8 : memref<80xi32, #tpu.memory_space<vmem>>)
      tpu.yield
    }) : () -> ()
    %dma_start3A = arith.constant 0 : i32
    %dma_start3A_86 = arith.constant 0 : i32
    %dma_start3A_87 = tpu.memref_slice %arg2[%dma_start3A, %dma_start3A_86] : memref<10000x128xf32, #tpu.memory_space<hbm>> -> memref<10000x128xf32, #tpu.memory_space<hbm>>
    tpu.enqueue_indirect_dma source(%dma_start3A_87 : memref<10000x128xf32, #tpu.memory_space<hbm>>) target(%arg11 : memref<80x128xf32, #tpu.memory_space<vmem>>) offsets(%arg7 : memref<80xi32, #tpu.memory_space<vmem>>) semaphore(%arg15 : memref<!tpu.dma_semaphore, #tpu.memory_space<semaphore_mem>>)
    %dma_wait3A = arith.constant 0 : i32
    %dma_wait3A_88 = arith.constant 0 : i32
    %dma_wait3A_89 = tpu.memref_slice %arg2[%dma_wait3A, %dma_wait3A_88] : memref<10000x128xf32, #tpu.memory_space<hbm>> -> memref<10000x128xf32, #tpu.memory_space<hbm>>
    tpu.wait_indirect_dma semaphore(%arg15 : memref<!tpu.dma_semaphore, #tpu.memory_space<semaphore_mem>>) src(%dma_wait3A_89 : memref<10000x128xf32, #tpu.memory_space<hbm>>) dst(%arg11 : memref<80x128xf32, #tpu.memory_space<vmem>>)
    "tpu.region"() ({
      %run_scoped3A = tpu.sem_alloc : memref<!tpu.dma_semaphore, #tpu.memory_space<semaphore_mem>>
      %dma_start3A_107 = arith.constant 0 : i32
      %dma_start3A_108 = arith.constant 0 : i32
      %dma_start3A_109 = tpu.memref_slice %arg14[%dma_start3A_107, %dma_start3A_108] : memref<10000x128xf32, #tpu.memory_space<vmem_shared>> -> memref<10000x128xf32, #tpu.memory_space<vmem_shared>>
      tpu.enqueue_indirect_dma source(%arg11 : memref<80x128xf32, #tpu.memory_space<vmem>>) target(%dma_start3A_109 : memref<10000x128xf32, #tpu.memory_space<vmem_shared>>) offsets(%arg8 : memref<80xi32, #tpu.memory_space<vmem>>) semaphore(%run_scoped3A : memref<!tpu.dma_semaphore, #tpu.memory_space<semaphore_mem>>) {add = true}
      %dma_wait3A_110 = arith.constant 0 : i32
      %dma_wait3A_111 = arith.constant 0 : i32
      %dma_wait3A_112 = tpu.memref_slice %arg14[%dma_wait3A_110, %dma_wait3A_111] : memref<10000x128xf32, #tpu.memory_space<vmem_shared>> -> memref<10000x128xf32, #tpu.memory_space<vmem_shared>>
      tpu.wait_indirect_dma semaphore(%run_scoped3A : memref<!tpu.dma_semaphore, #tpu.memory_space<semaphore_mem>>) src(%arg11 : memref<80x128xf32, #tpu.memory_space<vmem>>) dst(%dma_wait3A_112 : memref<10000x128xf32, #tpu.memory_space<vmem_shared>>)
      tpu.yield
    }) : () -> ()
    %barrier3A_90 = arith.constant 0 : index
    tpu.barrier barrier_id(%barrier3A_90)
    %mul3A_91 = arith.constant 624 : i32
    %mul3A_92 = arith.muli %arg1, %mul3A_91 : i32
    %scan3A_93 = arith.constant 0 : i32
    %scan3A_94 = arith.constant 0 : i32
    %scan3A_95 = arith.constant 7 : i32
    %scan3A_96 = arith.addi %scan3A_94, %scan3A_95 : i32
    %scan3A_97 = arith.constant 1 : i32
    %scan3A_98 = scf.for %scan3A_107 = %scan3A_94 to %scan3A_96 step %scan3A_97 iter_args(%scan3A_108 = %scan3A_93) -> (i32)  : i32 {
      %mul3A_109 = arith.constant 80 : i32
      %mul3A_110 = arith.muli %scan3A_107, %mul3A_109 : i32
      %add3A_111 = arith.addi %mul3A_92, %mul3A_110 : i32
      "tpu.region"() ({
        %run_scoped3A = tpu.sem_alloc : memref<!tpu.dma_semaphore, #tpu.memory_space<semaphore_mem>>
        %dma_start3A_113 = arith.constant 0 : i32
        %dma_start3A_114 = tpu.memref_slice %arg14[%add3A_111, %dma_start3A_113] : memref<10000x128xf32, #tpu.memory_space<vmem_shared>> -> memref<80x128xf32, #tpu.memory_space<vmem_shared>>
        %dma_start3A_115 = arith.constant 0 : i32
        %dma_start3A_116 = tpu.memref_slice %arg14[%add3A_111, %dma_start3A_115] : memref<10000x128xf32, #tpu.memory_space<vmem_shared>> -> memref<80x128xf32, #tpu.memory_space<vmem_shared>>
        tpu.enqueue_dma source(%dma_start3A_116 : memref<80x128xf32, #tpu.memory_space<vmem_shared>>) target(%arg11 : memref<80x128xf32, #tpu.memory_space<vmem>>) target_semaphore(%run_scoped3A : memref<!tpu.dma_semaphore, #tpu.memory_space<semaphore_mem>>)
        %dma_wait3A_117 = arith.constant 0 : i32
        %dma_wait3A_118 = tpu.memref_slice %arg14[%add3A_111, %dma_wait3A_117] : memref<10000x128xf32, #tpu.memory_space<vmem_shared>> -> memref<80x128xf32, #tpu.memory_space<vmem_shared>>
        %dma_wait3A_119 = arith.constant 0 : i32
        %dma_wait3A_120 = tpu.memref_slice %arg14[%add3A_111, %dma_wait3A_119] : memref<10000x128xf32, #tpu.memory_space<vmem_shared>> -> memref<80x128xf32, #tpu.memory_space<vmem_shared>>
        tpu.wait_dma2 semaphore(%run_scoped3A : memref<!tpu.dma_semaphore, #tpu.memory_space<semaphore_mem>>) src(%dma_wait3A_120 : memref<80x128xf32, #tpu.memory_space<vmem_shared>>) dst(%arg11 : memref<80x128xf32, #tpu.memory_space<vmem>>)
        tpu.yield
      }) : () -> ()
      "tpu.region"() ({
        %run_scoped3A = tpu.sem_alloc : memref<!tpu.dma_semaphore, #tpu.memory_space<semaphore_mem>>
        %dma_start3A_113 = arith.constant 0 : i32
        %dma_start3A_114 = arith.constant 0 : i32
        %dma_start3A_115 = tpu.memref_slice %arg5[%arg0, %dma_start3A_113, %dma_start3A_114] : memref<2x10000x128xf32, #tpu.memory_space<hbm>> -> memref<1x10000x128xf32, #tpu.memory_space<hbm>>
        %dma_start3A_116 = tpu.memref_squeeze %dma_start3A_115 : memref<1x10000x128xf32, #tpu.memory_space<hbm>> -> memref<10000x128xf32, #tpu.memory_space<hbm>>
        %dma_start3A_117 = arith.constant 0 : i32
        %dma_start3A_118 = tpu.memref_slice %dma_start3A_116[%add3A_111, %dma_start3A_117] : memref<10000x128xf32, #tpu.memory_space<hbm>> -> memref<80x128xf32, #tpu.memory_space<hbm>>
        %dma_start3A_119 = arith.constant 0 : i32
        %dma_start3A_120 = arith.constant 0 : i32
        %dma_start3A_121 = tpu.memref_slice %arg5[%arg0, %dma_start3A_119, %dma_start3A_120] : memref<2x10000x128xf32, #tpu.memory_space<hbm>> -> memref<1x10000x128xf32, #tpu.memory_space<hbm>>
        %dma_start3A_122 = tpu.memref_squeeze %dma_start3A_121 : memref<1x10000x128xf32, #tpu.memory_space<hbm>> -> memref<10000x128xf32, #tpu.memory_space<hbm>>
        %dma_start3A_123 = arith.constant 0 : i32
        %dma_start3A_124 = tpu.memref_slice %dma_start3A_122[%add3A_111, %dma_start3A_123] : memref<10000x128xf32, #tpu.memory_space<hbm>> -> memref<80x128xf32, #tpu.memory_space<hbm>>
        tpu.enqueue_dma source(%arg11 : memref<80x128xf32, #tpu.memory_space<vmem>>) target(%dma_start3A_124 : memref<80x128xf32, #tpu.memory_space<hbm>>) target_semaphore(%run_scoped3A : memref<!tpu.dma_semaphore, #tpu.memory_space<semaphore_mem>>)
        %dma_wait3A_125 = arith.constant 0 : i32
        %dma_wait3A_126 = arith.constant 0 : i32
        %dma_wait3A_127 = tpu.memref_slice %arg5[%arg0, %dma_wait3A_125, %dma_wait3A_126] : memref<2x10000x128xf32, #tpu.memory_space<hbm>> -> memref<1x10000x128xf32, #tpu.memory_space<hbm>>
        %dma_wait3A_128 = tpu.memref_squeeze %dma_wait3A_127 : memref<1x10000x128xf32, #tpu.memory_space<hbm>> -> memref<10000x128xf32, #tpu.memory_space<hbm>>
        %dma_wait3A_129 = arith.constant 0 : i32
        %dma_wait3A_130 = tpu.memref_slice %dma_wait3A_128[%add3A_111, %dma_wait3A_129] : memref<10000x128xf32, #tpu.memory_space<hbm>> -> memref<80x128xf32, #tpu.memory_space<hbm>>
        %dma_wait3A_131 = arith.constant 0 : i32
        %dma_wait3A_132 = arith.constant 0 : i32
        %dma_wait3A_133 = tpu.memref_slice %arg5[%arg0, %dma_wait3A_131, %dma_wait3A_132] : memref<2x10000x128xf32, #tpu.memory_space<hbm>> -> memref<1x10000x128xf32, #tpu.memory_space<hbm>>
        %dma_wait3A_134 = tpu.memref_squeeze %dma_wait3A_133 : memref<1x10000x128xf32, #tpu.memory_space<hbm>> -> memref<10000x128xf32, #tpu.memory_space<hbm>>
        %dma_wait3A_135 = arith.constant 0 : i32
        %dma_wait3A_136 = tpu.memref_slice %dma_wait3A_134[%add3A_111, %dma_wait3A_135] : memref<10000x128xf32, #tpu.memory_space<hbm>> -> memref<80x128xf32, #tpu.memory_space<hbm>>
        tpu.wait_dma2 semaphore(%run_scoped3A : memref<!tpu.dma_semaphore, #tpu.memory_space<semaphore_mem>>) src(%arg11 : memref<80x128xf32, #tpu.memory_space<vmem>>) dst(%dma_wait3A_136 : memref<80x128xf32, #tpu.memory_space<hbm>>)
        tpu.yield
      }) : () -> ()
      %scan3A_112 = arith.constant 0 : i32
      scf.yield %scan3A_112 : i32
    }
    %scan3A_99 = arith.constant 7 : i32
    %add3A_100 = arith.constant 560 : i32
    %add3A_101 = arith.addi %mul3A_92, %add3A_100 : i32
    "tpu.region"() ({
      %run_scoped3A = tpu.sem_alloc : memref<!tpu.dma_semaphore, #tpu.memory_space<semaphore_mem>>
      %dma_start3A_107 = arith.constant 0 : i32
      %dma_start3A_108 = arith.constant 0 : i32
      %dma_start3A_109 = tpu.memref_slice %arg11[%dma_start3A_107, %dma_start3A_108] : memref<80x128xf32, #tpu.memory_space<vmem>> -> memref<64x128xf32, #tpu.memory_space<vmem>>
      %dma_start3A_110 = arith.constant 0 : i32
      %dma_start3A_111 = tpu.memref_slice %arg14[%add3A_101, %dma_start3A_110] : memref<10000x128xf32, #tpu.memory_space<vmem_shared>> -> memref<64x128xf32, #tpu.memory_space<vmem_shared>>
      %dma_start3A_112 = arith.constant 0 : i32
      %dma_start3A_113 = arith.constant 0 : i32
      %dma_start3A_114 = tpu.memref_slice %arg11[%dma_start3A_112, %dma_start3A_113] : memref<80x128xf32, #tpu.memory_space<vmem>> -> memref<64x128xf32, #tpu.memory_space<vmem>>
      %dma_start3A_115 = arith.constant 0 : i32
      %dma_start3A_116 = tpu.memref_slice %arg14[%add3A_101, %dma_start3A_115] : memref<10000x128xf32, #tpu.memory_space<vmem_shared>> -> memref<64x128xf32, #tpu.memory_space<vmem_shared>>
      tpu.enqueue_dma source(%dma_start3A_116 : memref<64x128xf32, #tpu.memory_space<vmem_shared>>) target(%dma_start3A_114 : memref<64x128xf32, #tpu.memory_space<vmem>>) target_semaphore(%run_scoped3A : memref<!tpu.dma_semaphore, #tpu.memory_space<semaphore_mem>>)
      %dma_wait3A_117 = arith.constant 0 : i32
      %dma_wait3A_118 = arith.constant 0 : i32
      %dma_wait3A_119 = tpu.memref_slice %arg11[%dma_wait3A_117, %dma_wait3A_118] : memref<80x128xf32, #tpu.memory_space<vmem>> -> memref<64x128xf32, #tpu.memory_space<vmem>>
      %dma_wait3A_120 = arith.constant 0 : i32
      %dma_wait3A_121 = tpu.memref_slice %arg14[%add3A_101, %dma_wait3A_120] : memref<10000x128xf32, #tpu.memory_space<vmem_shared>> -> memref<64x128xf32, #tpu.memory_space<vmem_shared>>
      %dma_wait3A_122 = arith.constant 0 : i32
      %dma_wait3A_123 = arith.constant 0 : i32
      %dma_wait3A_124 = tpu.memref_slice %arg11[%dma_wait3A_122, %dma_wait3A_123] : memref<80x128xf32, #tpu.memory_space<vmem>> -> memref<64x128xf32, #tpu.memory_space<vmem>>
      %dma_wait3A_125 = arith.constant 0 : i32
      %dma_wait3A_126 = tpu.memref_slice %arg14[%add3A_101, %dma_wait3A_125] : memref<10000x128xf32, #tpu.memory_space<vmem_shared>> -> memref<64x128xf32, #tpu.memory_space<vmem_shared>>
      tpu.wait_dma2 semaphore(%run_scoped3A : memref<!tpu.dma_semaphore, #tpu.memory_space<semaphore_mem>>) src(%dma_wait3A_126 : memref<64x128xf32, #tpu.memory_space<vmem_shared>>) dst(%dma_wait3A_124 : memref<64x128xf32, #tpu.memory_space<vmem>>)
      tpu.yield
    }) : () -> ()
    "tpu.region"() ({
      %run_scoped3A = tpu.sem_alloc : memref<!tpu.dma_semaphore, #tpu.memory_space<semaphore_mem>>
      %dma_start3A_107 = arith.constant 0 : i32
      %dma_start3A_108 = arith.constant 0 : i32
      %dma_start3A_109 = tpu.memref_slice %arg11[%dma_start3A_107, %dma_start3A_108] : memref<80x128xf32, #tpu.memory_space<vmem>> -> memref<64x128xf32, #tpu.memory_space<vmem>>
      %dma_start3A_110 = arith.constant 0 : i32
      %dma_start3A_111 = arith.constant 0 : i32
      %dma_start3A_112 = tpu.memref_slice %arg5[%arg0, %dma_start3A_110, %dma_start3A_111] : memref<2x10000x128xf32, #tpu.memory_space<hbm>> -> memref<1x10000x128xf32, #tpu.memory_space<hbm>>
      %dma_start3A_113 = tpu.memref_squeeze %dma_start3A_112 : memref<1x10000x128xf32, #tpu.memory_space<hbm>> -> memref<10000x128xf32, #tpu.memory_space<hbm>>
      %dma_start3A_114 = arith.constant 0 : i32
      %dma_start3A_115 = tpu.memref_slice %dma_start3A_113[%add3A_101, %dma_start3A_114] : memref<10000x128xf32, #tpu.memory_space<hbm>> -> memref<64x128xf32, #tpu.memory_space<hbm>>
      %dma_start3A_116 = arith.constant 0 : i32
      %dma_start3A_117 = arith.constant 0 : i32
      %dma_start3A_118 = tpu.memref_slice %arg5[%arg0, %dma_start3A_116, %dma_start3A_117] : memref<2x10000x128xf32, #tpu.memory_space<hbm>> -> memref<1x10000x128xf32, #tpu.memory_space<hbm>>
      %dma_start3A_119 = tpu.memref_squeeze %dma_start3A_118 : memref<1x10000x128xf32, #tpu.memory_space<hbm>> -> memref<10000x128xf32, #tpu.memory_space<hbm>>
      %dma_start3A_120 = arith.constant 0 : i32
      %dma_start3A_121 = tpu.memref_slice %dma_start3A_119[%add3A_101, %dma_start3A_120] : memref<10000x128xf32, #tpu.memory_space<hbm>> -> memref<64x128xf32, #tpu.memory_space<hbm>>
      %dma_start3A_122 = arith.constant 0 : i32
      %dma_start3A_123 = arith.constant 0 : i32
      %dma_start3A_124 = tpu.memref_slice %arg11[%dma_start3A_122, %dma_start3A_123] : memref<80x128xf32, #tpu.memory_space<vmem>> -> memref<64x128xf32, #tpu.memory_space<vmem>>
      tpu.enqueue_dma source(%dma_start3A_124 : memref<64x128xf32, #tpu.memory_space<vmem>>) target(%dma_start3A_121 : memref<64x128xf32, #tpu.memory_space<hbm>>) target_semaphore(%run_scoped3A : memref<!tpu.dma_semaphore, #tpu.memory_space<semaphore_mem>>)
      %dma_wait3A_125 = arith.constant 0 : i32
      %dma_wait3A_126 = arith.constant 0 : i32
      %dma_wait3A_127 = tpu.memref_slice %arg11[%dma_wait3A_125, %dma_wait3A_126] : memref<80x128xf32, #tpu.memory_space<vmem>> -> memref<64x128xf32, #tpu.memory_space<vmem>>
      %dma_wait3A_128 = arith.constant 0 : i32
      %dma_wait3A_129 = arith.constant 0 : i32
      %dma_wait3A_130 = tpu.memref_slice %arg5[%arg0, %dma_wait3A_128, %dma_wait3A_129] : memref<2x10000x128xf32, #tpu.memory_space<hbm>> -> memref<1x10000x128xf32, #tpu.memory_space<hbm>>
      %dma_wait3A_131 = tpu.memref_squeeze %dma_wait3A_130 : memref<1x10000x128xf32, #tpu.memory_space<hbm>> -> memref<10000x128xf32, #tpu.memory_space<hbm>>
      %dma_wait3A_132 = arith.constant 0 : i32
      %dma_wait3A_133 = tpu.memref_slice %dma_wait3A_131[%add3A_101, %dma_wait3A_132] : memref<10000x128xf32, #tpu.memory_space<hbm>> -> memref<64x128xf32, #tpu.memory_space<hbm>>
      %dma_wait3A_134 = arith.constant 0 : i32
      %dma_wait3A_135 = arith.constant 0 : i32
      %dma_wait3A_136 = tpu.memref_slice %arg5[%arg0, %dma_wait3A_134, %dma_wait3A_135] : memref<2x10000x128xf32, #tpu.memory_space<hbm>> -> memref<1x10000x128xf32, #tpu.memory_space<hbm>>
      %dma_wait3A_137 = tpu.memref_squeeze %dma_wait3A_136 : memref<1x10000x128xf32, #tpu.memory_space<hbm>> -> memref<10000x128xf32, #tpu.memory_space<hbm>>
      %dma_wait3A_138 = arith.constant 0 : i32
      %dma_wait3A_139 = tpu.memref_slice %dma_wait3A_137[%add3A_101, %dma_wait3A_138] : memref<10000x128xf32, #tpu.memory_space<hbm>> -> memref<64x128xf32, #tpu.memory_space<hbm>>
      %dma_wait3A_140 = arith.constant 0 : i32
      %dma_wait3A_141 = arith.constant 0 : i32
      %dma_wait3A_142 = tpu.memref_slice %arg11[%dma_wait3A_140, %dma_wait3A_141] : memref<80x128xf32, #tpu.memory_space<vmem>> -> memref<64x128xf32, #tpu.memory_space<vmem>>
      tpu.wait_dma2 semaphore(%run_scoped3A : memref<!tpu.dma_semaphore, #tpu.memory_space<semaphore_mem>>) src(%dma_wait3A_142 : memref<64x128xf32, #tpu.memory_space<vmem>>) dst(%dma_wait3A_139 : memref<64x128xf32, #tpu.memory_space<hbm>>)
      tpu.yield
    }) : () -> ()
    %eq3A_102 = arith.constant 0 : i32
    %eq3A_103 = arith.cmpi eq, %arg1, %eq3A_102 : i32
    %convert_element_type3A_104 = arith.extui %eq3A_103 : i1 to i32
    %cond3A_105 = arith.constant 0 : i32
    %cond3A_106 = arith.cmpi ne, %convert_element_type3A_104, %cond3A_105 : i32
    scf.if %cond3A_106 {
      "tpu.region"() ({
        %run_scoped3A = tpu.sem_alloc : memref<!tpu.dma_semaphore, #tpu.memory_space<semaphore_mem>>
        %dma_start3A_107 = arith.constant 0 : i32
        %dma_start3A_108 = arith.constant 0 : i32
        %dma_start3A_109 = tpu.memref_slice %arg11[%dma_start3A_107, %dma_start3A_108] : memref<80x128xf32, #tpu.memory_space<vmem>> -> memref<16x128xf32, #tpu.memory_space<vmem>>
        %dma_start3A_110 = arith.constant 9984 : i32
        %dma_start3A_111 = arith.constant 0 : i32
        %dma_start3A_112 = tpu.memref_slice %arg14[%dma_start3A_110, %dma_start3A_111] : memref<10000x128xf32, #tpu.memory_space<vmem_shared>> -> memref<16x128xf32, #tpu.memory_space<vmem_shared>>
        %dma_start3A_113 = arith.constant 0 : i32
        %dma_start3A_114 = arith.constant 0 : i32
        %dma_start3A_115 = tpu.memref_slice %arg11[%dma_start3A_113, %dma_start3A_114] : memref<80x128xf32, #tpu.memory_space<vmem>> -> memref<16x128xf32, #tpu.memory_space<vmem>>
        %dma_start3A_116 = arith.constant 9984 : i32
        %dma_start3A_117 = arith.constant 0 : i32
        %dma_start3A_118 = tpu.memref_slice %arg14[%dma_start3A_116, %dma_start3A_117] : memref<10000x128xf32, #tpu.memory_space<vmem_shared>> -> memref<16x128xf32, #tpu.memory_space<vmem_shared>>
        tpu.enqueue_dma source(%dma_start3A_118 : memref<16x128xf32, #tpu.memory_space<vmem_shared>>) target(%dma_start3A_115 : memref<16x128xf32, #tpu.memory_space<vmem>>) target_semaphore(%run_scoped3A : memref<!tpu.dma_semaphore, #tpu.memory_space<semaphore_mem>>)
        %dma_wait3A_119 = arith.constant 0 : i32
        %dma_wait3A_120 = arith.constant 0 : i32
        %dma_wait3A_121 = tpu.memref_slice %arg11[%dma_wait3A_119, %dma_wait3A_120] : memref<80x128xf32, #tpu.memory_space<vmem>> -> memref<16x128xf32, #tpu.memory_space<vmem>>
        %dma_wait3A_122 = arith.constant 9984 : i32
        %dma_wait3A_123 = arith.constant 0 : i32
        %dma_wait3A_124 = tpu.memref_slice %arg14[%dma_wait3A_122, %dma_wait3A_123] : memref<10000x128xf32, #tpu.memory_space<vmem_shared>> -> memref<16x128xf32, #tpu.memory_space<vmem_shared>>
        %dma_wait3A_125 = arith.constant 0 : i32
        %dma_wait3A_126 = arith.constant 0 : i32
        %dma_wait3A_127 = tpu.memref_slice %arg11[%dma_wait3A_125, %dma_wait3A_126] : memref<80x128xf32, #tpu.memory_space<vmem>> -> memref<16x128xf32, #tpu.memory_space<vmem>>
        %dma_wait3A_128 = arith.constant 9984 : i32
        %dma_wait3A_129 = arith.constant 0 : i32
        %dma_wait3A_130 = tpu.memref_slice %arg14[%dma_wait3A_128, %dma_wait3A_129] : memref<10000x128xf32, #tpu.memory_space<vmem_shared>> -> memref<16x128xf32, #tpu.memory_space<vmem_shared>>
        tpu.wait_dma2 semaphore(%run_scoped3A : memref<!tpu.dma_semaphore, #tpu.memory_space<semaphore_mem>>) src(%dma_wait3A_130 : memref<16x128xf32, #tpu.memory_space<vmem_shared>>) dst(%dma_wait3A_127 : memref<16x128xf32, #tpu.memory_space<vmem>>)
        tpu.yield
      }) : () -> ()
      "tpu.region"() ({
        %run_scoped3A = tpu.sem_alloc : memref<!tpu.dma_semaphore, #tpu.memory_space<semaphore_mem>>
        %dma_start3A_107 = arith.constant 0 : i32
        %dma_start3A_108 = arith.constant 0 : i32
        %dma_start3A_109 = tpu.memref_slice %arg11[%dma_start3A_107, %dma_start3A_108] : memref<80x128xf32, #tpu.memory_space<vmem>> -> memref<16x128xf32, #tpu.memory_space<vmem>>
        %dma_start3A_110 = arith.constant 0 : i32
        %dma_start3A_111 = arith.constant 0 : i32
        %dma_start3A_112 = tpu.memref_slice %arg5[%arg0, %dma_start3A_110, %dma_start3A_111] : memref<2x10000x128xf32, #tpu.memory_space<hbm>> -> memref<1x10000x128xf32, #tpu.memory_space<hbm>>
        %dma_start3A_113 = tpu.memref_squeeze %dma_start3A_112 : memref<1x10000x128xf32, #tpu.memory_space<hbm>> -> memref<10000x128xf32, #tpu.memory_space<hbm>>
        %dma_start3A_114 = arith.constant 9984 : i32
        %dma_start3A_115 = arith.constant 0 : i32
        %dma_start3A_116 = tpu.memref_slice %dma_start3A_113[%dma_start3A_114, %dma_start3A_115] : memref<10000x128xf32, #tpu.memory_space<hbm>> -> memref<16x128xf32, #tpu.memory_space<hbm>>
        %dma_start3A_117 = arith.constant 0 : i32
        %dma_start3A_118 = arith.constant 0 : i32
        %dma_start3A_119 = tpu.memref_slice %arg5[%arg0, %dma_start3A_117, %dma_start3A_118] : memref<2x10000x128xf32, #tpu.memory_space<hbm>> -> memref<1x10000x128xf32, #tpu.memory_space<hbm>>
        %dma_start3A_120 = tpu.memref_squeeze %dma_start3A_119 : memref<1x10000x128xf32, #tpu.memory_space<hbm>> -> memref<10000x128xf32, #tpu.memory_space<hbm>>
        %dma_start3A_121 = arith.constant 9984 : i32
        %dma_start3A_122 = arith.constant 0 : i32
        %dma_start3A_123 = tpu.memref_slice %dma_start3A_120[%dma_start3A_121, %dma_start3A_122] : memref<10000x128xf32, #tpu.memory_space<hbm>> -> memref<16x128xf32, #tpu.memory_space<hbm>>
        %dma_start3A_124 = arith.constant 0 : i32
        %dma_start3A_125 = arith.constant 0 : i32
        %dma_start3A_126 = tpu.memref_slice %arg11[%dma_start3A_124, %dma_start3A_125] : memref<80x128xf32, #tpu.memory_space<vmem>> -> memref<16x128xf32, #tpu.memory_space<vmem>>
        tpu.enqueue_dma source(%dma_start3A_126 : memref<16x128xf32, #tpu.memory_space<vmem>>) target(%dma_start3A_123 : memref<16x128xf32, #tpu.memory_space<hbm>>) target_semaphore(%run_scoped3A : memref<!tpu.dma_semaphore, #tpu.memory_space<semaphore_mem>>)
        %dma_wait3A_127 = arith.constant 0 : i32
        %dma_wait3A_128 = arith.constant 0 : i32
        %dma_wait3A_129 = tpu.memref_slice %arg11[%dma_wait3A_127, %dma_wait3A_128] : memref<80x128xf32, #tpu.memory_space<vmem>> -> memref<16x128xf32, #tpu.memory_space<vmem>>
        %dma_wait3A_130 = arith.constant 0 : i32
        %dma_wait3A_131 = arith.constant 0 : i32
        %dma_wait3A_132 = tpu.memref_slice %arg5[%arg0, %dma_wait3A_130, %dma_wait3A_131] : memref<2x10000x128xf32, #tpu.memory_space<hbm>> -> memref<1x10000x128xf32, #tpu.memory_space<hbm>>
        %dma_wait3A_133 = tpu.memref_squeeze %dma_wait3A_132 : memref<1x10000x128xf32, #tpu.memory_space<hbm>> -> memref<10000x128xf32, #tpu.memory_space<hbm>>
        %dma_wait3A_134 = arith.constant 9984 : i32
        %dma_wait3A_135 = arith.constant 0 : i32
        %dma_wait3A_136 = tpu.memref_slice %dma_wait3A_133[%dma_wait3A_134, %dma_wait3A_135] : memref<10000x128xf32, #tpu.memory_space<hbm>> -> memref<16x128xf32, #tpu.memory_space<hbm>>
        %dma_wait3A_137 = arith.constant 0 : i32
        %dma_wait3A_138 = arith.constant 0 : i32
        %dma_wait3A_139 = tpu.memref_slice %arg5[%arg0, %dma_wait3A_137, %dma_wait3A_138] : memref<2x10000x128xf32, #tpu.memory_space<hbm>> -> memref<1x10000x128xf32, #tpu.memory_space<hbm>>
        %dma_wait3A_140 = tpu.memref_squeeze %dma_wait3A_139 : memref<1x10000x128xf32, #tpu.memory_space<hbm>> -> memref<10000x128xf32, #tpu.memory_space<hbm>>
        %dma_wait3A_141 = arith.constant 9984 : i32
        %dma_wait3A_142 = arith.constant 0 : i32
        %dma_wait3A_143 = tpu.memref_slice %dma_wait3A_140[%dma_wait3A_141, %dma_wait3A_142] : memref<10000x128xf32, #tpu.memory_space<hbm>> -> memref<16x128xf32, #tpu.memory_space<hbm>>
        %dma_wait3A_144 = arith.constant 0 : i32
        %dma_wait3A_145 = arith.constant 0 : i32
        %dma_wait3A_146 = tpu.memref_slice %arg11[%dma_wait3A_144, %dma_wait3A_145] : memref<80x128xf32, #tpu.memory_space<vmem>> -> memref<16x128xf32, #tpu.memory_space<vmem>>
        tpu.wait_dma2 semaphore(%run_scoped3A : memref<!tpu.dma_semaphore, #tpu.memory_space<semaphore_mem>>) src(%dma_wait3A_146 : memref<16x128xf32, #tpu.memory_space<vmem>>) dst(%dma_wait3A_143 : memref<16x128xf32, #tpu.memory_space<hbm>>)
        tpu.yield
      }) : () -> ()
    } else {
    }
    return
  }
}

module attributes {stable_mosaic.version = 14 : i64} {
  func.func @_stageB_body(%arg0: i32, %arg1: memref<2x400x128xf32, #tpu.memory_space<vmem>>, %arg2: memref<2x400x128xf32, #tpu.memory_space<vmem>>, %arg3: memref<400x128xf32, #tpu.memory_space<vmem>>, %arg4: memref<128x512xf32, #tpu.memory_space<vmem>>, %arg5: memref<1x512xf32, #tpu.memory_space<vmem>>, %arg6: memref<128x512xf32, #tpu.memory_space<vmem>>, %arg7: memref<512x256xf32, #tpu.memory_space<vmem>>, %arg8: memref<512x256xf32, #tpu.memory_space<vmem>>, %arg9: memref<2x400x128xf32, #tpu.memory_space<vmem>>, %arg10: memref<400x256xf32, #tpu.memory_space<vmem>>) attributes {dimension_semantics = [#tpu.dimension_semantics<arbitrary>], iteration_bounds = array<i64: 25>, scalar_prefetch = 0 : i64, scratch_operands = 0 : i64, tpu.core_type = #tpu.core_type<tc>, window_params = [{transform_indices = @transform_0, window_bounds = array<i64: 2, 400, 128>}, {transform_indices = @transform_1, window_bounds = array<i64: 2, 400, 128>}, {transform_indices = @transform_2, window_bounds = array<i64: 400, 128>}, {pipeline_mode = #tpu.pipeline_mode<synchronous>, transform_indices = @transform_3, window_bounds = array<i64: 128, 512>}, {pipeline_mode = #tpu.pipeline_mode<synchronous>, transform_indices = @transform_4, window_bounds = array<i64: 1, 512>}, {pipeline_mode = #tpu.pipeline_mode<synchronous>, transform_indices = @transform_5, window_bounds = array<i64: 128, 512>}, {pipeline_mode = #tpu.pipeline_mode<synchronous>, transform_indices = @transform_6, window_bounds = array<i64: 512, 256>}, {pipeline_mode = #tpu.pipeline_mode<synchronous>, transform_indices = @transform_7, window_bounds = array<i64: 512, 256>}, {transform_indices = @transform_8, window_bounds = array<i64: 2, 400, 128>}, {transform_indices = @transform_9, window_bounds = array<i64: 400, 256>}]} {
    %get3A = arith.constant 0 : index
    %get3A_0 = arith.constant 0 : index
    %get3A_1 = arith.constant 0 : index
    %get3A_2 = vector.load %arg1[%get3A, %get3A_0, %get3A_1] : memref<2x400x128xf32, #tpu.memory_space<vmem>>, vector<1x400x128xf32>
    %get3A_3 = vector.shape_cast %get3A_2 : vector<1x400x128xf32> to vector<400x128xf32>
    %get3A_4 = arith.constant 1 : index
    %get3A_5 = arith.constant 0 : index
    %get3A_6 = arith.constant 0 : index
    %get3A_7 = vector.load %arg1[%get3A_4, %get3A_5, %get3A_6] : memref<2x400x128xf32, #tpu.memory_space<vmem>>, vector<1x400x128xf32>
    %get3A_8 = vector.shape_cast %get3A_7 : vector<1x400x128xf32> to vector<400x128xf32>
    %add3A = arith.addf %get3A_3, %get3A_8 : vector<400x128xf32>
    %get3A_9 = arith.constant 0 : index
    %get3A_10 = arith.constant 0 : index
    %get3A_11 = arith.constant 0 : index
    %get3A_12 = vector.load %arg2[%get3A_9, %get3A_10, %get3A_11] : memref<2x400x128xf32, #tpu.memory_space<vmem>>, vector<1x400x1xf32>
    %get3A_13 = vector.shape_cast %get3A_12 : vector<1x400x1xf32> to vector<400x1xf32>
    %get3A_14 = arith.constant 1 : index
    %get3A_15 = arith.constant 0 : index
    %get3A_16 = arith.constant 0 : index
    %get3A_17 = vector.load %arg2[%get3A_14, %get3A_15, %get3A_16] : memref<2x400x128xf32, #tpu.memory_space<vmem>>, vector<1x400x1xf32>
    %get3A_18 = vector.shape_cast %get3A_17 : vector<1x400x1xf32> to vector<400x1xf32>
    %add3A_19 = arith.addf %get3A_13, %get3A_18 : vector<400x1xf32>
    %max3A = arith.constant 1.000000e+00 : f32
    %max3A_20 = vector.broadcast %max3A : f32 to vector<400x1xf32>
    %max3A_21 = arith.maximumf %add3A_19, %max3A_20 : vector<400x1xf32>
    %div3A = arith.constant 1.000000e+00 : f32
    %div3A_22 = vector.broadcast %div3A : f32 to vector<400x1xf32>
    %div3A_23 = arith.divf %div3A_22, %max3A_21 : vector<400x1xf32>
    %mul3A = vector.broadcast %div3A_23 : vector<400x1xf32> to vector<400x128xf32>
    %mul3A_24 = arith.mulf %add3A, %mul3A : vector<400x128xf32>
    %get3A_25 = arith.constant 0 : index
    %get3A_26 = arith.constant 0 : index
    %get3A_27 = vector.load %arg4[%get3A_25, %get3A_26] : memref<128x512xf32, #tpu.memory_space<vmem>>, vector<128x512xf32>
    %dot_general3A = arith.constant dense<0.000000e+00> : vector<400x512xf32>
    %dot_general3A_28 = tpu.matmul %mul3A_24, %get3A_27, %dot_general3A {dimension_numbers = #tpu.dot_dimension_numbers<[1], [0], [0], [1], [0, 0, 1, 1], [], []>, transpose_lhs_hint = false} : vector<400x128xf32>, vector<128x512xf32>, vector<400x512xf32> -> vector<400x512xf32>
    %get3A_29 = arith.constant 0 : index
    %get3A_30 = arith.constant 0 : index
    %get3A_31 = vector.load %arg3[%get3A_29, %get3A_30] : memref<400x128xf32, #tpu.memory_space<vmem>>, vector<400x128xf32>
    %get3A_32 = arith.constant 0 : index
    %get3A_33 = arith.constant 0 : index
    %get3A_34 = vector.load %arg6[%get3A_32, %get3A_33] : memref<128x512xf32, #tpu.memory_space<vmem>>, vector<128x512xf32>
    %dot_general3A_35 = arith.constant dense<0.000000e+00> : vector<400x512xf32>
    %dot_general3A_36 = tpu.matmul %get3A_31, %get3A_34, %dot_general3A_35 {dimension_numbers = #tpu.dot_dimension_numbers<[1], [0], [0], [1], [0, 0, 1, 1], [], []>, transpose_lhs_hint = false} : vector<400x128xf32>, vector<128x512xf32>, vector<400x512xf32> -> vector<400x512xf32>
    %add3A_37 = arith.addf %dot_general3A_28, %dot_general3A_36 : vector<400x512xf32>
    %get3A_38 = arith.constant 0 : index
    %get3A_39 = arith.constant 0 : index
    %get3A_40 = vector.load %arg5[%get3A_38, %get3A_39] : memref<1x512xf32, #tpu.memory_space<vmem>>, vector<1x512xf32>
    %add3A_41 = vector.broadcast %get3A_40 : vector<1x512xf32> to vector<400x512xf32>
    %add3A_42 = arith.addf %add3A_37, %add3A_41 : vector<400x512xf32>
    %max3A_43 = arith.constant 0.000000e+00 : f32
    %max3A_44 = vector.broadcast %max3A_43 : f32 to vector<400x512xf32>
    %max3A_45 = arith.maximumf %add3A_42, %max3A_44 : vector<400x512xf32>
    %get3A_46 = arith.constant 0 : index
    %get3A_47 = arith.constant 0 : index
    %get3A_48 = vector.load %arg7[%get3A_46, %get3A_47] : memref<512x256xf32, #tpu.memory_space<vmem>>, vector<512x256xf32>
    %dot_general3A_49 = arith.constant dense<0.000000e+00> : vector<400x256xf32>
    %dot_general3A_50 = tpu.matmul %max3A_45, %get3A_48, %dot_general3A_49 {dimension_numbers = #tpu.dot_dimension_numbers<[1], [0], [0], [1], [0, 0, 1, 1], [], []>, transpose_lhs_hint = false} : vector<400x512xf32>, vector<512x256xf32>, vector<400x256xf32> -> vector<400x256xf32>
    %slice3A = vector.extract_strided_slice %dot_general3A_50 {offsets = [0, 0], sizes = [400, 128], strides = [1, 1]} : vector<400x256xf32> to vector<400x128xf32>
    %swap3A = arith.constant 0 : index
    %swap3A_51 = arith.constant 0 : index
    %swap3A_52 = arith.constant 0 : index
    %swap3A_53 = vector.load %arg9[%swap3A, %swap3A_51, %swap3A_52] : memref<2x400x128xf32, #tpu.memory_space<vmem>>, vector<1x400x128xf32>
    %swap3A_54 = vector.shape_cast %swap3A_53 : vector<1x400x128xf32> to vector<400x128xf32>
    %swap3A_55 = vector.shape_cast %slice3A : vector<400x128xf32> to vector<1x400x128xf32>
    tpu.vector_store %arg9[%swap3A, %swap3A_51, %swap3A_52], %swap3A_55 {strides = array<i32>} : memref<2x400x128xf32, #tpu.memory_space<vmem>>, vector<1x400x128xf32>,
    %slice3A_56 = vector.extract_strided_slice %dot_general3A_50 {offsets = [0, 128], sizes = [400, 128], strides = [1, 1]} : vector<400x256xf32> to vector<400x128xf32>
    %swap3A_57 = arith.constant 1 : index
    %swap3A_58 = arith.constant 0 : index
    %swap3A_59 = arith.constant 0 : index
    %swap3A_60 = vector.load %arg9[%swap3A_57, %swap3A_58, %swap3A_59] : memref<2x400x128xf32, #tpu.memory_space<vmem>>, vector<1x400x128xf32>
    %swap3A_61 = vector.shape_cast %swap3A_60 : vector<1x400x128xf32> to vector<400x128xf32>
    %swap3A_62 = vector.shape_cast %slice3A_56 : vector<400x128xf32> to vector<1x400x128xf32>
    tpu.vector_store %arg9[%swap3A_57, %swap3A_58, %swap3A_59], %swap3A_62 {strides = array<i32>} : memref<2x400x128xf32, #tpu.memory_space<vmem>>, vector<1x400x128xf32>,
    %get3A_63 = arith.constant 0 : index
    %get3A_64 = arith.constant 0 : index
    %get3A_65 = vector.load %arg8[%get3A_63, %get3A_64] : memref<512x256xf32, #tpu.memory_space<vmem>>, vector<512x256xf32>
    %dot_general3A_66 = arith.constant dense<0.000000e+00> : vector<400x256xf32>
    %dot_general3A_67 = tpu.matmul %max3A_45, %get3A_65, %dot_general3A_66 {dimension_numbers = #tpu.dot_dimension_numbers<[1], [0], [0], [1], [0, 0, 1, 1], [], []>, transpose_lhs_hint = false} : vector<400x512xf32>, vector<512x256xf32>, vector<400x256xf32> -> vector<400x256xf32>
    %swap3A_68 = arith.constant 0 : index
    %swap3A_69 = arith.constant 0 : index
    %swap3A_70 = vector.load %arg10[%swap3A_68, %swap3A_69] : memref<400x256xf32, #tpu.memory_space<vmem>>, vector<400x256xf32>
    tpu.vector_store %arg10[%swap3A_68, %swap3A_69], %dot_general3A_67 {strides = array<i32>} : memref<400x256xf32, #tpu.memory_space<vmem>>, vector<400x256xf32>,
    return
  }
  func.func @transform_0(%arg0: i32) -> (i32, i32, i32) {
    %c0_i32 = arith.constant 0 : i32
    %c0_i32_0 = arith.constant 0 : i32
    %c0_i32_1 = arith.constant 0 : i32
    return %c0_i32, %arg0, %c0_i32_0 : i32, i32, i32
  }
  func.func @transform_1(%arg0: i32) -> (i32, i32, i32) {
    %c0_i32 = arith.constant 0 : i32
    %c0_i32_0 = arith.constant 0 : i32
    %c0_i32_1 = arith.constant 0 : i32
    return %c0_i32, %arg0, %c0_i32_0 : i32, i32, i32
  }
  func.func @transform_2(%arg0: i32) -> (i32, i32) {
    %c0_i32 = arith.constant 0 : i32
    %c0_i32_0 = arith.constant 0 : i32
    return %arg0, %c0_i32 : i32, i32
  }
  func.func @transform_3(%arg0: i32) -> (i32, i32) {
    %c0_i32 = arith.constant 0 : i32
    %c0_i32_0 = arith.constant 0 : i32
    %c0_i32_1 = arith.constant 0 : i32
    return %c0_i32, %c0_i32_0 : i32, i32
  }
  func.func @transform_4(%arg0: i32) -> (i32, i32) {
    %c0_i32 = arith.constant 0 : i32
    %c0_i32_0 = arith.constant 0 : i32
    %c0_i32_1 = arith.constant 0 : i32
    return %c0_i32, %c0_i32_0 : i32, i32
  }
  func.func @transform_5(%arg0: i32) -> (i32, i32) {
    %c0_i32 = arith.constant 0 : i32
    %c0_i32_0 = arith.constant 0 : i32
    %c0_i32_1 = arith.constant 0 : i32
    return %c0_i32, %c0_i32_0 : i32, i32
  }
  func.func @transform_6(%arg0: i32) -> (i32, i32) {
    %c0_i32 = arith.constant 0 : i32
    %c0_i32_0 = arith.constant 0 : i32
    %c0_i32_1 = arith.constant 0 : i32
    return %c0_i32, %c0_i32_0 : i32, i32
  }
  func.func @transform_7(%arg0: i32) -> (i32, i32) {
    %c0_i32 = arith.constant 0 : i32
    %c0_i32_0 = arith.constant 0 : i32
    %c0_i32_1 = arith.constant 0 : i32
    return %c0_i32, %c0_i32_0 : i32, i32
  }
  func.func @transform_8(%arg0: i32) -> (i32, i32, i32) {
    %c0_i32 = arith.constant 0 : i32
    %c0_i32_0 = arith.constant 0 : i32
    %c0_i32_1 = arith.constant 0 : i32
    return %c0_i32, %arg0, %c0_i32_0 : i32, i32, i32
  }
  func.func @transform_9(%arg0: i32) -> (i32, i32) {
    %c0_i32 = arith.constant 0 : i32
    %c0_i32_0 = arith.constant 0 : i32
    return %arg0, %c0_i32 : i32, i32
  }
}

module attributes {stable_mosaic.version = 14 : i64} {
  func.func @_stageC_body(%arg0: i32, %arg1: memref<2x400x128xf32, #tpu.memory_space<vmem>>, %arg2: memref<2x400x128xf32, #tpu.memory_space<vmem>>, %arg3: memref<400x256xf32, #tpu.memory_space<vmem>>, %arg4: memref<1x256xf32, #tpu.memory_space<vmem>>, %arg5: memref<256x256xf32, #tpu.memory_space<vmem>>, %arg6: memref<1x256xf32, #tpu.memory_space<vmem>>, %arg7: memref<256x256xf32, #tpu.memory_space<vmem>>, %arg8: memref<1x256xf32, #tpu.memory_space<vmem>>, %arg9: memref<256x256xf32, #tpu.memory_space<vmem>>, %arg10: memref<1x256xf32, #tpu.memory_space<vmem>>, %arg11: memref<256x128xf32, #tpu.memory_space<vmem>>, %arg12: memref<1x128xf32, #tpu.memory_space<vmem>>, %arg13: memref<400x5xf32, #tpu.memory_space<vmem>>) attributes {dimension_semantics = [#tpu.dimension_semantics<arbitrary>], iteration_bounds = array<i64: 25>, scalar_prefetch = 0 : i64, scratch_operands = 0 : i64, tpu.core_type = #tpu.core_type<tc>, window_params = [{transform_indices = @transform_0, window_bounds = array<i64: 2, 400, 128>}, {transform_indices = @transform_1, window_bounds = array<i64: 2, 400, 128>}, {transform_indices = @transform_2, window_bounds = array<i64: 400, 256>}, {pipeline_mode = #tpu.pipeline_mode<synchronous>, transform_indices = @transform_3, window_bounds = array<i64: 1, 256>}, {pipeline_mode = #tpu.pipeline_mode<synchronous>, transform_indices = @transform_4, window_bounds = array<i64: 256, 256>}, {pipeline_mode = #tpu.pipeline_mode<synchronous>, transform_indices = @transform_5, window_bounds = array<i64: 1, 256>}, {pipeline_mode = #tpu.pipeline_mode<synchronous>, transform_indices = @transform_6, window_bounds = array<i64: 256, 256>}, {pipeline_mode = #tpu.pipeline_mode<synchronous>, transform_indices = @transform_7, window_bounds = array<i64: 1, 256>}, {pipeline_mode = #tpu.pipeline_mode<synchronous>, transform_indices = @transform_8, window_bounds = array<i64: 256, 256>}, {pipeline_mode = #tpu.pipeline_mode<synchronous>, transform_indices = @transform_9, window_bounds = array<i64: 1, 256>}, {pipeline_mode = #tpu.pipeline_mode<synchronous>, transform_indices = @transform_10, window_bounds = array<i64: 256, 128>}, {pipeline_mode = #tpu.pipeline_mode<synchronous>, transform_indices = @transform_11, window_bounds = array<i64: 1, 128>}, {transform_indices = @transform_12, window_bounds = array<i64: 400, 5>}]} {
    %get3A = arith.constant 0 : index
    %get3A_0 = arith.constant 0 : index
    %get3A_1 = arith.constant 0 : index
    %get3A_2 = vector.load %arg2[%get3A, %get3A_0, %get3A_1] : memref<2x400x128xf32, #tpu.memory_space<vmem>>, vector<1x400x1xf32>
    %get3A_3 = vector.shape_cast %get3A_2 : vector<1x400x1xf32> to vector<400x1xf32>
    %get3A_4 = arith.constant 1 : index
    %get3A_5 = arith.constant 0 : index
    %get3A_6 = arith.constant 0 : index
    %get3A_7 = vector.load %arg2[%get3A_4, %get3A_5, %get3A_6] : memref<2x400x128xf32, #tpu.memory_space<vmem>>, vector<1x400x1xf32>
    %get3A_8 = vector.shape_cast %get3A_7 : vector<1x400x1xf32> to vector<400x1xf32>
    %add3A = arith.addf %get3A_3, %get3A_8 : vector<400x1xf32>
    %max3A = arith.constant 1.000000e+00 : f32
    %max3A_9 = vector.broadcast %max3A : f32 to vector<400x1xf32>
    %max3A_10 = arith.maximumf %add3A, %max3A_9 : vector<400x1xf32>
    %div3A = arith.constant 1.000000e+00 : f32
    %div3A_11 = vector.broadcast %div3A : f32 to vector<400x1xf32>
    %div3A_12 = arith.divf %div3A_11, %max3A_10 : vector<400x1xf32>
    %get3A_13 = arith.constant 0 : index
    %get3A_14 = arith.constant 0 : index
    %get3A_15 = arith.constant 0 : index
    %get3A_16 = vector.load %arg1[%get3A_13, %get3A_14, %get3A_15] : memref<2x400x128xf32, #tpu.memory_space<vmem>>, vector<1x400x128xf32>
    %get3A_17 = vector.shape_cast %get3A_16 : vector<1x400x128xf32> to vector<400x128xf32>
    %get3A_18 = arith.constant 1 : index
    %get3A_19 = arith.constant 0 : index
    %get3A_20 = arith.constant 0 : index
    %get3A_21 = vector.load %arg1[%get3A_18, %get3A_19, %get3A_20] : memref<2x400x128xf32, #tpu.memory_space<vmem>>, vector<1x400x128xf32>
    %get3A_22 = vector.shape_cast %get3A_21 : vector<1x400x128xf32> to vector<400x128xf32>
    %concatenate3A = tpu.concatenate %get3A_17, %get3A_22 in 1 : vector<400x128xf32>, vector<400x128xf32> -> vector<400x256xf32>
    %mul3A = vector.broadcast %div3A_12 : vector<400x1xf32> to vector<400x256xf32>
    %mul3A_23 = arith.mulf %concatenate3A, %mul3A : vector<400x256xf32>
    %get3A_24 = arith.constant 0 : index
    %get3A_25 = arith.constant 0 : index
    %get3A_26 = vector.load %arg4[%get3A_24, %get3A_25] : memref<1x256xf32, #tpu.memory_space<vmem>>, vector<1x256xf32>
    %add3A_27 = vector.broadcast %get3A_26 : vector<1x256xf32> to vector<400x256xf32>
    %add3A_28 = arith.addf %mul3A_23, %add3A_27 : vector<400x256xf32>
    %get3A_29 = arith.constant 0 : index
    %get3A_30 = arith.constant 0 : index
    %get3A_31 = vector.load %arg3[%get3A_29, %get3A_30] : memref<400x256xf32, #tpu.memory_space<vmem>>, vector<400x256xf32>
    %add3A_32 = arith.addf %add3A_28, %get3A_31 : vector<400x256xf32>
    %max3A_33 = arith.constant 0.000000e+00 : f32
    %max3A_34 = vector.broadcast %max3A_33 : f32 to vector<400x256xf32>
    %max3A_35 = arith.maximumf %add3A_32, %max3A_34 : vector<400x256xf32>
    %get3A_36 = arith.constant 0 : index
    %get3A_37 = arith.constant 0 : index
    %get3A_38 = vector.load %arg5[%get3A_36, %get3A_37] : memref<256x256xf32, #tpu.memory_space<vmem>>, vector<256x256xf32>
    %dot_general3A = arith.constant dense<0.000000e+00> : vector<400x256xf32>
    %dot_general3A_39 = tpu.matmul %max3A_35, %get3A_38, %dot_general3A {dimension_numbers = #tpu.dot_dimension_numbers<[1], [0], [0], [1], [0, 0, 1, 1], [], []>, transpose_lhs_hint = false} : vector<400x256xf32>, vector<256x256xf32>, vector<400x256xf32> -> vector<400x256xf32>
    %get3A_40 = arith.constant 0 : index
    %get3A_41 = arith.constant 0 : index
    %get3A_42 = vector.load %arg6[%get3A_40, %get3A_41] : memref<1x256xf32, #tpu.memory_space<vmem>>, vector<1x256xf32>
    %add3A_43 = vector.broadcast %get3A_42 : vector<1x256xf32> to vector<400x256xf32>
    %add3A_44 = arith.addf %dot_general3A_39, %add3A_43 : vector<400x256xf32>
    %max3A_45 = arith.constant 0.000000e+00 : f32
    %max3A_46 = vector.broadcast %max3A_45 : f32 to vector<400x256xf32>
    %max3A_47 = arith.maximumf %add3A_44, %max3A_46 : vector<400x256xf32>
    %get3A_48 = arith.constant 0 : index
    %get3A_49 = arith.constant 0 : index
    %get3A_50 = vector.load %arg7[%get3A_48, %get3A_49] : memref<256x256xf32, #tpu.memory_space<vmem>>, vector<256x256xf32>
    %dot_general3A_51 = arith.constant dense<0.000000e+00> : vector<400x256xf32>
    %dot_general3A_52 = tpu.matmul %max3A_47, %get3A_50, %dot_general3A_51 {dimension_numbers = #tpu.dot_dimension_numbers<[1], [0], [0], [1], [0, 0, 1, 1], [], []>, transpose_lhs_hint = false} : vector<400x256xf32>, vector<256x256xf32>, vector<400x256xf32> -> vector<400x256xf32>
    %get3A_53 = arith.constant 0 : index
    %get3A_54 = arith.constant 0 : index
    %get3A_55 = vector.load %arg8[%get3A_53, %get3A_54] : memref<1x256xf32, #tpu.memory_space<vmem>>, vector<1x256xf32>
    %add3A_56 = vector.broadcast %get3A_55 : vector<1x256xf32> to vector<400x256xf32>
    %add3A_57 = arith.addf %dot_general3A_52, %add3A_56 : vector<400x256xf32>
    %max3A_58 = arith.constant 0.000000e+00 : f32
    %max3A_59 = vector.broadcast %max3A_58 : f32 to vector<400x256xf32>
    %max3A_60 = arith.maximumf %add3A_57, %max3A_59 : vector<400x256xf32>
    %get3A_61 = arith.constant 0 : index
    %get3A_62 = arith.constant 0 : index
    %get3A_63 = vector.load %arg9[%get3A_61, %get3A_62] : memref<256x256xf32, #tpu.memory_space<vmem>>, vector<256x256xf32>
    %dot_general3A_64 = arith.constant dense<0.000000e+00> : vector<400x256xf32>
    %dot_general3A_65 = tpu.matmul %max3A_60, %get3A_63, %dot_general3A_64 {dimension_numbers = #tpu.dot_dimension_numbers<[1], [0], [0], [1], [0, 0, 1, 1], [], []>, transpose_lhs_hint = false} : vector<400x256xf32>, vector<256x256xf32>, vector<400x256xf32> -> vector<400x256xf32>
    %get3A_66 = arith.constant 0 : index
    %get3A_67 = arith.constant 0 : index
    %get3A_68 = vector.load %arg10[%get3A_66, %get3A_67] : memref<1x256xf32, #tpu.memory_space<vmem>>, vector<1x256xf32>
    %add3A_69 = vector.broadcast %get3A_68 : vector<1x256xf32> to vector<400x256xf32>
    %add3A_70 = arith.addf %dot_general3A_65, %add3A_69 : vector<400x256xf32>
    %max3A_71 = arith.constant 0.000000e+00 : f32
    %max3A_72 = vector.broadcast %max3A_71 : f32 to vector<400x256xf32>
    %max3A_73 = arith.maximumf %add3A_70, %max3A_72 : vector<400x256xf32>
    %get3A_74 = arith.constant 0 : index
    %get3A_75 = arith.constant 0 : index
    %get3A_76 = vector.load %arg11[%get3A_74, %get3A_75] : memref<256x128xf32, #tpu.memory_space<vmem>>, vector<256x128xf32>
    %dot_general3A_77 = arith.constant dense<0.000000e+00> : vector<400x128xf32>
    %dot_general3A_78 = tpu.matmul %max3A_73, %get3A_76, %dot_general3A_77 {dimension_numbers = #tpu.dot_dimension_numbers<[1], [0], [0], [1], [0, 0, 1, 1], [], []>, transpose_lhs_hint = false} : vector<400x256xf32>, vector<256x128xf32>, vector<400x128xf32> -> vector<400x128xf32>
    %get3A_79 = arith.constant 0 : index
    %get3A_80 = arith.constant 0 : index
    %get3A_81 = vector.load %arg12[%get3A_79, %get3A_80] : memref<1x128xf32, #tpu.memory_space<vmem>>, vector<1x128xf32>
    %add3A_82 = vector.broadcast %get3A_81 : vector<1x128xf32> to vector<400x128xf32>
    %add3A_83 = arith.addf %dot_general3A_78, %add3A_82 : vector<400x128xf32>
    %iota3A = tpu.iota {dimensions = array<i32: 1>} : vector<400x128xi32>
    %lt3A = arith.constant 5 : i32
    %lt3A_84 = vector.broadcast %lt3A : i32 to vector<400x128xi32>
    %lt3A_85 = arith.cmpi slt, %iota3A, %lt3A_84 : vector<400x128xi32>
    %jit3A = arith.constant -1.000000e+30 : f32
    %broadcast_in_dim3A = vector.broadcast %jit3A : f32 to vector<400x128xf32>
    %select_n3A = arith.select %lt3A_85, %add3A_83, %broadcast_in_dim3A : vector<400x128xi1>, vector<400x128xf32>
    %reduce_max3A = arith.constant dense<0xFF800000> : vector<400xf32>
    %reduce_max3A_86 = vector.multi_reduction <maximumf>, %select_n3A, %reduce_max3A [1] : vector<400x128xf32> to vector<400xf32>
    %broadcast_in_dim3A_87 = vector.shape_cast %reduce_max3A_86 : vector<400xf32> to vector<400x1xf32>
    %sub3A = vector.broadcast %broadcast_in_dim3A_87 : vector<400x1xf32> to vector<400x128xf32>
    %sub3A_88 = arith.subf %select_n3A, %sub3A : vector<400x128xf32>
    %exp3A = math.exp %sub3A_88 : vector<400x128xf32>
    %reduce_sum3A = arith.constant dense<0.000000e+00> : vector<400xf32>
    %reduce_sum3A_89 = vector.multi_reduction <add>, %exp3A, %reduce_sum3A [1] : vector<400x128xf32> to vector<400xf32>
    %broadcast_in_dim3A_90 = vector.shape_cast %reduce_sum3A_89 : vector<400xf32> to vector<400x1xf32>
    %div3A_91 = vector.broadcast %broadcast_in_dim3A_90 : vector<400x1xf32> to vector<400x128xf32>
    %div3A_92 = arith.divf %exp3A, %div3A_91 : vector<400x128xf32>
    %slice3A = vector.extract_strided_slice %div3A_92 {offsets = [0, 0], sizes = [400, 5], strides = [1, 1]} : vector<400x128xf32> to vector<400x5xf32>
    %swap3A = arith.constant 0 : index
    %swap3A_93 = arith.constant 0 : index
    %swap3A_94 = vector.load %arg13[%swap3A, %swap3A_93] : memref<400x5xf32, #tpu.memory_space<vmem>>, vector<400x5xf32>
    tpu.vector_store %arg13[%swap3A, %swap3A_93], %slice3A {strides = array<i32>} : memref<400x5xf32, #tpu.memory_space<vmem>>, vector<400x5xf32>,
    return
  }
  func.func @transform_0(%arg0: i32) -> (i32, i32, i32) {
    %c0_i32 = arith.constant 0 : i32
    %c0_i32_0 = arith.constant 0 : i32
    %c0_i32_1 = arith.constant 0 : i32
    return %c0_i32, %arg0, %c0_i32_0 : i32, i32, i32
  }
  func.func @transform_1(%arg0: i32) -> (i32, i32, i32) {
    %c0_i32 = arith.constant 0 : i32
    %c0_i32_0 = arith.constant 0 : i32
    %c0_i32_1 = arith.constant 0 : i32
    return %c0_i32, %arg0, %c0_i32_0 : i32, i32, i32
  }
  func.func @transform_2(%arg0: i32) -> (i32, i32) {
    %c0_i32 = arith.constant 0 : i32
    %c0_i32_0 = arith.constant 0 : i32
    return %arg0, %c0_i32 : i32, i32
  }
  func.func @transform_3(%arg0: i32) -> (i32, i32) {
    %c0_i32 = arith.constant 0 : i32
    %c0_i32_0 = arith.constant 0 : i32
    %c0_i32_1 = arith.constant 0 : i32
    return %c0_i32, %c0_i32_0 : i32, i32
  }
  func.func @transform_4(%arg0: i32) -> (i32, i32) {
    %c0_i32 = arith.constant 0 : i32
    %c0_i32_0 = arith.constant 0 : i32
    %c0_i32_1 = arith.constant 0 : i32
    return %c0_i32, %c0_i32_0 : i32, i32
  }
  func.func @transform_5(%arg0: i32) -> (i32, i32) {
    %c0_i32 = arith.constant 0 : i32
    %c0_i32_0 = arith.constant 0 : i32
    %c0_i32_1 = arith.constant 0 : i32
    return %c0_i32, %c0_i32_0 : i32, i32
  }
  func.func @transform_6(%arg0: i32) -> (i32, i32) {
    %c0_i32 = arith.constant 0 : i32
    %c0_i32_0 = arith.constant 0 : i32
    %c0_i32_1 = arith.constant 0 : i32
    return %c0_i32, %c0_i32_0 : i32, i32
  }
  func.func @transform_7(%arg0: i32) -> (i32, i32) {
    %c0_i32 = arith.constant 0 : i32
    %c0_i32_0 = arith.constant 0 : i32
    %c0_i32_1 = arith.constant 0 : i32
    return %c0_i32, %c0_i32_0 : i32, i32
  }
  func.func @transform_8(%arg0: i32) -> (i32, i32) {
    %c0_i32 = arith.constant 0 : i32
    %c0_i32_0 = arith.constant 0 : i32
    %c0_i32_1 = arith.constant 0 : i32
    return %c0_i32, %c0_i32_0 : i32, i32
  }
  func.func @transform_9(%arg0: i32) -> (i32, i32) {
    %c0_i32 = arith.constant 0 : i32
    %c0_i32_0 = arith.constant 0 : i32
    %c0_i32_1 = arith.constant 0 : i32
    return %c0_i32, %c0_i32_0 : i32, i32
  }
  func.func @transform_10(%arg0: i32) -> (i32, i32) {
    %c0_i32 = arith.constant 0 : i32
    %c0_i32_0 = arith.constant 0 : i32
    %c0_i32_1 = arith.constant 0 : i32
    return %c0_i32, %c0_i32_0 : i32, i32
  }
  func.func @transform_11(%arg0: i32) -> (i32, i32) {
    %c0_i32 = arith.constant 0 : i32
    %c0_i32_0 = arith.constant 0 : i32
    %c0_i32_1 = arith.constant 0 : i32
    return %c0_i32, %c0_i32_0 : i32, i32
  }
  func.func @transform_12(%arg0: i32) -> (i32, i32) {
    %c0_i32 = arith.constant 0 : i32
    %c0_i32_0 = arith.constant 0 : i32
    return %arg0, %c0_i32 : i32, i32
  }
}

</mosaic_0001>

<sc_bundles>
// kernel: kernel.6.cloned.1.call-start
scs
__scs_entry_jumppad:
0x0: {  	(pc) =	sbr.rel $0x88, $3  }
0x1: {  	(tag) =	ssettag $0x0;
	lr =	simm.s32 $0x1  }
0x2: {  	[smem:$0x3F91] =	sst lr;
	_ =	strace $0xD0000000  }
0x3: {  	_ = 	snop  }
0x4: {  	_ = 	snop  }
0x5: {  	_ = 	snop  }
0x6: {  	_ = 	snop  }
0x7: {  	_ = 	snop  }
__scs_overlays_trampoline_lowered:
0x8: {  	[smem:$0x3FA0] =	sst s0  }
0x9: {  	[smem:$0x3FA1] =	sst s1  }
0xa: {  	[smem:$0x3FA2] =	sst s2  }
0xb: {  	[smem:$0x3FA3] =	sst s3  }
0xc: {  	[smem:$0x3FA4] =	sst s4  }
0xd: {  	[smem:$0x3FA5] =	sst s5  }
0xe: {  	[smem:$0x3FA6] =	sst s6  }
0xf: {  	[smem:$0x3FA7] =	sst s7  }
0x10: {  	[smem:$0x3FA8] =	sst s8  }
0x11: {  	[smem:$0x3FA9] =	sst s9;
	s0 =	simm.s32 @!p0 $0x0  }
0x12: {  	s1 =	sld [smem:$0x3F8F];
	s0 =	simm.s32 @p0 $0x1  }
0x13: {  	[smem:$0x3FAA] =	sst s0;
	s0 =	simm.s32 @!p1 $0x0  }
0x14: {  	s2 =	sld [smem:$0x3F8E];
	s0 =	simm.s32 @p1 $0x1  }
0x15: {  	[smem:$0x3FAB] =	sst s0;
	s0 =	simm.s32 @!p2 $0x0  }
0x16: {  	s3 =	sld [smem:$0x3FDB];
	s0 =	simm.s32 @p2 $0x1  }
0x17: {  	s4 =	simm.s32 $0x1BF5;
	[smem:$0x3FAD] =	sst s0  }
0x18: {  	s0 =	sld [smem:$0x3F90];
	_ =	swait.ge [sflag:s4], $0x0  }
0x19: {  	s7 =	sld [smem:$0x3F91]  }
0x1a: {  	s8 =	sadd.s32 $0xFFFFE003, lr  }
0x1b: {  	s9 =	sadd.s32 $0xFFFFFEF7, lr;
	s5 =	simm.s32 $0xFFFFFFFF;
	p2 =	slt.u32 s8, $0xFFFFF086  }
0x1c: {  	p1 =	slt.u32 s9, $0xF7A;
	s5 =	simm.s32 @!p2 $0x0  }
0x1d: {  	s5 =	simm.s32 @p1 $0x1;
	p0 =	seq.s32 s7, s2  }
0x1e: {  	s7 =	smul.u32 @!p0 $0xF7A, s2;
	p2 =	seq.s32 @!p0 s5, $0x0  }
0x1f: {  	s9 =	smul.u32 $0xF7A, s1;
	s8 =	simm.s32 @!p0 $0x1BF5;
	p2 =	por !p2, p0  }
0x20: {  	[sflag:s8] =	ssyncset.s32 @!p0 $0xFFFFF086;
	s6 =	sadd.s32 @!p0 s3, s7;
	s7 =	simm.s32 @!p0 $0x108  }
0x21: {  	s3 =	sadd.s32 s3, s9;
	s6 =	sadd.s32 @!p0 $0x88, s6;
	s7 =	simm.s32 @p2 $0x1082  }
0x22: {  	[simem:s7], [sflag:s8] =	dma.local @!p0 [hbm:s6], $0xF7A  }
0x23: {  	s9 =	sor.u32 $0xD0000000, s2;
	s6 =	simm.s32 $0x108;
	_ =	swait.ge @!p0 [sflag:s8], $0x0  }
0x24: {  	s3 =	sadd.s32 $0x88, s3;
	s6 =	simm.s32 @!p1 $0x1082;
	[sflag:s4] =	ssyncset.s32 $0xFFFFF086  }
0x25: {  	[simem:s6], [sflag:s4] =	dma.local [hbm:s3], $0xF7A  }
0x26: {  	[smem:$0x3F91] =	sst s1;
	(tag) =	ssettag s2;
	_ =	strace s9  }
0x27: {  	s1 =	sld [smem:$0x3FA1]  }
0x28: {  	s2 =	sld [smem:$0x3FA2]  }
0x29: {  	s4 =	sld [smem:$0x3FA4]  }
0x2a: {  	p0 =	seq.s32 s5, $0x0;
	s5 =	sld [smem:$0x3FA5]  }
0x2b: {  	s6 =	sld [smem:$0x3FA6]  }
0x2c: {  	s7 =	sld [smem:$0x3FA7]  }
0x2d: {  	s3 =	simm.s32 $0x108;
	s8 =	sld [smem:$0x3FA8]  }
0x2e: {  	s3 =	simm.s32 @!p0 $0x1082;
	s9 =	sld [smem:$0x3FA9]  }
0x2f: {  	lr =	sadd.s32 s0, s3;
	s0 =	sld [smem:$0x3FA0]  }
0x30: {  	s3 =	sld [smem:$0x3FA3]  }
0x31: {  	[smem:$0x3FAC] =	sst s10  }
0x32: {  	s10 =	sld [smem:$0x3FAA];
	_ =	sdelay $0x3  }
0x33: {  	p0 =	seq.s32 s10, $0x1;
	s10 =	sld [smem:$0x3FAC];
	_ =	sdelay $0x3  }
0x34: {  	[smem:$0x3FAC] =	sst s10  }
0x35: {  	s10 =	sld [smem:$0x3FAB];
	_ =	sdelay $0x3  }
0x36: {  	p1 =	seq.s32 s10, $0x1;
	s10 =	sld [smem:$0x3FAC];
	_ =	sdelay $0x3  }
0x37: {  	[smem:$0x3FAC] =	sst s10  }
0x38: {  	s10 =	sld [smem:$0x3FAD]  }
0x39: {  	_ = 	snop;
	(pc) =	sbr.ind lr, $3  }
0x3a: {  	_ = 	snop  }
0x3b: {  	_ = 	snop  }
0x3c: {  	p2 =	seq.s32 s10, $0x1;
	s10 =	sld [smem:$0x3FAC]  }
0x3d: {  	_ =	shalt  }
0x3e: {  	_ =	shalt  }
0x3f: {  	_ =	shalt  }
0x40: {  	_ =	shalt  }
0x41: {  	_ =	shalt  }
0x42: {  	_ =	shalt  }
0x43: {  	_ =	shalt  }
0x44: {  	_ =	shalt  }
0x45: {  	_ =	shalt  }
0x46: {  	_ =	shalt  }
0x47: {  	_ =	shalt  }
0x48: {  	_ =	shalt  }
0x49: {  	_ =	shalt  }
0x4a: {  	_ =	shalt  }
0x4b: {  	_ =	shalt  }
0x4c: {  	_ =	shalt  }
0x4d: {  	_ =	shalt  }
0x4e: {  	_ =	shalt  }
0x4f: {  	_ =	shalt  }
0x50: {  	_ =	shalt  }
0x51: {  	_ =	shalt  }
0x52: {  	_ =	shalt  }
0x53: {  	_ =	shalt  }
0x54: {  	_ =	shalt  }
0x55: {  	_ =	shalt  }
0x56: {  	_ =	shalt  }
0x57: {  	_ =	shalt  }
0x58: {  	_ =	shalt  }
0x59: {  	_ =	shalt  }
0x5a: {  	_ =	shalt  }
0x5b: {  	_ =	shalt  }
0x5c: {  	_ =	shalt  }
0x5d: {  	_ =	shalt  }
0x5e: {  	_ =	shalt  }
0x5f: {  	_ =	shalt  }
0x60: {  	_ =	shalt  }
0x61: {  	_ =	shalt  }
0x62: {  	_ =	shalt  }
0x63: {  	_ =	shalt  }
0x64: {  	_ =	shalt  }
0x65: {  	_ =	shalt  }
0x66: {  	_ =	shalt  }
0x67: {  	_ =	shalt  }
0x68: {  	_ =	shalt  }
0x69: {  	_ =	shalt  }
0x6a: {  	_ =	shalt  }
0x6b: {  	_ =	shalt  }
0x6c: {  	_ =	shalt  }
0x6d: {  	_ =	shalt  }
0x6e: {  	_ =	shalt  }
0x6f: {  	_ =	shalt  }
0x70: {  	_ =	shalt  }
0x71: {  	_ =	shalt  }
0x72: {  	_ =	shalt  }
0x73: {  	_ =	shalt  }
0x74: {  	_ =	shalt  }
0x75: {  	_ =	shalt  }
0x76: {  	_ =	shalt  }
0x77: {  	_ =	shalt  }
0x78: {  	_ =	shalt  }
0x79: {  	_ =	shalt  }
0x7a: {  	_ =	shalt  }
0x7b: {  	_ =	shalt  }
0x7c: {  	_ =	shalt  }
0x7d: {  	_ =	shalt  }
0x7e: {  	_ =	shalt  }
0x7f: {  	_ =	shalt  }
0x80: {  	_ =	shalt  }
0x81: {  	_ =	shalt  }
0x82: {  	_ =	shalt  }
0x83: {  	_ =	shalt  }
0x84: {  	_ =	shalt  }
0x85: {  	_ =	shalt  }
0x86: {  	_ =	shalt  }
0x87: {  	_ =	shalt  }
.Lfunc_end0:
.L_simem_size_0:
called_computation_lowered:
.L_overlay_start_0:
0x88: {  	s2 =	sld [smem:$0x3FD9]  }
0x89: {  	s3 =	sld [smem:$0x3FFE];
	_ =	sdelay $0x1  }
0x8a: {  	s1 =	srdreg.scid  }
0x8b: {  	s0 =	sand.u32 $0x1, s1  }
0x8c: {  	s17 =	sshll.u32 s0, $0xA;
	s2 =	sadd.s32 s3, s2  }
0x8d: {  	s2 =	sadd.s32 s2, s17  }
0x8e: {  	[smem:$0x3FB8] =	sst s2  }
0x8f: {  	_ = 	snop  }
0x90: {  	s2 =	sld [smem:$0x3FC9];
	(tm) =	ssettm $0x1  }
0x91: {  	s18 =	sld [smem:$0x3FFB];
	_ =	sdelay $0x3  }
0x92: {  	_ =	strace s18  }
0x93: {  	s3 =	sld [smem:$0x3FFC];
	_ =	sdelay $0x3  }
0x94: {  	_ =	strace s3  }
0x95: {  	s3 =	sld [smem:$0x3FFD];
	_ =	sdelay $0x3  }
0x96: {  	_ =	strace s3  }
0x97: {  	_ =	strace $0x8FFFFFFF  }
0x98: {  	s19 =	sld [smem:$0x3FDB];
	_ =	sdelay $0x1  }
0x99: {  	s4 =	simm.s32 $_scs_section_size  }
0x9a: {  	s5 =	simm.s32 $_size__tile_overlayer_lowered;
	s6 =	simm.s32 $_tile_overlayer_lowered  }
0x9b: {  	s22 =	simm.s32 $0x1BFF;
	s21 =	sshll.u32 s6, $0x1;
	s3 =	sadd.s32 s4, s19  }
0x9c: {  	s7 =	simm.s32 $0x0;
	s20 =	sshll.u32 s5, $0x1;
	s5 =	sadd.s32 s21, s3  }
0x9d: {  	[timem:s7], [sflag:s22] =	dma.local [hbm:s5], s20  }
0x9e: {  	_ =	swait.ge [sflag:s22], s20  }
0x9f: {  	s4 =	ssub.s32 $0x0, s20;
	[sflag:s22] =	ssyncset.done $0x0  }
0xa0: {  	[sflag:s22] =	ssyncadd.s32 s4;
	_ =	sdelay $0x1  }
0xa1: {  	s23 =	simm.s32 $0x1B8B  }
0xa2: {  	_ =	swait.ge [sflag:s23], $0x1  }
0xa3: {  	[sflag:s23] =	ssyncset.done $0x0  }
0xa4: {  	s25 =	simm.s32 $0x1B8E;
	s24 =	sld [smem:$0x3FFE];
	[sflag:s23] =	ssyncadd.s32 $0xFFFFFFFF  }
0xa5: {  	s26 =	simm.s32 $execute0_lowered;
	[smem:$0x3FD2] =	sst s25  }
0xa6: {  	s5 =	sshll.u32 s26, $0x1;
	_ =	strace $0x80000046;
	[dreg:$0x1] =	wrdreg $0xFFFFFFFF  }
0xa7: {  	s28 =	simm.s32 $_size_execute0_lowered;
	s3 =	sadd.s32 s3, s5;
	[dreg:$0x0] =	wrdreg $0x0  }
0xa8: {  	s5 =	sshll.u32 s28, $0x1;
	[dreg:$0x2] =	wrdreg s3  }
0xa9: {  	[dreg:$0x3] =	wrdreg s5  }
0xaa: {  	[dreg:$0x4] =	wrdreg $0xC0  }
0xab: {  	_ =	task [dreg:s7], $0x5FFFF  }
0xac: {  	[dreg:$0x1] =	wrdreg $0xFFFFFFFF  }
0xad: {  	[dreg:$0x0] =	wrdreg $0x60  }
0xae: {  	[dreg:$0x2] =	wrdreg s2  }
0xaf: {  	[dreg:$0x3] =	wrdreg s24  }
0xb0: {  	[dreg:$0x4] =	wrdreg $0x7A000  }
0xb1: {  	[dreg:$0x5] =	wrdreg $0x9  }
0xb2: {  	_ =	task.clear_ibuf [dreg:s7], $0x6FFFF;
	_ =	strace $0x90000046  }
0xb3: {  	s29 =	simm.s32 $0x9;
	_ =	strace $0x80000048  }
0xb4: {  	_ =	swait.ge [sflag:s29], $0x1  }
0xb5: {  	[sflag:s29] =	ssyncadd.s32 $0xFFFFFFFF  }
0xb6: {  	_ =	strace $0x90000048  }
0xb7: {  	_ =	sfence  }
0xb8: {  	s30 =	sld [smem:$0x0];
	_ =	sdelay $0x2  }
0xb9: {  	s31 =	sshll.u32 s1, $0xD;
	s1 =	sshrl.u32 s1, $0x2  }
0xba: {  	s3 =	sand.u32 $0x4000, s31;
	s1 =	sadd.s32 s1, s30  }
0xbb: {  	s0 =	sor.u32 s3, s0;
	s1 =	sshll.u32 s1, $0x11  }
0xbc: {  	s0 =	sor.u32 s1, s0  }
0xbd: {  	s0 =	sadd.s32 $0x8F2B, s0  }
0xbe: {  	[sflag:s0] =	ssyncadd.remote.s32 $0x1  }
0xbf: {  	_ =	sfence.sel $0xFFFF  }
0xc0: {  	[dreg:$0x0] =	wrdreg $0xFFFFFFFF;
	(pc) =	sbr.abs _section_cstart, $3  }
0xc1: {  	[dreg:$0x1] =	wrdreg $0xFFFFFFFF  }
0xc2: {  	_ =	task.clear_ibuf [dreg:s7], $0x2FFFF;
	_ =	strace $0x9FFFFFFF  }
0xc3: {  	(tm) =	ssettm $0x7FFFFFFF  }
tec
execute0_lowered:
.L_overlay_start_1:
0x0: {  	(tag) =	ssettag $0x1  }
0x1: {  	s1 =	rddreg [dreg:$0x0]  }
0x2: {  	s0 =	rddreg [dreg:$0x1]  }
0x3: {  	s2 =	rddreg [dreg:$0x2];
	s6 =	stileid.u32  }
0x4: {  	s3 =	simm.s32 $0x0;
	s4 =	srdreg.scid;
	s7 =	smul.u32 $0x270, s6  }
0x5: {  	s31 =	simm.s32 $0x5200;
	[smem:$0x7FF] =	sst s3;
	s9 =	smul.u32 $0x2710, s6  }
0x6: {  	s4 =	sand.u32 $0x1, s4;
	s8 =	sadd.s32 $0xC600, s0;
	s20 =	smul.u32 $0x4E000, s6  }
0x7: {  	s10 =	sadd.s32 $0x2800, s0;
	p0 =	sne.s32 s6, $0x0;
	s6 =	smul.u32 $0x2700, s6  }
0x8: {  	s30 =	sadd.s32 $0x138000, s2;
	s5 =	smul.u32 $0x27100, s4;
	s4 =	ssub.s32 $0x2, s4  }
0x9: {  	_ =	strace $0x80000047;
	s11 =	sadd.s32 $0x230, s7;
	s12 =	sshrl.u32 s4, $0x1  }
0xa: {  	s23 =	sshrl.u32 s20, $0x2;
	s24 =	sadd.s32 $0x50, s7;
	s25 =	sadd.s32 $0xA0, s7  }
0xb: {  	[dreg:$0xb] =	wrdreg s6;
	s6 =	simm.s32 $0x100;
	s0 =	sadd.s32 s5, s0  }
0xc: {  	s13 =	sshll.u32 s11, $0x7;
	s15 =	sadd.s32 s9, s5;
	s4 =	ssub.s32 s4, s12  }
0xd: {  	s11 =	sshll.u32 s11, $0x4;
	s26 =	sshll.u32 s24, $0x7;
	s28 =	sshll.u32 s25, $0x7  }
0xe: {  	s12 =	sadd.s32 $0x190, s7;
	s18 =	sadd.s32 s13, s2;
	s16 =	sshrl.u32 s15, $0x3  }
0xf: {  	s5 =	sadd.s32 $0x64600, s0;
	[dreg:$0x5] =	wrdreg s11;
	s22 =	smax.u32 s4, $0x1  }
0x10: {  	s29 =	sadd.s32 s26, s2;
	s13 =	sadd.s32 s28, s2;
	s17 =	sadd.s32 $0x50, s15  }
0x11: {  	s20 =	sshll.u32 s12, $0x7;
	s28 =	sshll.u32 s12, $0x4;
	[dreg:$0x4] =	wrdreg s18  }
0x12: {  	s19 =	sadd.s32 $0x4D8, s16;
	[dreg:$0x8] =	wrdreg s22;
	s22 =	sadd.s32 $0xF0, s7  }
0x13: {  	[dreg:$0xa] =	wrdreg s29;
	s15 =	sadd.s32 s16, s10;
	s16 =	sadd.s32 s16, s8  }
0x14: {  	s18 =	sshrl.u32 s17, $0x3;
	s20 =	sadd.s32 s20, s2;
	[dreg:$0x10] =	wrdreg s28  }
0x15: {  	s21 =	sadd.s32 s8, s19;
	s9 =	sadd.s32 s10, s19;
	s14 =	sshll.u32 s22, $0x7  }
0x16: {  	s17 =	sadd.s32 s18, s10;
	s18 =	sadd.s32 s18, s8;
	[dreg:$0x6] =	wrdreg s21  }
0x17: {  	s8 =	simm.s32 $0x50;
	s10 =	simm.s32 $0x200;
	[dreg:$0x7] =	wrdreg s9  }
0x18: {  	s9 =	sadd.s32 $0x16400, s0;
	s0 =	sadd.s32 s23, s2;
	s14 =	sadd.s32 s14, s2  }
0x19: {  	s23 =	sadd.s32 $0x140, s7;
	s7 =	sadd.s32 $0x1E0, s7;
	[dreg:$0x9] =	wrdreg s0  }
0x1a: {  	s19 =	sshll.u32 s23, $0x7;
	s21 =	sshll.u32 s7, $0x7;
	s0 =	sshll.u32 s24, $0x4  }
0x1b: {  	s24 =	sshll.u32 s25, $0x4;
	s25 =	sshll.u32 s22, $0x4;
	[dreg:$0xc] =	wrdreg s0  }
0x1c: {  	s26 =	sshll.u32 s23, $0x4;
	s29 =	sshll.u32 s7, $0x4;
	[dreg:$0xd] =	wrdreg s24  }
0x1d: {  	s7 =	simm.s32 $0x80;
	s22 =	simm.s32 $0x180;
	[dreg:$0xe] =	wrdreg s25  }
0x1e: {  	s23 =	simm.s32 $0x2A00;
	s19 =	sadd.s32 s19, s2;
	[dreg:$0xf] =	wrdreg s26  }
0x1f: {  	s21 =	sadd.s32 s21, s2;
	[dreg:$0x11] =	wrdreg s29;
	s0 =	simm.s32 $0x3  }
0x20: {  	v0 =	vimm.f32 $0.0e+00;
	v1 =	vimm.f32 $1.000000000e+00;
	s24 =	simm.s32 $0x1;
	s25 =	simm.s32 $0x2;
	s26 =	simm.s32 $0x0  }
.LBB2_1:
0x21: {  	s28 =	simm.s32 $0x0;
	s29 =	simm.s32 $0x200  }
.LBB2_2:
0x22: {  	p1 =	sne.s32 s29, $0x9E00;
	[tilespmem:s28+$0x5270] =	vst v0  }
0x23: {  	[tilespmem:s28+$0x5200] =	vst v0  }
0x24: {  	[tilespmem:s28+$0x5210] =	vst v0  }
.Ltmp0:
0x25: {  	[tilespmem:s28+$0x5220] =	vst v0;
	(pc) =	sbr.rel @p1 .LBB2_2-.Ltmp0, $4  }
0x26: {  	[tilespmem:s28+$0x5230] =	vst v0  }
0x27: {  	[tilespmem:s28+$0x5240] =	vst v0  }
0x28: {  	[tilespmem:s28+$0x5250] =	vst v0  }
0x29: {  	[tilespmem:s28+$0x5260] =	vst v0;
	s28 =	sshra.s32 s29, $0x2;
	s29 =	sadd.s32 $0x200, s29  }
0x2a: {  	[tilespmem:s28+$0x5270] =	vst v0  }
0x2b: {  	[tilespmem:s28+$0x5200] =	vst v0  }
0x2c: {  	[tilespmem:s28+$0x5210] =	vst v0  }
0x2d: {  	[tilespmem:s28+$0x5220] =	vst v0  }
0x2e: {  	[tilespmem:s28+$0x5230] =	vst v0  }
0x2f: {  	[tilespmem:s28+$0x5240] =	vst v0  }
0x30: {  	[tilespmem:s28+$0x5250] =	vst v0  }
0x31: {  	[tilespmem:s28+$0x5260] =	vst v0;
	s4 =	rddreg [dreg:$0x9]  }
0x32: {  	[spmem:s4] =	stream.linear.scatter [tilespmem:s31], [sflag:$0x3], $0x2800, $0x38;
	[tilespmem:$0x1B280] =	vst v63  }
0x33: {  	_ =	swait.ge [sflag:s0], $0x2800  }
0x34: {  	[sflag:s0] =	ssyncset.done $0x0  }
0x35: {  	s11 =	rddreg [dreg:$0xa];
	[sflag:s0] =	ssyncadd.s32 $0xFFFFD800  }
0x36: {  	[spmem:s11] =	stream.linear.scatter [tilespmem:s31], [sflag:$0x3], $0x2800, $0x38;
	[tilespmem:$0x1B280] =	vst v63  }
0x37: {  	_ =	swait.ge [sflag:s0], $0x2800  }
0x38: {  	[sflag:s0] =	ssyncset.done $0x0  }
0x39: {  	[sflag:s0] =	ssyncadd.s32 $0xFFFFD800  }
0x3a: {  	[spmem:s13] =	stream.linear.scatter [tilespmem:s31], [sflag:$0x3], $0x2800, $0x38;
	[tilespmem:$0x1B280] =	vst v63  }
0x3b: {  	_ =	swait.ge [sflag:s0], $0x2800  }
0x3c: {  	[sflag:s0] =	ssyncset.done $0x0  }
0x3d: {  	[sflag:s0] =	ssyncadd.s32 $0xFFFFD800  }
0x3e: {  	[spmem:s14] =	stream.linear.scatter [tilespmem:s31], [sflag:$0x3], $0x2800, $0x38;
	[tilespmem:$0x1B280] =	vst v63  }
0x3f: {  	_ =	swait.ge [sflag:s0], $0x2800  }
0x40: {  	[sflag:s0] =	ssyncset.done $0x0  }
0x41: {  	[sflag:s0] =	ssyncadd.s32 $0xFFFFD800  }
0x42: {  	[spmem:s19] =	stream.linear.scatter [tilespmem:s31], [sflag:$0x3], $0x2800, $0x38;
	[tilespmem:$0x1B280] =	vst v63  }
0x43: {  	_ =	swait.ge [sflag:s0], $0x2800  }
0x44: {  	[sflag:s0] =	ssyncset.done $0x0  }
0x45: {  	[sflag:s0] =	ssyncadd.s32 $0xFFFFD800  }
0x46: {  	[spmem:s20] =	stream.linear.scatter [tilespmem:s31], [sflag:$0x3], $0x2800, $0x38;
	[tilespmem:$0x1B280] =	vst v63  }
0x47: {  	_ =	swait.ge [sflag:s0], $0x2800  }
0x48: {  	[sflag:s0] =	ssyncset.done $0x0  }
0x49: {  	[sflag:s0] =	ssyncadd.s32 $0xFFFFD800  }
0x4a: {  	[spmem:s21] =	stream.linear.scatter [tilespmem:s31], [sflag:$0x3], $0x2800, $0x38;
	[tilespmem:$0x1B280] =	vst v63  }
0x4b: {  	_ =	swait.ge [sflag:s0], $0x2800  }
0x4c: {  	[sflag:s0] =	ssyncset.done $0x0  }
0x4d: {  	s12 =	rddreg [dreg:$0x4];
	[sflag:s0] =	ssyncadd.s32 $0xFFFFD800  }
0x4e: {  	[spmem:s12] =	stream.linear.scatter [tilespmem:s31], [sflag:$0x3], $0x2000, $0x38;
	[tilespmem:$0x1B280] =	vst v63  }
0x4f: {  	_ =	swait.ge [sflag:s0], $0x2000  }
0x50: {  	[sflag:s0] =	ssyncset.done $0x0  }
0x51: {  	s4 =	simm.s32 @!p0 $0x5200;
	[sflag:s0] =	ssyncadd.s32 $0xFFFFE000  }
0x52: {  	[spmem:s30] =	stream.linear.scatter @!p0 [tilespmem:s4], [sflag:$0x3], $0x800, $0x38;
	[tilespmem:$0x1B280] =	vst v63  }
0x53: {  	s4 =	simm.s32 @!p0 $0x3  }
0x54: {  	_ =	swait.ge @!p0 [sflag:s4], $0x800  }
0x55: {  	[sflag:s4] =	ssyncset.done @!p0 $0x0  }
0x56: {  	s28 =	simm.s32 $0x0;
	s29 =	simm.s32 $0x200;
	[sflag:s4] =	ssyncadd.s32 @!p0 $0xFFFFF800  }
.LBB2_4:
0x57: {  	p1 =	sne.s32 s29, $0x9E00;
	[tilespmem:s28+$0x5270] =	vst v1  }
0x58: {  	[tilespmem:s28+$0x5200] =	vst v1  }
0x59: {  	[tilespmem:s28+$0x5210] =	vst v1  }
.Ltmp1:
0x5a: {  	[tilespmem:s28+$0x5220] =	vst v1;
	(pc) =	sbr.rel @p1 .LBB2_4-.Ltmp1, $4  }
0x5b: {  	[tilespmem:s28+$0x5230] =	vst v1  }
0x5c: {  	[tilespmem:s28+$0x5240] =	vst v1  }
0x5d: {  	[tilespmem:s28+$0x5250] =	vst v1  }
0x5e: {  	[tilespmem:s28+$0x5260] =	vst v1;
	s28 =	sshra.s32 s29, $0x2;
	s29 =	sadd.s32 $0x200, s29  }
0x5f: {  	[tilespmem:s28+$0x5270] =	vst v1  }
0x60: {  	[tilespmem:s28+$0x5200] =	vst v1  }
0x61: {  	[tilespmem:s28+$0x5210] =	vst v1  }
0x62: {  	[tilespmem:s28+$0x5220] =	vst v1  }
0x63: {  	[tilespmem:s28+$0x5230] =	vst v1  }
0x64: {  	[tilespmem:s28+$0x5240] =	vst v1  }
0x65: {  	[tilespmem:s28+$0x5250] =	vst v1  }
0x66: {  	[tilespmem:s28+$0x5260] =	vst v1  }
0x67: {  	s4 =	sadd.s32 $0x0, s15;
	[bflag:$0x0] =	sbarrier.arrive $0xFFFF  }
0x68: {  	[tilespmem:s7], [sflag:$0x3] =	stream.linear.gather [hbm4b:s4+s3], $0x50, $0x38;
	[tilespmem:$0x1B280] =	vst v63  }
0x69: {  	_ =	swait.ge [sflag:s0], $0x50  }
0x6a: {  	[sflag:s0] =	ssyncset.done $0x0  }
0x6b: {  	[sflag:s0] =	ssyncadd.s32 $0xFFFFFFB0  }
0x6c: {  	[spmem:s2] =	stream.indirect.scatter.add.f32 [tilespmem:s31], [sflag:$0x3], $0x80, s7, s8, $0xb8;
	[tilespmem:$0x1B280] =	vst v63  }
0x6d: {  	_ =	swait.ge [sflag:s0], $0x2800  }
0x6e: {  	s28 =	simm.s32 $0xA;
	s29 =	simm.s32 $0x14;
	[sflag:s0] =	ssyncset.done $0x0  }
.LBB2_6:
0x6f: {  	s4 =	sadd.s32 s28, s15  }
0x70: {  	[sflag:s0] =	ssyncadd.s32 $0xFFFFD800;
	s28 =	smov.u32 s29;
	s11 =	sadd.s32 $0xA, s29  }
0x71: {  	[tilespmem:s7], [sflag:$0x3] =	stream.linear.gather [hbm4b:s4+s3], $0x50, $0x38;
	[tilespmem:$0x1B280] =	vst v63  }
0x72: {  	p1 =	sne.s32 s29, $0x4D8;
	_ =	swait.ge [sflag:s0], $0x50  }
.Ltmp2:
0x73: {  	[sflag:s0] =	ssyncset.done $0x0;
	(pc) =	sbr.rel @p1 .LBB2_6-.Ltmp2, $4  }
0x74: {  	[sflag:s0] =	ssyncadd.s32 $0xFFFFFFB0  }
0x75: {  	[spmem:s2] =	stream.indirect.scatter.add.f32 [tilespmem:s31], [sflag:$0x3], $0x80, s7, s8, $0xb8;
	[tilespmem:$0x1B280] =	vst v63  }
0x76: {  	_ =	swait.ge [sflag:s0], $0x2800  }
0x77: {  	s29 =	smov.u32 s11;
	[sflag:s0] =	ssyncset.done $0x0  }
0x78: {  	s4 =	sadd.s32 s28, s15;
	[sflag:s0] =	ssyncadd.s32 $0xFFFFD800  }
0x79: {  	[tilespmem:s7], [sflag:$0x3] =	stream.linear.gather [hbm4b:s4+s3], $0x50, $0x38;
	[tilespmem:$0x1B280] =	vst v63  }
0x7a: {  	_ =	swait.ge [sflag:s0], $0x50  }
0x7b: {  	[sflag:s0] =	ssyncset.done $0x0  }
0x7c: {  	[sflag:s0] =	ssyncadd.s32 $0xFFFFFFB0  }
0x7d: {  	[spmem:s2] =	stream.indirect.scatter.add.f32 [tilespmem:s31], [sflag:$0x3], $0x80, s7, s8, $0xb8;
	[tilespmem:$0x1B280] =	vst v63  }
0x7e: {  	_ =	swait.ge [sflag:s0], $0x2800  }
0x7f: {  	[sflag:s0] =	ssyncset.done $0x0  }
0x80: {  	[sflag:s0] =	ssyncadd.s32 $0xFFFFD800  }
0x81: {  	[bflag:$0x0] =	sbarrier.arrive $0xFFFF  }
0x82: {  	s12 =	rddreg [dreg:$0x9]  }
0x83: {  	[tilespmem:s10], [sflag:$0x3] =	stream.linear.gather [spmem:s12], $0x2800, $0x38;
	[tilespmem:$0x1B280] =	vst v63  }
0x84: {  	_ =	swait.ge [sflag:s0], $0x2800  }
0x85: {  	[sflag:s0] =	ssyncset.done $0x0;
	s11 =	rddreg [dreg:$0xb]  }
0x86: {  	[sflag:s0] =	ssyncadd.s32 $0xFFFFD800;
	s4 =	sadd.s32 s11, s5  }
0x87: {  	[hbm4b:s4+s3] =	stream.linear.scatter [tilespmem:s10], [sflag:$0x3], $0x2800, $0x38;
	[tilespmem:$0x1B280] =	vst v63  }
0x88: {  	_ =	swait.ge [sflag:s0], $0x2800  }
0x89: {  	[sflag:s0] =	ssyncset.done $0x0  }
0x8a: {  	s12 =	rddreg [dreg:$0xa];
	[sflag:s0] =	ssyncadd.s32 $0xFFFFD800  }
0x8b: {  	[tilespmem:s10], [sflag:$0x3] =	stream.linear.gather [spmem:s12], $0x2800, $0x38;
	[tilespmem:$0x1B280] =	vst v63  }
0x8c: {  	_ =	swait.ge [sflag:s0], $0x2800  }
0x8d: {  	[sflag:s0] =	ssyncset.done $0x0;
	s11 =	rddreg [dreg:$0xc]  }
0x8e: {  	[sflag:s0] =	ssyncadd.s32 $0xFFFFD800;
	s4 =	sadd.s32 s11, s5  }
0x8f: {  	[hbm4b:s4+s3] =	stream.linear.scatter [tilespmem:s10], [sflag:$0x3], $0x2800, $0x38;
	[tilespmem:$0x1B280] =	vst v63  }
0x90: {  	_ =	swait.ge [sflag:s0], $0x2800  }
0x91: {  	[sflag:s0] =	ssyncset.done $0x0  }
0x92: {  	[sflag:s0] =	ssyncadd.s32 $0xFFFFD800  }
0x93: {  	[tilespmem:s10], [sflag:$0x3] =	stream.linear.gather [spmem:s13], $0x2800, $0x38;
	[tilespmem:$0x1B280] =	vst v63  }
0x94: {  	_ =	swait.ge [sflag:s0], $0x2800  }
0x95: {  	[sflag:s0] =	ssyncset.done $0x0;
	s12 =	rddreg [dreg:$0xd]  }
0x96: {  	[sflag:s0] =	ssyncadd.s32 $0xFFFFD800;
	s4 =	sadd.s32 s12, s5  }
0x97: {  	[hbm4b:s4+s3] =	stream.linear.scatter [tilespmem:s10], [sflag:$0x3], $0x2800, $0x38;
	[tilespmem:$0x1B280] =	vst v63  }
0x98: {  	_ =	swait.ge [sflag:s0], $0x2800  }
0x99: {  	[sflag:s0] =	ssyncset.done $0x0  }
0x9a: {  	[sflag:s0] =	ssyncadd.s32 $0xFFFFD800  }
0x9b: {  	[tilespmem:s10], [sflag:$0x3] =	stream.linear.gather [spmem:s14], $0x2800, $0x38;
	[tilespmem:$0x1B280] =	vst v63  }
0x9c: {  	_ =	swait.ge [sflag:s0], $0x2800  }
0x9d: {  	[sflag:s0] =	ssyncset.done $0x0;
	s11 =	rddreg [dreg:$0xe]  }
0x9e: {  	[sflag:s0] =	ssyncadd.s32 $0xFFFFD800;
	s4 =	sadd.s32 s11, s5  }
0x9f: {  	[hbm4b:s4+s3] =	stream.linear.scatter [tilespmem:s10], [sflag:$0x3], $0x2800, $0x38;
	[tilespmem:$0x1B280] =	vst v63  }
0xa0: {  	_ =	swait.ge [sflag:s0], $0x2800  }
0xa1: {  	[sflag:s0] =	ssyncset.done $0x0  }
0xa2: {  	[sflag:s0] =	ssyncadd.s32 $0xFFFFD800  }
0xa3: {  	[tilespmem:s10], [sflag:$0x3] =	stream.linear.gather [spmem:s19], $0x2800, $0x38;
	[tilespmem:$0x1B280] =	vst v63  }
0xa4: {  	_ =	swait.ge [sflag:s0], $0x2800  }
0xa5: {  	[sflag:s0] =	ssyncset.done $0x0;
	s12 =	rddreg [dreg:$0xf]  }
0xa6: {  	[sflag:s0] =	ssyncadd.s32 $0xFFFFD800;
	s4 =	sadd.s32 s12, s5  }
0xa7: {  	[hbm4b:s4+s3] =	stream.linear.scatter [tilespmem:s10], [sflag:$0x3], $0x2800, $0x38;
	[tilespmem:$0x1B280] =	vst v63  }
0xa8: {  	_ =	swait.ge [sflag:s0], $0x2800  }
0xa9: {  	[sflag:s0] =	ssyncset.done $0x0  }
0xaa: {  	[sflag:s0] =	ssyncadd.s32 $0xFFFFD800  }
0xab: {  	[tilespmem:s10], [sflag:$0x3] =	stream.linear.gather [spmem:s20], $0x2800, $0x38;
	[tilespmem:$0x1B280] =	vst v63  }
0xac: {  	_ =	swait.ge [sflag:s0], $0x2800  }
0xad: {  	[sflag:s0] =	ssyncset.done $0x0;
	s11 =	rddreg [dreg:$0x10]  }
0xae: {  	[sflag:s0] =	ssyncadd.s32 $0xFFFFD800;
	s4 =	sadd.s32 s11, s5  }
0xaf: {  	[hbm4b:s4+s3] =	stream.linear.scatter [tilespmem:s10], [sflag:$0x3], $0x2800, $0x38;
	[tilespmem:$0x1B280] =	vst v63  }
0xb0: {  	_ =	swait.ge [sflag:s0], $0x2800  }
0xb1: {  	[sflag:s0] =	ssyncset.done $0x0  }
0xb2: {  	[sflag:s0] =	ssyncadd.s32 $0xFFFFD800  }
0xb3: {  	[tilespmem:s10], [sflag:$0x3] =	stream.linear.gather [spmem:s21], $0x2800, $0x38;
	[tilespmem:$0x1B280] =	vst v63  }
0xb4: {  	_ =	swait.ge [sflag:s0], $0x2800  }
0xb5: {  	[sflag:s0] =	ssyncset.done $0x0;
	s12 =	rddreg [dreg:$0x11]  }
0xb6: {  	[sflag:s0] =	ssyncadd.s32 $0xFFFFD800;
	s4 =	sadd.s32 s12, s5  }
0xb7: {  	[hbm4b:s4+s3] =	stream.linear.scatter [tilespmem:s10], [sflag:$0x3], $0x2800, $0x38;
	[tilespmem:$0x1B280] =	vst v63  }
0xb8: {  	_ =	swait.ge [sflag:s0], $0x2800  }
0xb9: {  	[sflag:s0] =	ssyncset.done $0x0  }
0xba: {  	s11 =	rddreg [dreg:$0x4];
	[sflag:s0] =	ssyncadd.s32 $0xFFFFD800  }
0xbb: {  	[tilespmem:s10], [sflag:$0x3] =	stream.linear.gather [spmem:s11], $0x2000, $0x38;
	[tilespmem:$0x1B280] =	vst v63  }
0xbc: {  	_ =	swait.ge [sflag:s0], $0x2000  }
0xbd: {  	[sflag:s0] =	ssyncset.done $0x0;
	s12 =	rddreg [dreg:$0x5]  }
0xbe: {  	[sflag:s0] =	ssyncadd.s32 $0xFFFFE000;
	s4 =	sadd.s32 s12, s5  }
0xbf: {  	[hbm4b:s4+s3] =	stream.linear.scatter [tilespmem:s10], [sflag:$0x3], $0x2000, $0x38;
	[tilespmem:$0x1B280] =	vst v63  }
0xc0: {  	_ =	swait.ge [sflag:s0], $0x2000  }
0xc1: {  	[sflag:s0] =	ssyncset.done $0x0  }
0xc2: {  	s11 =	simm.s32 @!p0 $0x3;
	s4 =	simm.s32 @!p0 $0x200;
	[sflag:s0] =	ssyncadd.s32 $0xFFFFE000  }
0xc3: {  	[tilespmem:s4], [sflag:$0x3] =	stream.linear.gather @!p0 [spmem:s30], $0x800, $0x38;
	[tilespmem:$0x1B280] =	vst v63  }
0xc4: {  	_ =	swait.ge @!p0 [sflag:s11], $0x800  }
0xc5: {  	[sflag:s11] =	ssyncset.done @!p0 $0x0  }
0xc6: {  	s28 =	sadd.s32 @!p0 $0x27000, s5;
	s29 =	simm.s32 @!p0 $0x0;
	[sflag:s11] =	ssyncadd.s32 @!p0 $0xFFFFF800  }
0xc7: {  	[hbm4b:s28+s29] =	stream.linear.scatter @!p0 [tilespmem:s4], [sflag:$0x3], $0x800, $0x38;
	[tilespmem:$0x1B280] =	vst v63  }
0xc8: {  	_ =	swait.ge @!p0 [sflag:s11], $0x800  }
0xc9: {  	[sflag:s11] =	ssyncset.done @!p0 $0x0  }
0xca: {  	s28 =	simm.s32 $0x0;
	s29 =	simm.s32 $0x200;
	[sflag:s11] =	ssyncadd.s32 @!p0 $0xFFFFF800  }
.LBB2_8:
0xcb: {  	p1 =	sne.s32 s29, $0x9E00;
	[tilespmem:s28+$0x5270] =	vst v0  }
0xcc: {  	[tilespmem:s28+$0x5200] =	vst v0  }
0xcd: {  	[tilespmem:s28+$0x5210] =	vst v0  }
.Ltmp3:
0xce: {  	[tilespmem:s28+$0x5220] =	vst v0;
	(pc) =	sbr.rel @p1 .LBB2_8-.Ltmp3, $4  }
0xcf: {  	[tilespmem:s28+$0x5230] =	vst v0  }
0xd0: {  	[tilespmem:s28+$0x5240] =	vst v0  }
0xd1: {  	[tilespmem:s28+$0x5250] =	vst v0  }
0xd2: {  	[tilespmem:s28+$0x5260] =	vst v0;
	s28 =	sshra.s32 s29, $0x2;
	s29 =	sadd.s32 $0x200, s29  }
0xd3: {  	[tilespmem:s28+$0x5270] =	vst v0  }
0xd4: {  	[tilespmem:s28+$0x5200] =	vst v0  }
0xd5: {  	[tilespmem:s28+$0x5210] =	vst v0  }
0xd6: {  	[tilespmem:s28+$0x5220] =	vst v0  }
0xd7: {  	[tilespmem:s28+$0x5230] =	vst v0  }
0xd8: {  	[tilespmem:s28+$0x5240] =	vst v0  }
0xd9: {  	[tilespmem:s28+$0x5250] =	vst v0  }
0xda: {  	[tilespmem:s28+$0x5260] =	vst v0;
	s4 =	rddreg [dreg:$0x9]  }
0xdb: {  	[spmem:s4] =	stream.linear.scatter [tilespmem:s31], [sflag:$0x3], $0x2800, $0x38;
	[tilespmem:$0x1B280] =	vst v63  }
0xdc: {  	_ =	swait.ge [sflag:s0], $0x2800  }
0xdd: {  	[sflag:s0] =	ssyncset.done $0x0  }
0xde: {  	s11 =	rddreg [dreg:$0xa];
	[sflag:s0] =	ssyncadd.s32 $0xFFFFD800  }
0xdf: {  	[spmem:s11] =	stream.linear.scatter [tilespmem:s31], [sflag:$0x3], $0x2800, $0x38;
	[tilespmem:$0x1B280] =	vst v63  }
0xe0: {  	_ =	swait.ge [sflag:s0], $0x2800  }
0xe1: {  	[sflag:s0] =	ssyncset.done $0x0  }
0xe2: {  	[sflag:s0] =	ssyncadd.s32 $0xFFFFD800  }
0xe3: {  	[spmem:s13] =	stream.linear.scatter [tilespmem:s31], [sflag:$0x3], $0x2800, $0x38;
	[tilespmem:$0x1B280] =	vst v63  }
0xe4: {  	_ =	swait.ge [sflag:s0], $0x2800  }
0xe5: {  	[sflag:s0] =	ssyncset.done $0x0  }
0xe6: {  	[sflag:s0] =	ssyncadd.s32 $0xFFFFD800  }
0xe7: {  	[spmem:s14] =	stream.linear.scatter [tilespmem:s31], [sflag:$0x3], $0x2800, $0x38;
	[tilespmem:$0x1B280] =	vst v63  }
0xe8: {  	_ =	swait.ge [sflag:s0], $0x2800  }
0xe9: {  	[sflag:s0] =	ssyncset.done $0x0  }
0xea: {  	[sflag:s0] =	ssyncadd.s32 $0xFFFFD800  }
0xeb: {  	[spmem:s19] =	stream.linear.scatter [tilespmem:s31], [sflag:$0x3], $0x2800, $0x38;
	[tilespmem:$0x1B280] =	vst v63  }
0xec: {  	_ =	swait.ge [sflag:s0], $0x2800  }
0xed: {  	[sflag:s0] =	ssyncset.done $0x0  }
0xee: {  	[sflag:s0] =	ssyncadd.s32 $0xFFFFD800  }
0xef: {  	[spmem:s20] =	stream.linear.scatter [tilespmem:s31], [sflag:$0x3], $0x2800, $0x38;
	[tilespmem:$0x1B280] =	vst v63  }
0xf0: {  	_ =	swait.ge [sflag:s0], $0x2800  }
0xf1: {  	[sflag:s0] =	ssyncset.done $0x0  }
0xf2: {  	[sflag:s0] =	ssyncadd.s32 $0xFFFFD800  }
0xf3: {  	[spmem:s21] =	stream.linear.scatter [tilespmem:s31], [sflag:$0x3], $0x2800, $0x38;
	[tilespmem:$0x1B280] =	vst v63  }
0xf4: {  	_ =	swait.ge [sflag:s0], $0x2800  }
0xf5: {  	[sflag:s0] =	ssyncset.done $0x0  }
0xf6: {  	s12 =	rddreg [dreg:$0x4];
	[sflag:s0] =	ssyncadd.s32 $0xFFFFD800  }
0xf7: {  	[spmem:s12] =	stream.linear.scatter [tilespmem:s31], [sflag:$0x3], $0x2000, $0x38;
	[tilespmem:$0x1B280] =	vst v63  }
0xf8: {  	_ =	swait.ge [sflag:s0], $0x2000  }
0xf9: {  	[sflag:s0] =	ssyncset.done $0x0  }
0xfa: {  	s4 =	simm.s32 @!p0 $0x5200;
	[sflag:s0] =	ssyncadd.s32 $0xFFFFE000  }
0xfb: {  	[spmem:s30] =	stream.linear.scatter @!p0 [tilespmem:s4], [sflag:$0x3], $0x800, $0x38;
	[tilespmem:$0x1B280] =	vst v63  }
0xfc: {  	s4 =	simm.s32 @!p0 $0x3  }
0xfd: {  	_ =	swait.ge @!p0 [sflag:s4], $0x800  }
0xfe: {  	[sflag:s4] =	ssyncset.done @!p0 $0x0  }
0xff: {  	[sflag:s4] =	ssyncadd.s32 @!p0 $0xFFFFF800  }
0x100: {  	s11 =	sadd.s32 $0x0, s16;
	[bflag:$0x0] =	sbarrier.arrive $0xFFFF  }
0x101: {  	[tilespmem:s3], [sflag:$0x3] =	stream.linear.gather [hbm4b:s11+s3], $0x50, $0x38;
	[tilespmem:$0x1B280] =	vst v63  }
0x102: {  	_ =	swait.ge [sflag:s0], $0x50  }
0x103: {  	[sflag:s0] =	ssyncset.done $0x0  }
0x104: {  	s12 =	sadd.s32 $0x0, s15;
	[sflag:s0] =	ssyncadd.s32 $0xFFFFFFB0  }
0x105: {  	[tilespmem:s7], [sflag:$0x3] =	stream.linear.gather [hbm4b:s12+s3], $0x50, $0x38;
	[tilespmem:$0x1B280] =	vst v63  }
0x106: {  	_ =	swait.ge [sflag:s0], $0x50  }
0x107: {  	[sflag:s0] =	ssyncset.done $0x0  }
0x108: {  	[sflag:s0] =	ssyncadd.s32 $0xFFFFFFB0  }
0x109: {  	[tilespmem:s10], [sflag:$0x1] =	stream.indirect.gather [hbm4b:s1+s8], $0x80, s3, s8, $0xb8;
	[tilespmem:$0x1B280] =	vst v63  }
0x10a: {  	s11 =	sadd.s32 $0x0, s18  }
0x10b: {  	[tilespmem:s6], [sflag:$0x3] =	stream.linear.gather [hbm4b:s11+s3], $0x50, $0x38;
	[tilespmem:$0x1B280] =	vst v63  }
0x10c: {  	_ =	swait.ge [sflag:s0], $0x50  }
0x10d: {  	[sflag:s0] =	ssyncset.done $0x0  }
0x10e: {  	s12 =	sadd.s32 $0x0, s17;
	[sflag:s0] =	ssyncadd.s32 $0xFFFFFFB0  }
0x10f: {  	[tilespmem:s22], [sflag:$0x3] =	stream.linear.gather [hbm4b:s12+s3], $0x50, $0x38;
	[tilespmem:$0x1B280] =	vst v63  }
0x110: {  	_ =	swait.ge [sflag:s0], $0x50  }
0x111: {  	[sflag:s0] =	ssyncset.done $0x0  }
0x112: {  	[sflag:s0] =	ssyncadd.s32 $0xFFFFFFB0  }
0x113: {  	[tilespmem:s23], [sflag:$0x2] =	stream.indirect.gather [hbm4b:s1+s8], $0x80, s6, s8, $0xb8;
	[tilespmem:$0x1B280] =	vst v63  }
0x114: {  	_ =	swait.ge [sflag:s24], $0x2800  }
0x115: {  	[sflag:s24] =	ssyncset.done $0x0  }
0x116: {  	[sflag:s24] =	ssyncadd.s32 $0xFFFFD800  }
0x117: {  	[spmem:s2] =	stream.indirect.scatter.add.f32 [tilespmem:s10], [sflag:$0x3], $0x80, s7, s8, $0xb8;
	[tilespmem:$0x1B280] =	vst v63  }
0x118: {  	_ =	swait.ge [sflag:s0], $0x2800  }
0x119: {  	[sflag:s0] =	ssyncset.done $0x0  }
0x11a: {  	[sflag:s0] =	ssyncadd.s32 $0xFFFFD800  }
0x11b: {  	_ =	swait.ge [sflag:s25], $0x2800  }
0x11c: {  	[sflag:s25] =	ssyncset.done $0x0  }
0x11d: {  	[sflag:s25] =	ssyncadd.s32 $0xFFFFD800  }
0x11e: {  	[spmem:s2] =	stream.indirect.scatter.add.f32 [tilespmem:s23], [sflag:$0x3], $0x80, s22, s8, $0xb8;
	[tilespmem:$0x1B280] =	vst v63  }
0x11f: {  	_ =	swait.ge [sflag:s0], $0x2800  }
0x120: {  	s28 =	simm.s32 $0x14;
	s29 =	simm.s32 $0x28;
	[sflag:s0] =	ssyncset.done $0x0  }
.LBB2_10:
0x121: {  	s11 =	sadd.s32 s28, s16  }
0x122: {  	[sflag:s0] =	ssyncadd.s32 $0xFFFFD800;
	s12 =	smov.u32 s29;
	s4 =	sadd.s32 $0x14, s29  }
0x123: {  	[tilespmem:s3], [sflag:$0x3] =	stream.linear.gather [hbm4b:s11+s3], $0x50, $0x38;
	[tilespmem:$0x1B280] =	vst v63  }
0x124: {  	p1 =	sne.s32 s29, $0x4C4;
	_ =	swait.ge [sflag:s0], $0x50  }
0x125: {  	[sflag:s0] =	ssyncset.done $0x0  }
0x126: {  	s11 =	sadd.s32 s28, s15;
	[sflag:s0] =	ssyncadd.s32 $0xFFFFFFB0  }
0x127: {  	[tilespmem:s7], [sflag:$0x3] =	stream.linear.gather [hbm4b:s11+s3], $0x50, $0x38;
	[tilespmem:$0x1B280] =	vst v63  }
0x128: {  	_ =	swait.ge [sflag:s0], $0x50  }
0x129: {  	[sflag:s0] =	ssyncset.done $0x0  }
0x12a: {  	[sflag:s0] =	ssyncadd.s32 $0xFFFFFFB0  }
0x12b: {  	[tilespmem:s10], [sflag:$0x1] =	stream.indirect.gather [hbm4b:s1+s8], $0x80, s3, s8, $0xb8;
	[tilespmem:$0x1B280] =	vst v63  }
0x12c: {  	s11 =	sadd.s32 s28, s18  }
0x12d: {  	[tilespmem:s6], [sflag:$0x3] =	stream.linear.gather [hbm4b:s11+s3], $0x50, $0x38;
	[tilespmem:$0x1B280] =	vst v63  }
0x12e: {  	_ =	swait.ge [sflag:s0], $0x50  }
0x12f: {  	[sflag:s0] =	ssyncset.done $0x0  }
0x130: {  	s11 =	sadd.s32 s28, s17;
	s28 =	smov.u32 s12;
	[sflag:s0] =	ssyncadd.s32 $0xFFFFFFB0  }
0x131: {  	[tilespmem:s22], [sflag:$0x3] =	stream.linear.gather [hbm4b:s11+s3], $0x50, $0x38;
	[tilespmem:$0x1B280] =	vst v63  }
0x132: {  	_ =	swait.ge [sflag:s0], $0x50  }
0x133: {  	[sflag:s0] =	ssyncset.done $0x0  }
0x134: {  	[sflag:s0] =	ssyncadd.s32 $0xFFFFFFB0  }
0x135: {  	[tilespmem:s23], [sflag:$0x2] =	stream.indirect.gather [hbm4b:s1+s8], $0x80, s6, s8, $0xb8;
	[tilespmem:$0x1B280] =	vst v63  }
0x136: {  	_ =	swait.ge [sflag:s24], $0x2800  }
0x137: {  	[sflag:s24] =	ssyncset.done $0x0  }
0x138: {  	[sflag:s24] =	ssyncadd.s32 $0xFFFFD800  }
0x139: {  	[spmem:s2] =	stream.indirect.scatter.add.f32 [tilespmem:s10], [sflag:$0x3], $0x80, s7, s8, $0xb8;
	[tilespmem:$0x1B280] =	vst v63  }
0x13a: {  	_ =	swait.ge [sflag:s0], $0x2800  }
0x13b: {  	[sflag:s0] =	ssyncset.done $0x0  }
0x13c: {  	[sflag:s0] =	ssyncadd.s32 $0xFFFFD800  }
0x13d: {  	_ =	swait.ge [sflag:s25], $0x2800  }
.Ltmp4:
0x13e: {  	[sflag:s25] =	ssyncset.done $0x0;
	(pc) =	sbr.rel @p1 .LBB2_10-.Ltmp4, $4  }
0x13f: {  	[sflag:s25] =	ssyncadd.s32 $0xFFFFD800  }
0x140: {  	[spmem:s2] =	stream.indirect.scatter.add.f32 [tilespmem:s23], [sflag:$0x3], $0x80, s22, s8, $0xb8;
	[tilespmem:$0x1B280] =	vst v63  }
0x141: {  	_ =	swait.ge [sflag:s0], $0x2800  }
0x142: {  	s29 =	smov.u32 s4;
	[sflag:s0] =	ssyncset.done $0x0  }
0x143: {  	s4 =	sadd.s32 s28, s16;
	[sflag:s0] =	ssyncadd.s32 $0xFFFFD800  }
0x144: {  	[tilespmem:s3], [sflag:$0x3] =	stream.linear.gather [hbm4b:s4+s3], $0x50, $0x38;
	[tilespmem:$0x1B280] =	vst v63  }
0x145: {  	_ =	swait.ge [sflag:s0], $0x50  }
0x146: {  	[sflag:s0] =	ssyncset.done $0x0  }
0x147: {  	s29 =	sadd.s32 s28, s15;
	[sflag:s0] =	ssyncadd.s32 $0xFFFFFFB0  }
0x148: {  	[tilespmem:s7], [sflag:$0x3] =	stream.linear.gather [hbm4b:s29+s3], $0x50, $0x38;
	[tilespmem:$0x1B280] =	vst v63  }
0x149: {  	_ =	swait.ge [sflag:s0], $0x50  }
0x14a: {  	[sflag:s0] =	ssyncset.done $0x0  }
0x14b: {  	[sflag:s0] =	ssyncadd.s32 $0xFFFFFFB0  }
0x14c: {  	[tilespmem:s10], [sflag:$0x1] =	stream.indirect.gather [hbm4b:s1+s8], $0x80, s3, s8, $0xb8;
	[tilespmem:$0x1B280] =	vst v63  }
0x14d: {  	s11 =	sadd.s32 s28, s18  }
0x14e: {  	[tilespmem:s6], [sflag:$0x3] =	stream.linear.gather [hbm4b:s11+s3], $0x50, $0x38;
	[tilespmem:$0x1B280] =	vst v63  }
0x14f: {  	_ =	swait.ge [sflag:s0], $0x50  }
0x150: {  	[sflag:s0] =	ssyncset.done $0x0  }
0x151: {  	s12 =	sadd.s32 s28, s17;
	[sflag:s0] =	ssyncadd.s32 $0xFFFFFFB0  }
0x152: {  	[tilespmem:s22], [sflag:$0x3] =	stream.linear.gather [hbm4b:s12+s3], $0x50, $0x38;
	[tilespmem:$0x1B280] =	vst v63  }
0x153: {  	_ =	swait.ge [sflag:s0], $0x50  }
0x154: {  	[sflag:s0] =	ssyncset.done $0x0  }
0x155: {  	[sflag:s0] =	ssyncadd.s32 $0xFFFFFFB0  }
0x156: {  	[tilespmem:s23], [sflag:$0x2] =	stream.indirect.gather [hbm4b:s1+s8], $0x80, s6, s8, $0xb8;
	[tilespmem:$0x1B280] =	vst v63  }
0x157: {  	_ =	swait.ge [sflag:s24], $0x2800  }
0x158: {  	[sflag:s24] =	ssyncset.done $0x0  }
0x159: {  	[sflag:s24] =	ssyncadd.s32 $0xFFFFD800  }
0x15a: {  	[spmem:s2] =	stream.indirect.scatter.add.f32 [tilespmem:s10], [sflag:$0x3], $0x80, s7, s8, $0xb8;
	[tilespmem:$0x1B280] =	vst v63  }
0x15b: {  	_ =	swait.ge [sflag:s0], $0x2800  }
0x15c: {  	[sflag:s0] =	ssyncset.done $0x0  }
0x15d: {  	[sflag:s0] =	ssyncadd.s32 $0xFFFFD800  }
0x15e: {  	_ =	swait.ge [sflag:s25], $0x2800  }
0x15f: {  	[sflag:s25] =	ssyncset.done $0x0  }
0x160: {  	[sflag:s25] =	ssyncadd.s32 $0xFFFFD800  }
0x161: {  	[spmem:s2] =	stream.indirect.scatter.add.f32 [tilespmem:s23], [sflag:$0x3], $0x80, s22, s8, $0xb8;
	[tilespmem:$0x1B280] =	vst v63  }
0x162: {  	_ =	swait.ge [sflag:s0], $0x2800  }
0x163: {  	[sflag:s0] =	ssyncset.done $0x0  }
0x164: {  	s28 =	rddreg [dreg:$0x6];
	[sflag:s0] =	ssyncadd.s32 $0xFFFFD800  }
0x165: {  	[tilespmem:s3], [sflag:$0x3] =	stream.linear.gather [hbm4b:s28+s3], $0x50, $0x38;
	[tilespmem:$0x1B280] =	vst v63  }
0x166: {  	_ =	swait.ge [sflag:s0], $0x50  }
0x167: {  	[sflag:s0] =	ssyncset.done $0x0  }
0x168: {  	s29 =	rddreg [dreg:$0x7];
	[sflag:s0] =	ssyncadd.s32 $0xFFFFFFB0  }
0x169: {  	[tilespmem:s7], [sflag:$0x3] =	stream.linear.gather [hbm4b:s29+s3], $0x50, $0x38;
	[tilespmem:$0x1B280] =	vst v63  }
0x16a: {  	_ =	swait.ge [sflag:s0], $0x50  }
0x16b: {  	[sflag:s0] =	ssyncset.done $0x0  }
0x16c: {  	[sflag:s0] =	ssyncadd.s32 $0xFFFFFFB0  }
0x16d: {  	[tilespmem:s10], [sflag:$0x1] =	stream.indirect.gather [hbm4b:s1+s8], $0x80, s3, s8, $0xb8;
	[tilespmem:$0x1B280] =	vst v63  }
0x16e: {  	_ =	swait.ge [sflag:s24], $0x2800  }
0x16f: {  	[sflag:s24] =	ssyncset.done $0x0  }
0x170: {  	[sflag:s24] =	ssyncadd.s32 $0xFFFFD800  }
0x171: {  	[spmem:s2] =	stream.indirect.scatter.add.f32 [tilespmem:s10], [sflag:$0x3], $0x80, s7, s8, $0xb8;
	[tilespmem:$0x1B280] =	vst v63  }
0x172: {  	_ =	swait.ge [sflag:s0], $0x2800  }
0x173: {  	[sflag:s0] =	ssyncset.done $0x0  }
0x174: {  	[sflag:s0] =	ssyncadd.s32 $0xFFFFD800  }
0x175: {  	[bflag:$0x0] =	sbarrier.arrive $0xFFFF  }
0x176: {  	s11 =	rddreg [dreg:$0x9]  }
0x177: {  	[tilespmem:s10], [sflag:$0x3] =	stream.linear.gather [spmem:s11], $0x2800, $0x38;
	[tilespmem:$0x1B280] =	vst v63  }
0x178: {  	_ =	swait.ge [sflag:s0], $0x2800  }
0x179: {  	[sflag:s0] =	ssyncset.done $0x0;
	s12 =	rddreg [dreg:$0xb]  }
0x17a: {  	[sflag:s0] =	ssyncadd.s32 $0xFFFFD800;
	s4 =	sadd.s32 s12, s9  }
0x17b: {  	[hbm4b:s4+s3] =	stream.linear.scatter [tilespmem:s10], [sflag:$0x3], $0x2800, $0x38;
	[tilespmem:$0x1B280] =	vst v63  }
0x17c: {  	_ =	swait.ge [sflag:s0], $0x2800  }
0x17d: {  	[sflag:s0] =	ssyncset.done $0x0  }
0x17e: {  	s28 =	rddreg [dreg:$0xa];
	[sflag:s0] =	ssyncadd.s32 $0xFFFFD800  }
0x17f: {  	[tilespmem:s10], [sflag:$0x3] =	stream.linear.gather [spmem:s28], $0x2800, $0x38;
	[tilespmem:$0x1B280] =	vst v63  }
0x180: {  	_ =	swait.ge [sflag:s0], $0x2800  }
0x181: {  	[sflag:s0] =	ssyncset.done $0x0;
	s29 =	rddreg [dreg:$0xc]  }
0x182: {  	[sflag:s0] =	ssyncadd.s32 $0xFFFFD800;
	s4 =	sadd.s32 s29, s9  }
0x183: {  	[hbm4b:s4+s3] =	stream.linear.scatter [tilespmem:s10], [sflag:$0x3], $0x2800, $0x38;
	[tilespmem:$0x1B280] =	vst v63  }
0x184: {  	_ =	swait.ge [sflag:s0], $0x2800  }
0x185: {  	[sflag:s0] =	ssyncset.done $0x0  }
0x186: {  	[sflag:s0] =	ssyncadd.s32 $0xFFFFD800  }
0x187: {  	[tilespmem:s10], [sflag:$0x3] =	stream.linear.gather [spmem:s13], $0x2800, $0x38;
	[tilespmem:$0x1B280] =	vst v63  }
0x188: {  	_ =	swait.ge [sflag:s0], $0x2800  }
0x189: {  	[sflag:s0] =	ssyncset.done $0x0;
	s11 =	rddreg [dreg:$0xd]  }
0x18a: {  	[sflag:s0] =	ssyncadd.s32 $0xFFFFD800;
	s4 =	sadd.s32 s11, s9  }
0x18b: {  	[hbm4b:s4+s3] =	stream.linear.scatter [tilespmem:s10], [sflag:$0x3], $0x2800, $0x38;
	[tilespmem:$0x1B280] =	vst v63  }
0x18c: {  	_ =	swait.ge [sflag:s0], $0x2800  }
0x18d: {  	[sflag:s0] =	ssyncset.done $0x0  }
0x18e: {  	[sflag:s0] =	ssyncadd.s32 $0xFFFFD800  }
0x18f: {  	[tilespmem:s10], [sflag:$0x3] =	stream.linear.gather [spmem:s14], $0x2800, $0x38;
	[tilespmem:$0x1B280] =	vst v63  }
0x190: {  	_ =	swait.ge [sflag:s0], $0x2800  }
0x191: {  	[sflag:s0] =	ssyncset.done $0x0;
	s12 =	rddreg [dreg:$0xe]  }
0x192: {  	[sflag:s0] =	ssyncadd.s32 $0xFFFFD800;
	s4 =	sadd.s32 s12, s9  }
0x193: {  	[hbm4b:s4+s3] =	stream.linear.scatter [tilespmem:s10], [sflag:$0x3], $0x2800, $0x38;
	[tilespmem:$0x1B280] =	vst v63  }
0x194: {  	_ =	swait.ge [sflag:s0], $0x2800  }
0x195: {  	[sflag:s0] =	ssyncset.done $0x0  }
0x196: {  	[sflag:s0] =	ssyncadd.s32 $0xFFFFD800  }
0x197: {  	[tilespmem:s10], [sflag:$0x3] =	stream.linear.gather [spmem:s19], $0x2800, $0x38;
	[tilespmem:$0x1B280] =	vst v63  }
0x198: {  	_ =	swait.ge [sflag:s0], $0x2800  }
0x199: {  	[sflag:s0] =	ssyncset.done $0x0;
	s28 =	rddreg [dreg:$0xf]  }
0x19a: {  	[sflag:s0] =	ssyncadd.s32 $0xFFFFD800;
	s4 =	sadd.s32 s28, s9  }
0x19b: {  	[hbm4b:s4+s3] =	stream.linear.scatter [tilespmem:s10], [sflag:$0x3], $0x2800, $0x38;
	[tilespmem:$0x1B280] =	vst v63  }
0x19c: {  	_ =	swait.ge [sflag:s0], $0x2800  }
0x19d: {  	[sflag:s0] =	ssyncset.done $0x0  }
0x19e: {  	[sflag:s0] =	ssyncadd.s32 $0xFFFFD800  }
0x19f: {  	[tilespmem:s10], [sflag:$0x3] =	stream.linear.gather [spmem:s20], $0x2800, $0x38;
	[tilespmem:$0x1B280] =	vst v63  }
0x1a0: {  	_ =	swait.ge [sflag:s0], $0x2800  }
0x1a1: {  	[sflag:s0] =	ssyncset.done $0x0;
	s29 =	rddreg [dreg:$0x10]  }
0x1a2: {  	[sflag:s0] =	ssyncadd.s32 $0xFFFFD800;
	s4 =	sadd.s32 s29, s9  }
0x1a3: {  	[hbm4b:s4+s3] =	stream.linear.scatter [tilespmem:s10], [sflag:$0x3], $0x2800, $0x38;
	[tilespmem:$0x1B280] =	vst v63  }
0x1a4: {  	_ =	swait.ge [sflag:s0], $0x2800  }
0x1a5: {  	[sflag:s0] =	ssyncset.done $0x0  }
0x1a6: {  	[sflag:s0] =	ssyncadd.s32 $0xFFFFD800  }
0x1a7: {  	[tilespmem:s10], [sflag:$0x3] =	stream.linear.gather [spmem:s21], $0x2800, $0x38;
	[tilespmem:$0x1B280] =	vst v63  }
0x1a8: {  	_ =	swait.ge [sflag:s0], $0x2800  }
0x1a9: {  	[sflag:s0] =	ssyncset.done $0x0;
	s11 =	rddreg [dreg:$0x11]  }
0x1aa: {  	[sflag:s0] =	ssyncadd.s32 $0xFFFFD800;
	s4 =	sadd.s32 s11, s9  }
0x1ab: {  	[hbm4b:s4+s3] =	stream.linear.scatter [tilespmem:s10], [sflag:$0x3], $0x2800, $0x38;
	[tilespmem:$0x1B280] =	vst v63  }
0x1ac: {  	_ =	swait.ge [sflag:s0], $0x2800  }
0x1ad: {  	[sflag:s0] =	ssyncset.done $0x0  }
0x1ae: {  	s12 =	rddreg [dreg:$0x4];
	[sflag:s0] =	ssyncadd.s32 $0xFFFFD800  }
0x1af: {  	[tilespmem:s10], [sflag:$0x3] =	stream.linear.gather [spmem:s12], $0x2000, $0x38;
	[tilespmem:$0x1B280] =	vst v63  }
0x1b0: {  	_ =	swait.ge [sflag:s0], $0x2000  }
0x1b1: {  	[sflag:s0] =	ssyncset.done $0x0;
	s28 =	rddreg [dreg:$0x5]  }
0x1b2: {  	[sflag:s0] =	ssyncadd.s32 $0xFFFFE000;
	s4 =	sadd.s32 s28, s9  }
0x1b3: {  	[hbm4b:s4+s3] =	stream.linear.scatter [tilespmem:s10], [sflag:$0x3], $0x2000, $0x38;
	[tilespmem:$0x1B280] =	vst v63  }
0x1b4: {  	_ =	swait.ge [sflag:s0], $0x2000  }
0x1b5: {  	[sflag:s0] =	ssyncset.done $0x0  }
0x1b6: {  	s11 =	simm.s32 @!p0 $0x3;
	s4 =	simm.s32 @!p0 $0x200;
	[sflag:s0] =	ssyncadd.s32 $0xFFFFE000  }
0x1b7: {  	[tilespmem:s4], [sflag:$0x3] =	stream.linear.gather @!p0 [spmem:s30], $0x800, $0x38;
	[tilespmem:$0x1B280] =	vst v63  }
0x1b8: {  	_ =	swait.ge @!p0 [sflag:s11], $0x800  }
0x1b9: {  	[sflag:s11] =	ssyncset.done @!p0 $0x0  }
0x1ba: {  	s12 =	sadd.s32 @!p0 $0x27000, s9;
	s28 =	simm.s32 @!p0 $0x0;
	[sflag:s11] =	ssyncadd.s32 @!p0 $0xFFFFF800  }
0x1bb: {  	[hbm4b:s12+s28] =	stream.linear.scatter @!p0 [tilespmem:s4], [sflag:$0x3], $0x800, $0x38;
	[tilespmem:$0x1B280] =	vst v63  }
0x1bc: {  	_ =	swait.ge @!p0 [sflag:s11], $0x800  }
0x1bd: {  	s26 =	sadd.s32 $0x1, s26;
	s29 =	rddreg [dreg:$0x8]  }
0x1be: {  	p1 =	sne.s32 s26, s29  }
.Ltmp5:
0x1bf: {  	_ = 	snop;
	(pc) =	sbr.rel @p1 .LBB2_1-.Ltmp5, $3  }
0x1c0: {  	_ =	sdelay $0x1  }
0x1c1: {  	[sflag:s11] =	ssyncset.done @!p0 $0x0  }
0x1c2: {  	[sflag:s11] =	ssyncadd.s32 @!p0 $0xFFFFF800  }
0x1c3: {  	_ =	sfence.sel $0x180000  }
0x1c4: {  	[bflag:$0x0] =	sbarrier.arrive $0xFFFF  }
0x1c5: {  	_ =	strace $0x90000047  }
0x1c6: {  	[bflag:$0x2] =	sbarrier.arrive $0xFFFF  }
0x1c7: {  	s0 =	rddreg [dreg:$0x3]  }
0x1c8: {  	s0 =	sadd.s32 @!p0 $0x100000, s0  }
0x1c9: {  	[sflag:s0] =	ssyncadd.tile.s32 @!p0 $0x1;
	_ =	shalt  }
.Lfunc_end2:
_tile_overlayer_lowered:
.L_overlay_start_2:
0x1ca: {  	(tag) =	ssettag $0x2  }
0x1cb: {  	s0 =	rddreg [dreg:$0x0];
	s2 =	stileid.u32  }
0x1cc: {  	s1 =	rddreg [dreg:$0x1];
	p0 =	sne.s32 s2, $0x0  }
0x1cd: {  	s3 =	rddreg [dreg:$0x2];
	[bflag:$0x3] =	sbarrier.arrive $0xFFFF;
	s2 =	simm.s32 @!p0 $0x1C03  }
0x1ce: {  	[timem:s3], [sflag:s2] =	dma.local @!p0 [hbm:s0], s1  }
0x1cf: {  	s0 =	simm.s32 @!p0 $0x3  }
0x1d0: {  	_ =	swait.ge @!p0 [sflag:s0], s1  }
0x1d1: {  	s1 =	ssub.s32 @!p0 $0x0, s1;
	[sflag:s0] =	ssyncset.done @!p0 $0x0  }
0x1d2: {  	[sflag:s0] =	ssyncadd.s32 @!p0 s1  }
0x1d3: {  	[bflag:$0x3] =	sbarrier.arrive $0xFFFF  }
0x1d4: {  	_ =	shalt  }

// kernel: kernel.9.cloned.1.call-start
scs
__scs_entry_jumppad:
0x0: {  	(pc) =	sbr.rel $0x88, $3  }
0x1: {  	(tag) =	ssettag $0x0;
	lr =	simm.s32 $0x1  }
0x2: {  	[smem:$0x3F91] =	sst lr;
	_ =	strace $0xD0000000  }
0x3: {  	_ = 	snop  }
0x4: {  	_ = 	snop  }
0x5: {  	_ = 	snop  }
0x6: {  	_ = 	snop  }
0x7: {  	_ = 	snop  }
__scs_overlays_trampoline_lowered:
0x8: {  	[smem:$0x3FA0] =	sst s0  }
0x9: {  	[smem:$0x3FA1] =	sst s1  }
0xa: {  	[smem:$0x3FA2] =	sst s2  }
0xb: {  	[smem:$0x3FA3] =	sst s3  }
0xc: {  	[smem:$0x3FA4] =	sst s4  }
0xd: {  	[smem:$0x3FA5] =	sst s5  }
0xe: {  	[smem:$0x3FA6] =	sst s6  }
0xf: {  	[smem:$0x3FA7] =	sst s7  }
0x10: {  	[smem:$0x3FA8] =	sst s8  }
0x11: {  	[smem:$0x3FA9] =	sst s9;
	s0 =	simm.s32 @!p0 $0x0  }
0x12: {  	s1 =	sld [smem:$0x3F8F];
	s0 =	simm.s32 @p0 $0x1  }
0x13: {  	[smem:$0x3FAA] =	sst s0;
	s0 =	simm.s32 @!p1 $0x0  }
0x14: {  	s2 =	sld [smem:$0x3F8E];
	s0 =	simm.s32 @p1 $0x1  }
0x15: {  	[smem:$0x3FAB] =	sst s0;
	s0 =	simm.s32 @!p2 $0x0  }
0x16: {  	s3 =	sld [smem:$0x3FDB];
	s0 =	simm.s32 @p2 $0x1  }
0x17: {  	s4 =	simm.s32 $0x1BF5;
	[smem:$0x3FAD] =	sst s0  }
0x18: {  	s0 =	sld [smem:$0x3F90];
	_ =	swait.ge [sflag:s4], $0x0  }
0x19: {  	s7 =	sld [smem:$0x3F91]  }
0x1a: {  	s8 =	sadd.s32 $0xFFFFE003, lr  }
0x1b: {  	s9 =	sadd.s32 $0xFFFFFEF7, lr;
	s5 =	simm.s32 $0xFFFFFFFF;
	p2 =	slt.u32 s8, $0xFFFFF086  }
0x1c: {  	p1 =	slt.u32 s9, $0xF7A;
	s5 =	simm.s32 @!p2 $0x0  }
0x1d: {  	s5 =	simm.s32 @p1 $0x1;
	p0 =	seq.s32 s7, s2  }
0x1e: {  	s7 =	smul.u32 @!p0 $0xF7A, s2;
	p2 =	seq.s32 @!p0 s5, $0x0  }
0x1f: {  	s9 =	smul.u32 $0xF7A, s1;
	s8 =	simm.s32 @!p0 $0x1BF5;
	p2 =	por !p2, p0  }
0x20: {  	[sflag:s8] =	ssyncset.s32 @!p0 $0xFFFFF086;
	s6 =	sadd.s32 @!p0 s3, s7;
	s7 =	simm.s32 @!p0 $0x108  }
0x21: {  	s3 =	sadd.s32 s3, s9;
	s6 =	sadd.s32 @!p0 $0x88, s6;
	s7 =	simm.s32 @p2 $0x1082  }
0x22: {  	[simem:s7], [sflag:s8] =	dma.local @!p0 [hbm:s6], $0xF7A  }
0x23: {  	s9 =	sor.u32 $0xD0000000, s2;
	s6 =	simm.s32 $0x108;
	_ =	swait.ge @!p0 [sflag:s8], $0x0  }
0x24: {  	s3 =	sadd.s32 $0x88, s3;
	s6 =	simm.s32 @!p1 $0x1082;
	[sflag:s4] =	ssyncset.s32 $0xFFFFF086  }
0x25: {  	[simem:s6], [sflag:s4] =	dma.local [hbm:s3], $0xF7A  }
0x26: {  	[smem:$0x3F91] =	sst s1;
	(tag) =	ssettag s2;
	_ =	strace s9  }
0x27: {  	s1 =	sld [smem:$0x3FA1]  }
0x28: {  	s2 =	sld [smem:$0x3FA2]  }
0x29: {  	s4 =	sld [smem:$0x3FA4]  }
0x2a: {  	p0 =	seq.s32 s5, $0x0;
	s5 =	sld [smem:$0x3FA5]  }
0x2b: {  	s6 =	sld [smem:$0x3FA6]  }
0x2c: {  	s7 =	sld [smem:$0x3FA7]  }
0x2d: {  	s3 =	simm.s32 $0x108;
	s8 =	sld [smem:$0x3FA8]  }
0x2e: {  	s3 =	simm.s32 @!p0 $0x1082;
	s9 =	sld [smem:$0x3FA9]  }
0x2f: {  	lr =	sadd.s32 s0, s3;
	s0 =	sld [smem:$0x3FA0]  }
0x30: {  	s3 =	sld [smem:$0x3FA3]  }
0x31: {  	[smem:$0x3FAC] =	sst s10  }
0x32: {  	s10 =	sld [smem:$0x3FAA];
	_ =	sdelay $0x3  }
0x33: {  	p0 =	seq.s32 s10, $0x1;
	s10 =	sld [smem:$0x3FAC];
	_ =	sdelay $0x3  }
0x34: {  	[smem:$0x3FAC] =	sst s10  }
0x35: {  	s10 =	sld [smem:$0x3FAB];
	_ =	sdelay $0x3  }
0x36: {  	p1 =	seq.s32 s10, $0x1;
	s10 =	sld [smem:$0x3FAC];
	_ =	sdelay $0x3  }
0x37: {  	[smem:$0x3FAC] =	sst s10  }
0x38: {  	s10 =	sld [smem:$0x3FAD]  }
0x39: {  	_ = 	snop;
	(pc) =	sbr.ind lr, $3  }
0x3a: {  	_ = 	snop  }
0x3b: {  	_ = 	snop  }
0x3c: {  	p2 =	seq.s32 s10, $0x1;
	s10 =	sld [smem:$0x3FAC]  }
0x3d: {  	_ =	shalt  }
0x3e: {  	_ =	shalt  }
0x3f: {  	_ =	shalt  }
0x40: {  	_ =	shalt  }
0x41: {  	_ =	shalt  }
0x42: {  	_ =	shalt  }
0x43: {  	_ =	shalt  }
0x44: {  	_ =	shalt  }
0x45: {  	_ =	shalt  }
0x46: {  	_ =	shalt  }
0x47: {  	_ =	shalt  }
0x48: {  	_ =	shalt  }
0x49: {  	_ =	shalt  }
0x4a: {  	_ =	shalt  }
0x4b: {  	_ =	shalt  }
0x4c: {  	_ =	shalt  }
0x4d: {  	_ =	shalt  }
0x4e: {  	_ =	shalt  }
0x4f: {  	_ =	shalt  }
0x50: {  	_ =	shalt  }
0x51: {  	_ =	shalt  }
0x52: {  	_ =	shalt  }
0x53: {  	_ =	shalt  }
0x54: {  	_ =	shalt  }
0x55: {  	_ =	shalt  }
0x56: {  	_ =	shalt  }
0x57: {  	_ =	shalt  }
0x58: {  	_ =	shalt  }
0x59: {  	_ =	shalt  }
0x5a: {  	_ =	shalt  }
0x5b: {  	_ =	shalt  }
0x5c: {  	_ =	shalt  }
0x5d: {  	_ =	shalt  }
0x5e: {  	_ =	shalt  }
0x5f: {  	_ =	shalt  }
0x60: {  	_ =	shalt  }
0x61: {  	_ =	shalt  }
0x62: {  	_ =	shalt  }
0x63: {  	_ =	shalt  }
0x64: {  	_ =	shalt  }
0x65: {  	_ =	shalt  }
0x66: {  	_ =	shalt  }
0x67: {  	_ =	shalt  }
0x68: {  	_ =	shalt  }
0x69: {  	_ =	shalt  }
0x6a: {  	_ =	shalt  }
0x6b: {  	_ =	shalt  }
0x6c: {  	_ =	shalt  }
0x6d: {  	_ =	shalt  }
0x6e: {  	_ =	shalt  }
0x6f: {  	_ =	shalt  }
0x70: {  	_ =	shalt  }
0x71: {  	_ =	shalt  }
0x72: {  	_ =	shalt  }
0x73: {  	_ =	shalt  }
0x74: {  	_ =	shalt  }
0x75: {  	_ =	shalt  }
0x76: {  	_ =	shalt  }
0x77: {  	_ =	shalt  }
0x78: {  	_ =	shalt  }
0x79: {  	_ =	shalt  }
0x7a: {  	_ =	shalt  }
0x7b: {  	_ =	shalt  }
0x7c: {  	_ =	shalt  }
0x7d: {  	_ =	shalt  }
0x7e: {  	_ =	shalt  }
0x7f: {  	_ =	shalt  }
0x80: {  	_ =	shalt  }
0x81: {  	_ =	shalt  }
0x82: {  	_ =	shalt  }
0x83: {  	_ =	shalt  }
0x84: {  	_ =	shalt  }
0x85: {  	_ =	shalt  }
0x86: {  	_ =	shalt  }
0x87: {  	_ =	shalt  }
.Lfunc_end0:
.L_simem_size_0:
called_computation.1_lowered:
.L_overlay_start_0:
0x88: {  	s2 =	sld [smem:$0x3FD9]  }
0x89: {  	s3 =	sld [smem:$0x3FFE];
	_ =	sdelay $0x1  }
0x8a: {  	s1 =	srdreg.scid  }
0x8b: {  	s0 =	sand.u32 $0x1, s1  }
0x8c: {  	s16 =	sshll.u32 s0, $0xA;
	s2 =	sadd.s32 s3, s2  }
0x8d: {  	s2 =	sadd.s32 s2, s16  }
0x8e: {  	[smem:$0x3FB8] =	sst s2  }
0x8f: {  	_ = 	snop  }
0x90: {  	(tm) =	ssettm $0x1  }
0x91: {  	s17 =	sld [smem:$0x3FFB];
	_ =	sdelay $0x3  }
0x92: {  	_ =	strace s17  }
0x93: {  	s2 =	sld [smem:$0x3FFC];
	_ =	sdelay $0x3  }
0x94: {  	_ =	strace s2  }
0x95: {  	s2 =	sld [smem:$0x3FFD];
	_ =	sdelay $0x3  }
0x96: {  	_ =	strace s2  }
0x97: {  	_ =	strace $0x8FFFFFFF  }
0x98: {  	s18 =	sld [smem:$0x3FDB];
	_ =	sdelay $0x1  }
0x99: {  	s19 =	simm.s32 $_scs_section_size  }
0x9a: {  	s4 =	simm.s32 $_size__tile_overlayer_lowered;
	s5 =	simm.s32 $_tile_overlayer_lowered  }
0x9b: {  	s22 =	simm.s32 $0x1BFF;
	s21 =	sshll.u32 s5, $0x1;
	s2 =	sadd.s32 s19, s18  }
0x9c: {  	s6 =	simm.s32 $0x0;
	s20 =	sshll.u32 s4, $0x1;
	s4 =	sadd.s32 s21, s2  }
0x9d: {  	[timem:s6], [sflag:s22] =	dma.local [hbm:s4], s20  }
0x9e: {  	_ =	swait.ge [sflag:s22], s20  }
0x9f: {  	s3 =	ssub.s32 $0x0, s20;
	[sflag:s22] =	ssyncset.done $0x0  }
0xa0: {  	[sflag:s22] =	ssyncadd.s32 s3;
	_ =	sdelay $0x1  }
0xa1: {  	s23 =	simm.s32 $0x1B8B  }
0xa2: {  	_ =	swait.ge [sflag:s23], $0x1  }
0xa3: {  	[sflag:s23] =	ssyncset.done $0x0  }
0xa4: {  	s25 =	simm.s32 $0x1B8E;
	s24 =	sld [smem:$0x3FFE];
	[sflag:s23] =	ssyncadd.s32 $0xFFFFFFFF  }
0xa5: {  	s26 =	simm.s32 $execute0_lowered;
	[smem:$0x3FD2] =	sst s25  }
0xa6: {  	s4 =	sshll.u32 s26, $0x1;
	_ =	strace $0x80000049;
	[dreg:$0x1] =	wrdreg $0xFFFFFFFF  }
0xa7: {  	s28 =	simm.s32 $_size_execute0_lowered;
	s2 =	sadd.s32 s2, s4;
	[dreg:$0x0] =	wrdreg $0x0  }
0xa8: {  	s4 =	sshll.u32 s28, $0x1;
	[dreg:$0x2] =	wrdreg s2  }
0xa9: {  	[dreg:$0x3] =	wrdreg s4  }
0xaa: {  	[dreg:$0x4] =	wrdreg $0xC0  }
0xab: {  	_ =	task [dreg:s6], $0x5FFFF  }
0xac: {  	[dreg:$0x1] =	wrdreg $0xFFFFFFFF  }
0xad: {  	[dreg:$0x0] =	wrdreg $0x60  }
0xae: {  	[dreg:$0x2] =	wrdreg s24  }
0xaf: {  	[dreg:$0x3] =	wrdreg $0x7A000  }
0xb0: {  	[dreg:$0x4] =	wrdreg $0x9  }
0xb1: {  	_ =	task.clear_ibuf [dreg:s6], $0x5FFFF;
	_ =	strace $0x90000049  }
0xb2: {  	s29 =	simm.s32 $0x9;
	_ =	strace $0x8000004B  }
0xb3: {  	_ =	swait.ge [sflag:s29], $0x1  }
0xb4: {  	[sflag:s29] =	ssyncadd.s32 $0xFFFFFFFF  }
0xb5: {  	_ =	strace $0x9000004B  }
0xb6: {  	_ =	sfence  }
0xb7: {  	s30 =	sld [smem:$0x0];
	_ =	sdelay $0x2  }
0xb8: {  	s31 =	sshll.u32 s1, $0xD;
	s1 =	sshrl.u32 s1, $0x2  }
0xb9: {  	s3 =	sand.u32 $0x4000, s31;
	s1 =	sadd.s32 s1, s30  }
0xba: {  	s0 =	sor.u32 s3, s0;
	s1 =	sshll.u32 s1, $0x11  }
0xbb: {  	s0 =	sor.u32 s1, s0  }
0xbc: {  	s0 =	sadd.s32 $0x8F2B, s0  }
0xbd: {  	[sflag:s0] =	ssyncadd.remote.s32 $0x1  }
0xbe: {  	_ =	sfence.sel $0xFFFF  }
0xbf: {  	[dreg:$0x0] =	wrdreg $0xFFFFFFFF;
	(pc) =	sbr.abs _section_cstart, $3  }
0xc0: {  	[dreg:$0x1] =	wrdreg $0xFFFFFFFF  }
0xc1: {  	_ =	task.clear_ibuf [dreg:s6], $0x2FFFF;
	_ =	strace $0x9FFFFFFF  }
0xc2: {  	(tm) =	ssettm $0x7FFFFFFF  }
0xc3: {  	_ =	shalt  }
tec
execute0_lowered:
.L_overlay_start_1:
0x0: {  	(tag) =	ssettag $0x1  }
0x1: {  	s0 =	rddreg [dreg:$0x0]  }
0x2: {  	s1 =	rddreg [dreg:$0x1]  }
0x3: {  	s7 =	stileid.u32;
	s2 =	simm.s32 $0x0;
	s3 =	srdreg.scid  }
0x4: {  	s28 =	simm.s32 $0x80;
	s29 =	simm.s32 $0x50;
	s4 =	smul.u32 $0x9C4, s7  }
0x5: {  	s30 =	simm.s32 $0x200;
	s31 =	simm.s32 $0x100;
	s12 =	smul.u32 $0x270, s7  }
0x6: {  	[smem:$0x7FF] =	sst s2;
	s6 =	sand.u32 $0x1, s3;
	s21 =	smul.u32 $0x4E000, s7  }
0x7: {  	s3 =	sadd.s32 $0x16400, s0;
	p0 =	sne.s32 s7, $0x0;
	s5 =	smul.u32 $0x27100, s6  }
0x8: {  	_ =	strace $0x8000004A;
	s19 =	ssub.s32 $0x2, s6;
	s17 =	smul.u32 $0x2710, s6  }
0x9: {  	s16 =	sadd.s32 s4, s0;
	s8 =	sadd.s32 $0x230, s12;
	s20 =	sshrl.u32 s19, $0x1  }
0xa: {  	s23 =	sshrl.u32 s21, $0x2;
	s15 =	sadd.s32 $0x50, s12;
	s18 =	sadd.s32 $0xA0, s12  }
0xb: {  	s21 =	sadd.s32 $0x190, s12;
	s0 =	sadd.s32 s5, s0;
	s9 =	sshll.u32 s8, $0x7  }
0xc: {  	s10 =	ssub.s32 s19, s20;
	s5 =	sadd.s32 $0x138000, s1;
	s24 =	sshll.u32 s15, $0x7  }
0xd: {  	s25 =	sshll.u32 s18, $0x7;
	s19 =	sadd.s32 $0xF0, s12;
	s20 =	sadd.s32 $0x140, s12  }
0xe: {  	s14 =	sshll.u32 s21, $0x7;
	s18 =	sshll.u32 s18, $0x4;
	s21 =	sshll.u32 s21, $0x4  }
0xf: {  	v0 =	vmov s17;
	s17 =	simm.s32 $0x1;
	s4 =	sadd.s32 s9, s1;
	s6 =	sadd.s32 $0x100A00, s0  }
0x10: {  	s0 =	sshll.u32 s8, $0x4;
	s22 =	smax.u32 s10, $0x1;
	s8 =	sadd.s32 s23, s1  }
0x11: {  	s9 =	sadd.s32 s24, s1;
	s10 =	sadd.s32 s25, s1;
	s11 =	sshll.u32 s19, $0x7  }
0x12: {  	s13 =	sshll.u32 s20, $0x7;
	s23 =	smul.u32 $0x2700, s7;
	s24 =	sshll.u32 s15, $0x4  }
0x13: {  	s19 =	sshll.u32 s19, $0x4;
	s20 =	sshll.u32 s20, $0x4;
	s15 =	sadd.s32 $0x2800, s16  }
0x14: {  	s16 =	sadd.s32 $0xC600, s16;
	[dreg:$0x3] =	wrdreg s22;
	s22 =	sadd.s32 $0x1E0, s12  }
0x15: {  	s12 =	sadd.s32 s13, s1;
	s13 =	sadd.s32 s14, s1;
	s18 =	sadd.s32 s18, s6  }
0x16: {  	s26 =	sshll.u32 s22, $0x7;
	s23 =	sadd.s32 s23, s6;
	[dreg:$0x6] =	wrdreg s18  }
0x17: {  	s25 =	sshll.u32 s22, $0x4;
	s22 =	sadd.s32 s19, s6;
	[dreg:$0x4] =	wrdreg s23  }
0x18: {  	s14 =	sadd.s32 s26, s1;
	s26 =	sadd.s32 s24, s6;
	[dreg:$0x7] =	wrdreg s22  }
0x19: {  	s7 =	simm.s32 $0x2A00;
	s23 =	sadd.s32 s20, s6;
	[dreg:$0x5] =	wrdreg s26  }
0x1a: {  	s11 =	sadd.s32 s11, s1;
	s24 =	sadd.s32 s21, s6;
	[dreg:$0x8] =	wrdreg s23  }
0x1b: {  	s18 =	simm.s32 $0x2;
	s19 =	simm.s32 $0x0;
	[dreg:$0x9] =	wrdreg s24  }
0x1c: {  	s26 =	sadd.s32 s25, s6;
	s24 =	sadd.s32 s0, s6;
	s25 =	simm.s32 $0x5200  }
0x1d: {  	v1 =	vimm.f32 $0.0e+00;
	s0 =	simm.s32 $0x180;
	[dreg:$0xa] =	wrdreg s26;
	s26 =	simm.s32 $0x3  }
.LBB2_1:
0x1e: {  	s20 =	simm.s32 $0x0;
	s21 =	simm.s32 $0x200  }
.LBB2_2:
0x1f: {  	p1 =	sne.s32 s21, $0x9E00;
	[tilespmem:s20+$0x5270] =	vst v1  }
0x20: {  	[tilespmem:s20+$0x5200] =	vst v1  }
0x21: {  	[tilespmem:s20+$0x5210] =	vst v1  }
.Ltmp0:
0x22: {  	[tilespmem:s20+$0x5220] =	vst v1;
	(pc) =	sbr.rel @p1 .LBB2_2-.Ltmp0, $4  }
0x23: {  	[tilespmem:s20+$0x5230] =	vst v1  }
0x24: {  	[tilespmem:s20+$0x5240] =	vst v1  }
0x25: {  	[tilespmem:s20+$0x5250] =	vst v1  }
0x26: {  	[tilespmem:s20+$0x5260] =	vst v1;
	s20 =	sshra.s32 s21, $0x2;
	s21 =	sadd.s32 $0x200, s21  }
0x27: {  	[tilespmem:s20+$0x5270] =	vst v1  }
0x28: {  	[tilespmem:s20+$0x5200] =	vst v1  }
0x29: {  	[tilespmem:s20+$0x5210] =	vst v1  }
0x2a: {  	[tilespmem:s20+$0x5220] =	vst v1  }
0x2b: {  	[tilespmem:s20+$0x5230] =	vst v1  }
0x2c: {  	[tilespmem:s20+$0x5240] =	vst v1  }
0x2d: {  	[tilespmem:s20+$0x5250] =	vst v1  }
0x2e: {  	[tilespmem:s20+$0x5260] =	vst v1  }
0x2f: {  	[spmem:s8] =	stream.linear.scatter [tilespmem:s25], [sflag:$0x3], $0x2800, $0x38;
	[tilespmem:$0x1B280] =	vst v63  }
0x30: {  	_ =	swait.ge [sflag:s26], $0x2800  }
0x31: {  	[sflag:s26] =	ssyncset.done $0x0  }
0x32: {  	[sflag:s26] =	ssyncadd.s32 $0xFFFFD800  }
0x33: {  	[spmem:s9] =	stream.linear.scatter [tilespmem:s25], [sflag:$0x3], $0x2800, $0x38;
	[tilespmem:$0x1B280] =	vst v63  }
0x34: {  	_ =	swait.ge [sflag:s26], $0x2800  }
0x35: {  	[sflag:s26] =	ssyncset.done $0x0  }
0x36: {  	[sflag:s26] =	ssyncadd.s32 $0xFFFFD800  }
0x37: {  	[spmem:s10] =	stream.linear.scatter [tilespmem:s25], [sflag:$0x3], $0x2800, $0x38;
	[tilespmem:$0x1B280] =	vst v63  }
0x38: {  	_ =	swait.ge [sflag:s26], $0x2800  }
0x39: {  	[sflag:s26] =	ssyncset.done $0x0  }
0x3a: {  	[sflag:s26] =	ssyncadd.s32 $0xFFFFD800  }
0x3b: {  	[spmem:s11] =	stream.linear.scatter [tilespmem:s25], [sflag:$0x3], $0x2800, $0x38;
	[tilespmem:$0x1B280] =	vst v63  }
0x3c: {  	_ =	swait.ge [sflag:s26], $0x2800  }
0x3d: {  	[sflag:s26] =	ssyncset.done $0x0  }
0x3e: {  	[sflag:s26] =	ssyncadd.s32 $0xFFFFD800  }
0x3f: {  	[spmem:s12] =	stream.linear.scatter [tilespmem:s25], [sflag:$0x3], $0x2800, $0x38;
	[tilespmem:$0x1B280] =	vst v63  }
0x40: {  	_ =	swait.ge [sflag:s26], $0x2800  }
0x41: {  	[sflag:s26] =	ssyncset.done $0x0  }
0x42: {  	[sflag:s26] =	ssyncadd.s32 $0xFFFFD800  }
0x43: {  	[spmem:s13] =	stream.linear.scatter [tilespmem:s25], [sflag:$0x3], $0x2800, $0x38;
	[tilespmem:$0x1B280] =	vst v63  }
0x44: {  	_ =	swait.ge [sflag:s26], $0x2800  }
0x45: {  	[sflag:s26] =	ssyncset.done $0x0  }
0x46: {  	[sflag:s26] =	ssyncadd.s32 $0xFFFFD800  }
0x47: {  	[spmem:s14] =	stream.linear.scatter [tilespmem:s25], [sflag:$0x3], $0x2800, $0x38;
	[tilespmem:$0x1B280] =	vst v63  }
0x48: {  	_ =	swait.ge [sflag:s26], $0x2800  }
0x49: {  	[sflag:s26] =	ssyncset.done $0x0  }
0x4a: {  	[sflag:s26] =	ssyncadd.s32 $0xFFFFD800  }
0x4b: {  	[spmem:s4] =	stream.linear.scatter [tilespmem:s25], [sflag:$0x3], $0x2000, $0x38;
	[tilespmem:$0x1B280] =	vst v63  }
0x4c: {  	_ =	swait.ge [sflag:s26], $0x2000  }
0x4d: {  	[sflag:s26] =	ssyncset.done $0x0  }
0x4e: {  	s20 =	simm.s32 @!p0 $0x5200;
	[sflag:s26] =	ssyncadd.s32 $0xFFFFE000  }
0x4f: {  	[spmem:s5] =	stream.linear.scatter @!p0 [tilespmem:s20], [sflag:$0x3], $0x800, $0x38;
	[tilespmem:$0x1B280] =	vst v63  }
0x50: {  	s20 =	simm.s32 @!p0 $0x3  }
0x51: {  	_ =	swait.ge @!p0 [sflag:s20], $0x800  }
0x52: {  	[sflag:s20] =	ssyncset.done @!p0 $0x0  }
0x53: {  	[sflag:s20] =	ssyncadd.s32 @!p0 $0xFFFFF800  }
0x54: {  	s22 =	sadd.s32 $0x0, s16;
	[bflag:$0x0] =	sbarrier.arrive $0xFFFF  }
0x55: {  	[tilespmem:s2], [sflag:$0x3] =	stream.linear.gather [hbm4b:s22+s2], $0x50, $0x38;
	[tilespmem:$0x1B280] =	vst v63  }
0x56: {  	_ =	swait.ge [sflag:s26], $0x50  }
0x57: {  	[sflag:s26] =	ssyncset.done $0x0  }
0x58: {  	s21 =	sadd.s32 $0x0, s15;
	[sflag:s26] =	ssyncadd.s32 $0xFFFFFFB0  }
0x59: {  	[tilespmem:s28], [sflag:$0x3] =	stream.linear.gather [hbm4b:s21+s2], $0x50, $0x38;
	[tilespmem:$0x1B280] =	vst v63  }
0x5a: {  	_ =	swait.ge [sflag:s26], $0x50  }
0x5b: {  	[sflag:s26] =	ssyncset.done $0x0  }
0x5c: {  	[sflag:s26] =	ssyncadd.s32 $0xFFFFFFB0  }
0x5d: {  	v2 =	vld [tilespmem:$0x40]  }
0x5e: {  	v3 =	vld [tilespmem:$0x20]  }
0x5f: {  	v4 =	vld [tilespmem:$0x10]  }
0x60: {  	v5 =	vld [tilespmem:$0x0]  }
0x61: {  	v6 =	vld [tilespmem:$0x30]  }
0x62: {  	v2 =	vadd.s32 v0, v2  }
0x63: {  	v3 =	vadd.s32 v0, v3;
	[tilespmem:$0x40] =	vst v2  }
0x64: {  	v2 =	vadd.s32 v0, v4;
	[tilespmem:$0x20] =	vst v3  }
0x65: {  	v3 =	vadd.s32 v0, v5;
	[tilespmem:$0x10] =	vst v2  }
0x66: {  	[tilespmem:$0x0] =	vst v3;
	v2 =	vadd.s32 v0, v6  }
0x67: {  	[tilespmem:$0x30] =	vst v2  }
0x68: {  	[tilespmem:s30], [sflag:$0x1] =	stream.indirect.gather [hbm4b:s3+s29], $0x80, s2, s29, $0xb8;
	[tilespmem:$0x1B280] =	vst v63  }
0x69: {  	s20 =	sadd.s32 $0xA, s22  }
0x6a: {  	[tilespmem:s31], [sflag:$0x3] =	stream.linear.gather [hbm4b:s20+s2], $0x50, $0x38;
	[tilespmem:$0x1B280] =	vst v63  }
0x6b: {  	_ =	swait.ge [sflag:s26], $0x50  }
0x6c: {  	[sflag:s26] =	ssyncset.done $0x0  }
0x6d: {  	s23 =	sadd.s32 $0xA, s21;
	[sflag:s26] =	ssyncadd.s32 $0xFFFFFFB0  }
0x6e: {  	[tilespmem:s0], [sflag:$0x3] =	stream.linear.gather [hbm4b:s23+s2], $0x50, $0x38;
	[tilespmem:$0x1B280] =	vst v63  }
0x6f: {  	_ =	swait.ge [sflag:s26], $0x50  }
0x70: {  	[sflag:s26] =	ssyncset.done $0x0  }
0x71: {  	[sflag:s26] =	ssyncadd.s32 $0xFFFFFFB0  }
0x72: {  	v2 =	vld [tilespmem:$0x140]  }
0x73: {  	v3 =	vld [tilespmem:$0x130]  }
0x74: {  	v61 =	vld [tilespmem:$0x110]  }
0x75: {  	v62 =	vld [tilespmem:$0x100]  }
0x76: {  	v63 =	vld [tilespmem:$0x120]  }
0x77: {  	v2 =	vadd.s32 v0, v2  }
0x78: {  	v3 =	vadd.s32 v0, v3;
	[tilespmem:$0x140] =	vst v2  }
0x79: {  	v2 =	vadd.s32 v0, v61;
	[tilespmem:$0x130] =	vst v3  }
0x7a: {  	v3 =	vadd.s32 v0, v62;
	[tilespmem:$0x110] =	vst v2  }
0x7b: {  	[tilespmem:$0x100] =	vst v3;
	v2 =	vadd.s32 v0, v63  }
0x7c: {  	[tilespmem:$0x120] =	vst v2  }
0x7d: {  	[tilespmem:s7], [sflag:$0x2] =	stream.indirect.gather [hbm4b:s3+s29], $0x80, s31, s29, $0xb8;
	[tilespmem:$0x1B280] =	vst v63  }
0x7e: {  	_ =	swait.ge [sflag:s17], $0x2800  }
0x7f: {  	[sflag:s17] =	ssyncset.done $0x0  }
0x80: {  	[sflag:s17] =	ssyncadd.s32 $0xFFFFD800  }
0x81: {  	[spmem:s1] =	stream.indirect.scatter.add.f32 [tilespmem:s30], [sflag:$0x3], $0x80, s28, s29, $0xb8;
	[tilespmem:$0x1B280] =	vst v63  }
0x82: {  	s20 =	simm.s32 $0x14;
	_ =	swait.ge [sflag:s26], $0x2800  }
.LBB2_4:
0x83: {  	p1 =	sne.s32 s20, $0x9B0  }
0x84: {  	[sflag:s26] =	ssyncset.done $0x0;
	s21 =	smov.u32 s20;
	s20 =	sadd.s32 $0x14, s20  }
0x85: {  	[sflag:s26] =	ssyncadd.s32 $0xFFFFD800  }
0x86: {  	_ =	swait.ge [sflag:s18], $0x2800  }
0x87: {  	[sflag:s18] =	ssyncset.done $0x0  }
0x88: {  	[sflag:s18] =	ssyncadd.s32 $0xFFFFD800  }
0x89: {  	[spmem:s1] =	stream.indirect.scatter.add.f32 [tilespmem:s7], [sflag:$0x3], $0x80, s0, s29, $0xb8;
	[tilespmem:$0x1B280] =	vst v63  }
0x8a: {  	_ =	swait.ge [sflag:s26], $0x2800  }
0x8b: {  	[sflag:s26] =	ssyncset.done $0x0  }
0x8c: {  	s22 =	sadd.s32 s21, s16;
	[sflag:s26] =	ssyncadd.s32 $0xFFFFD800  }
0x8d: {  	[tilespmem:s2], [sflag:$0x3] =	stream.linear.gather [hbm4b:s22+s2], $0x50, $0x38;
	[tilespmem:$0x1B280] =	vst v63  }
0x8e: {  	_ =	swait.ge [sflag:s26], $0x50  }
0x8f: {  	[sflag:s26] =	ssyncset.done $0x0  }
0x90: {  	s21 =	sadd.s32 s21, s15;
	[sflag:s26] =	ssyncadd.s32 $0xFFFFFFB0  }
0x91: {  	[tilespmem:s28], [sflag:$0x3] =	stream.linear.gather [hbm4b:s21+s2], $0x50, $0x38;
	[tilespmem:$0x1B280] =	vst v63  }
0x92: {  	_ =	swait.ge [sflag:s26], $0x50  }
0x93: {  	[sflag:s26] =	ssyncset.done $0x0  }
0x94: {  	[sflag:s26] =	ssyncadd.s32 $0xFFFFFFB0  }
0x95: {  	v2 =	vld [tilespmem:$0x40]  }
0x96: {  	v3 =	vld [tilespmem:$0x20]  }
0x97: {  	v4 =	vld [tilespmem:$0x10]  }
0x98: {  	v5 =	vld [tilespmem:$0x0]  }
0x99: {  	v6 =	vld [tilespmem:$0x30]  }
0x9a: {  	v2 =	vadd.s32 v0, v2  }
0x9b: {  	v3 =	vadd.s32 v0, v3;
	[tilespmem:$0x40] =	vst v2  }
0x9c: {  	v2 =	vadd.s32 v0, v4;
	[tilespmem:$0x20] =	vst v3  }
0x9d: {  	v3 =	vadd.s32 v0, v5;
	[tilespmem:$0x10] =	vst v2  }
0x9e: {  	[tilespmem:$0x0] =	vst v3;
	v2 =	vadd.s32 v0, v6  }
0x9f: {  	[tilespmem:$0x30] =	vst v2  }
0xa0: {  	[tilespmem:s30], [sflag:$0x1] =	stream.indirect.gather [hbm4b:s3+s29], $0x80, s2, s29, $0xb8;
	[tilespmem:$0x1B280] =	vst v63  }
0xa1: {  	s22 =	sadd.s32 $0xA, s22  }
0xa2: {  	[tilespmem:s31], [sflag:$0x3] =	stream.linear.gather [hbm4b:s22+s2], $0x50, $0x38;
	[tilespmem:$0x1B280] =	vst v63  }
0xa3: {  	_ =	swait.ge [sflag:s26], $0x50  }
0xa4: {  	[sflag:s26] =	ssyncset.done $0x0  }
0xa5: {  	s21 =	sadd.s32 $0xA, s21;
	[sflag:s26] =	ssyncadd.s32 $0xFFFFFFB0  }
0xa6: {  	[tilespmem:s0], [sflag:$0x3] =	stream.linear.gather [hbm4b:s21+s2], $0x50, $0x38;
	[tilespmem:$0x1B280] =	vst v63  }
0xa7: {  	_ =	swait.ge [sflag:s26], $0x50  }
0xa8: {  	[sflag:s26] =	ssyncset.done $0x0  }
0xa9: {  	[sflag:s26] =	ssyncadd.s32 $0xFFFFFFB0  }
0xaa: {  	v2 =	vld [tilespmem:$0x140]  }
0xab: {  	v3 =	vld [tilespmem:$0x130]  }
0xac: {  	v4 =	vld [tilespmem:$0x110]  }
0xad: {  	v5 =	vld [tilespmem:$0x100]  }
0xae: {  	v6 =	vld [tilespmem:$0x120]  }
0xaf: {  	v2 =	vadd.s32 v0, v2  }
0xb0: {  	v3 =	vadd.s32 v0, v3;
	[tilespmem:$0x140] =	vst v2  }
0xb1: {  	v2 =	vadd.s32 v0, v4;
	[tilespmem:$0x130] =	vst v3  }
0xb2: {  	v3 =	vadd.s32 v0, v5;
	[tilespmem:$0x110] =	vst v2  }
0xb3: {  	[tilespmem:$0x100] =	vst v3;
	v2 =	vadd.s32 v0, v6  }
0xb4: {  	[tilespmem:$0x120] =	vst v2  }
0xb5: {  	[tilespmem:s7], [sflag:$0x2] =	stream.indirect.gather [hbm4b:s3+s29], $0x80, s31, s29, $0xb8;
	[tilespmem:$0x1B280] =	vst v63  }
.Ltmp1:
0xb6: {  	_ =	swait.ge [sflag:s17], $0x2800;
	(pc) =	sbr.rel @p1 .LBB2_4-.Ltmp1, $4  }
0xb7: {  	[sflag:s17] =	ssyncset.done $0x0  }
0xb8: {  	[sflag:s17] =	ssyncadd.s32 $0xFFFFD800  }
0xb9: {  	[spmem:s1] =	stream.indirect.scatter.add.f32 [tilespmem:s30], [sflag:$0x3], $0x80, s28, s29, $0xb8;
	[tilespmem:$0x1B280] =	vst v63  }
0xba: {  	_ =	swait.ge [sflag:s26], $0x2800  }
0xbb: {  	[sflag:s26] =	ssyncset.done $0x0  }
0xbc: {  	[sflag:s26] =	ssyncadd.s32 $0xFFFFD800  }
0xbd: {  	_ =	swait.ge [sflag:s18], $0x2800  }
0xbe: {  	[sflag:s18] =	ssyncset.done $0x0  }
0xbf: {  	[sflag:s18] =	ssyncadd.s32 $0xFFFFD800  }
0xc0: {  	[spmem:s1] =	stream.indirect.scatter.add.f32 [tilespmem:s7], [sflag:$0x3], $0x80, s0, s29, $0xb8;
	[tilespmem:$0x1B280] =	vst v63  }
0xc1: {  	_ =	swait.ge [sflag:s26], $0x2800  }
0xc2: {  	[sflag:s26] =	ssyncset.done $0x0  }
0xc3: {  	[sflag:s26] =	ssyncadd.s32 $0xFFFFD800  }
0xc4: {  	[bflag:$0x0] =	sbarrier.arrive $0xFFFF  }
0xc5: {  	[tilespmem:s25], [sflag:$0x3] =	stream.linear.gather [spmem:s8], $0x2800, $0x38;
	[tilespmem:$0x1B280] =	vst v63  }
0xc6: {  	_ =	swait.ge [sflag:s26], $0x2800  }
0xc7: {  	[sflag:s26] =	ssyncset.done $0x0  }
0xc8: {  	s20 =	rddreg [dreg:$0x4];
	[sflag:s26] =	ssyncadd.s32 $0xFFFFD800  }
0xc9: {  	[hbm4b:s20+s2] =	stream.linear.scatter [tilespmem:s25], [sflag:$0x3], $0x2800, $0x38;
	[tilespmem:$0x1B280] =	vst v63  }
0xca: {  	_ =	swait.ge [sflag:s26], $0x2800  }
0xcb: {  	[sflag:s26] =	ssyncset.done $0x0  }
0xcc: {  	[sflag:s26] =	ssyncadd.s32 $0xFFFFD800  }
0xcd: {  	[tilespmem:s25], [sflag:$0x3] =	stream.linear.gather [spmem:s9], $0x2800, $0x38;
	[tilespmem:$0x1B280] =	vst v63  }
0xce: {  	_ =	swait.ge [sflag:s26], $0x2800  }
0xcf: {  	[sflag:s26] =	ssyncset.done $0x0  }
0xd0: {  	s23 =	rddreg [dreg:$0x5];
	[sflag:s26] =	ssyncadd.s32 $0xFFFFD800  }
0xd1: {  	[hbm4b:s23+s2] =	stream.linear.scatter [tilespmem:s25], [sflag:$0x3], $0x2800, $0x38;
	[tilespmem:$0x1B280] =	vst v63  }
0xd2: {  	_ =	swait.ge [sflag:s26], $0x2800  }
0xd3: {  	[sflag:s26] =	ssyncset.done $0x0  }
0xd4: {  	[sflag:s26] =	ssyncadd.s32 $0xFFFFD800  }
0xd5: {  	[tilespmem:s25], [sflag:$0x3] =	stream.linear.gather [spmem:s10], $0x2800, $0x38;
	[tilespmem:$0x1B280] =	vst v63  }
0xd6: {  	_ =	swait.ge [sflag:s26], $0x2800  }
0xd7: {  	[sflag:s26] =	ssyncset.done $0x0  }
0xd8: {  	s21 =	rddreg [dreg:$0x6];
	[sflag:s26] =	ssyncadd.s32 $0xFFFFD800  }
0xd9: {  	[hbm4b:s21+s2] =	stream.linear.scatter [tilespmem:s25], [sflag:$0x3], $0x2800, $0x38;
	[tilespmem:$0x1B280] =	vst v63  }
0xda: {  	_ =	swait.ge [sflag:s26], $0x2800  }
0xdb: {  	[sflag:s26] =	ssyncset.done $0x0  }
0xdc: {  	[sflag:s26] =	ssyncadd.s32 $0xFFFFD800  }
0xdd: {  	[tilespmem:s25], [sflag:$0x3] =	stream.linear.gather [spmem:s11], $0x2800, $0x38;
	[tilespmem:$0x1B280] =	vst v63  }
0xde: {  	_ =	swait.ge [sflag:s26], $0x2800  }
0xdf: {  	[sflag:s26] =	ssyncset.done $0x0  }
0xe0: {  	s22 =	rddreg [dreg:$0x7];
	[sflag:s26] =	ssyncadd.s32 $0xFFFFD800  }
0xe1: {  	[hbm4b:s22+s2] =	stream.linear.scatter [tilespmem:s25], [sflag:$0x3], $0x2800, $0x38;
	[tilespmem:$0x1B280] =	vst v63  }
0xe2: {  	_ =	swait.ge [sflag:s26], $0x2800  }
0xe3: {  	[sflag:s26] =	ssyncset.done $0x0  }
0xe4: {  	[sflag:s26] =	ssyncadd.s32 $0xFFFFD800  }
0xe5: {  	[tilespmem:s25], [sflag:$0x3] =	stream.linear.gather [spmem:s12], $0x2800, $0x38;
	[tilespmem:$0x1B280] =	vst v63  }
0xe6: {  	_ =	swait.ge [sflag:s26], $0x2800  }
0xe7: {  	[sflag:s26] =	ssyncset.done $0x0  }
0xe8: {  	s23 =	rddreg [dreg:$0x8];
	[sflag:s26] =	ssyncadd.s32 $0xFFFFD800  }
0xe9: {  	[hbm4b:s23+s2] =	stream.linear.scatter [tilespmem:s25], [sflag:$0x3], $0x2800, $0x38;
	[tilespmem:$0x1B280] =	vst v63  }
0xea: {  	_ =	swait.ge [sflag:s26], $0x2800  }
0xeb: {  	[sflag:s26] =	ssyncset.done $0x0  }
0xec: {  	[sflag:s26] =	ssyncadd.s32 $0xFFFFD800  }
0xed: {  	[tilespmem:s25], [sflag:$0x3] =	stream.linear.gather [spmem:s13], $0x2800, $0x38;
	[tilespmem:$0x1B280] =	vst v63  }
0xee: {  	_ =	swait.ge [sflag:s26], $0x2800  }
0xef: {  	[sflag:s26] =	ssyncset.done $0x0  }
0xf0: {  	s21 =	rddreg [dreg:$0x9];
	[sflag:s26] =	ssyncadd.s32 $0xFFFFD800  }
0xf1: {  	[hbm4b:s21+s2] =	stream.linear.scatter [tilespmem:s25], [sflag:$0x3], $0x2800, $0x38;
	[tilespmem:$0x1B280] =	vst v63  }
0xf2: {  	_ =	swait.ge [sflag:s26], $0x2800  }
0xf3: {  	[sflag:s26] =	ssyncset.done $0x0  }
0xf4: {  	[sflag:s26] =	ssyncadd.s32 $0xFFFFD800  }
0xf5: {  	[tilespmem:s25], [sflag:$0x3] =	stream.linear.gather [spmem:s14], $0x2800, $0x38;
	[tilespmem:$0x1B280] =	vst v63  }
0xf6: {  	_ =	swait.ge [sflag:s26], $0x2800  }
0xf7: {  	[sflag:s26] =	ssyncset.done $0x0  }
0xf8: {  	s22 =	rddreg [dreg:$0xa];
	[sflag:s26] =	ssyncadd.s32 $0xFFFFD800  }
0xf9: {  	[hbm4b:s22+s2] =	stream.linear.scatter [tilespmem:s25], [sflag:$0x3], $0x2800, $0x38;
	[tilespmem:$0x1B280] =	vst v63  }
0xfa: {  	_ =	swait.ge [sflag:s26], $0x2800  }
0xfb: {  	[sflag:s26] =	ssyncset.done $0x0  }
0xfc: {  	[sflag:s26] =	ssyncadd.s32 $0xFFFFD800  }
0xfd: {  	[tilespmem:s25], [sflag:$0x3] =	stream.linear.gather [spmem:s4], $0x2000, $0x38;
	[tilespmem:$0x1B280] =	vst v63  }
0xfe: {  	_ =	swait.ge [sflag:s26], $0x2000  }
0xff: {  	[sflag:s26] =	ssyncset.done $0x0  }
0x100: {  	[sflag:s26] =	ssyncadd.s32 $0xFFFFE000  }
0x101: {  	[hbm4b:s24+s2] =	stream.linear.scatter [tilespmem:s25], [sflag:$0x3], $0x2000, $0x38;
	[tilespmem:$0x1B280] =	vst v63  }
0x102: {  	_ =	swait.ge [sflag:s26], $0x2000  }
0x103: {  	[sflag:s26] =	ssyncset.done $0x0  }
0x104: {  	s20 =	simm.s32 @!p0 $0x5200;
	s21 =	simm.s32 @!p0 $0x3;
	[sflag:s26] =	ssyncadd.s32 $0xFFFFE000  }
0x105: {  	[tilespmem:s20], [sflag:$0x3] =	stream.linear.gather @!p0 [spmem:s5], $0x800, $0x38;
	[tilespmem:$0x1B280] =	vst v63  }
0x106: {  	_ =	swait.ge @!p0 [sflag:s21], $0x800  }
0x107: {  	[sflag:s21] =	ssyncset.done @!p0 $0x0  }
0x108: {  	s23 =	simm.s32 @!p0 $0x0;
	s22 =	sadd.s32 @!p0 $0x27000, s6;
	[sflag:s21] =	ssyncadd.s32 @!p0 $0xFFFFF800  }
0x109: {  	[hbm4b:s22+s23] =	stream.linear.scatter @!p0 [tilespmem:s20], [sflag:$0x3], $0x800, $0x38;
	[tilespmem:$0x1B280] =	vst v63  }
0x10a: {  	_ =	swait.ge @!p0 [sflag:s21], $0x800  }
0x10b: {  	s19 =	sadd.s32 $0x1, s19;
	s23 =	rddreg [dreg:$0x3]  }
0x10c: {  	p1 =	sne.s32 s19, s23  }
.Ltmp2:
0x10d: {  	_ = 	snop;
	(pc) =	sbr.rel @p1 .LBB2_1-.Ltmp2, $3  }
0x10e: {  	_ =	sdelay $0x1  }
0x10f: {  	[sflag:s21] =	ssyncset.done @!p0 $0x0  }
0x110: {  	[sflag:s21] =	ssyncadd.s32 @!p0 $0xFFFFF800  }
0x111: {  	_ =	sfence.sel $0x180000  }
0x112: {  	[bflag:$0x0] =	sbarrier.arrive $0xFFFF  }
0x113: {  	_ =	strace $0x9000004A  }
0x114: {  	[bflag:$0x2] =	sbarrier.arrive $0xFFFF  }
0x115: {  	s0 =	rddreg [dreg:$0x2]  }
0x116: {  	s0 =	sadd.s32 @!p0 $0x100000, s0  }
0x117: {  	[sflag:s0] =	ssyncadd.tile.s32 @!p0 $0x1;
	_ =	shalt  }
.Lfunc_end2:
_tile_overlayer_lowered:
.L_overlay_start_2:
0x118: {  	(tag) =	ssettag $0x2  }
0x119: {  	s0 =	rddreg [dreg:$0x0];
	s2 =	stileid.u32  }
0x11a: {  	s1 =	rddreg [dreg:$0x1];
	p0 =	sne.s32 s2, $0x0  }
0x11b: {  	s3 =	rddreg [dreg:$0x2];
	[bflag:$0x3] =	sbarrier.arrive $0xFFFF;
	s2 =	simm.s32 @!p0 $0x1C03  }
0x11c: {  	[timem:s3], [sflag:s2] =	dma.local @!p0 [hbm:s0], s1  }
0x11d: {  	s0 =	simm.s32 @!p0 $0x3  }
0x11e: {  	_ =	swait.ge @!p0 [sflag:s0], s1  }
0x11f: {  	s1 =	ssub.s32 @!p0 $0x0, s1;
	[sflag:s0] =	ssyncset.done @!p0 $0x0  }
0x120: {  	[sflag:s0] =	ssyncadd.s32 @!p0 s1  }
0x121: {  	[bflag:$0x3] =	sbarrier.arrive $0xFFFF  }
0x122: {  	_ =	shalt  }

</sc_bundles>
